<compile_context>
chip_gen: v7x
topology: tpu7x:2x2x1
jax: 0.10.2.dev20260603
libtpu: 0.0.44.dev20260713+nightly
codegen_flags: <defaults>
</compile_context>

<pallas_src>
import functools

import jax
import jax.numpy as jnp
from jax import lax
from jax.experimental import pallas as pl
from jax.experimental.pallas import tpu as pltpu
from jax.experimental.pallas import tpu_sc as plsc

N_PROP = 4096
N_PAIRS = 16384
INPUT_DIM = 512
EMBED_DIM = 300
GEO_DIM = 128
HIDDEN = 512
NUM_OBJ = 150
NUM_REL = 50

NC = 2
NS = 16
NW = NC * NS
MAT = N_PROP * N_PROP

_f32 = jnp.float32


def _prep_body(boxes, labels, table, w1, b1, w2, b2,
               gw_ps, gw_ss, gw_pd, gw_sd, a_out, b_out):
    b = boxes[...]
    x1 = b[:, 0:1]
    y1 = b[:, 1:2]
    x2 = b[:, 2:3]
    y2 = b[:, 3:4]
    w = x2 - x1 + 1.0
    h = y2 - y1 + 1.0
    x = x1 + 0.5 * w
    y = y1 + 0.5 * h
    cols = (w, h, x, y, x1, y1, x2, y2, w * h)
    acc = b1[...]
    for j, cj in enumerate(cols):
        acc = acc + cj * w1[j:j + 1, :]
    p1 = jnp.maximum(acc, 0.0)
    pos = jnp.dot(p1, w2[...], preferred_element_type=_f32) + b2[...]
    lab = labels[...]
    onehot = (lab == lax.broadcasted_iota(jnp.int32, (lab.shape[0], NUM_OBJ), 1)
              ).astype(_f32)
    sem = jnp.dot(onehot, table[...], preferred_element_type=_f32)
    rp = jnp.maximum(pos, 0.0)
    rs = jnp.maximum(sem, 0.0)
    a_f = (jnp.dot(rp, gw_ps[...], preferred_element_type=_f32) +
           jnp.dot(rs, gw_ss[...], preferred_element_type=_f32))
    b_f = (jnp.dot(rp, gw_pd[...], preferred_element_type=_f32) +
           jnp.dot(rs, gw_sd[...], preferred_element_type=_f32))
    a_out[...] = _pack_halves(a_f)
    b_out[...] = _pack_halves(b_f)


def _pack_halves(x):
    lo = lax.bitcast_convert_type(x[:, :HIDDEN // 2].astype(jnp.bfloat16),
                                  jnp.uint16).astype(jnp.uint32)
    hi = lax.bitcast_convert_type(x[:, HIDDEN // 2:].astype(jnp.bfloat16),
                                  jnp.uint16).astype(jnp.uint32)
    return lax.bitcast_convert_type((hi << 16) | lo, jnp.int32)


def _unpack_halves(w):
    u = lax.bitcast_convert_type(w, jnp.uint32)
    lo = lax.bitcast_convert_type((u & 0xFFFF).astype(jnp.uint16),
                                  jnp.bfloat16).astype(_f32)
    hi = lax.bitcast_convert_type((u >> 16).astype(jnp.uint16),
                                  jnp.bfloat16).astype(_f32)
    return jnp.concatenate([lo, hi], axis=1)


def _prep_call(boxes, labels, table, w1, b1, w2, b2, gw_ps, gw_ss, gw_pd, gw_sd):
    blk = 1024
    n_blk = N_PROP // blk
    row = lambda i: (i, 0)
    rep = lambda i: (0, 0)
    return pl.pallas_call(
        _prep_body,
        grid=(n_blk,),
        in_specs=[
            pl.BlockSpec((blk, 4), row),
            pl.BlockSpec((blk, 1), row),
            pl.BlockSpec((NUM_OBJ, EMBED_DIM), rep),
            pl.BlockSpec((9, GEO_DIM), rep),
            pl.BlockSpec((1, GEO_DIM), rep),
            pl.BlockSpec((GEO_DIM, GEO_DIM), rep),
            pl.BlockSpec((1, GEO_DIM), rep),
            pl.BlockSpec((GEO_DIM, HIDDEN), rep),
            pl.BlockSpec((EMBED_DIM, HIDDEN), rep),
            pl.BlockSpec((GEO_DIM, HIDDEN), rep),
            pl.BlockSpec((EMBED_DIM, HIDDEN), rep),
        ],
        out_specs=[pl.BlockSpec((blk, HIDDEN // 2), row),
                   pl.BlockSpec((blk, HIDDEN // 2), row)],
        out_shape=[jax.ShapeDtypeStruct((N_PROP, HIDDEN // 2), jnp.int32)] * 2,
    )(boxes, labels, table, w1, b1, w2, b2, gw_ps, gw_ss, gw_pd, gw_sd)


def _gather_body(src_hbm, dst_hbm, a_hbm, b_hbm, gs_hbm, gd_hbm,
                 idx0, idx1, rows0, rows1, is0, is1, os0, os1):
    wid = lax.axis_index("s") * NC + lax.axis_index("c")
    base = wid * (N_PAIRS // NW)
    idx_bufs = (idx0, idx1)
    row_bufs = (rows0, rows1)
    isems = (is0, is1)
    osems = (os0, os1)
    steps = ([(src_hbm, a_hbm, gs_hbm, j) for j in range(4)] +
             [(dst_hbm, b_hbm, gd_hbm, j) for j in range(4)])
    in_d = [None, None]
    out_d = [None, None]

    def fire(t):
        bi = t % 2
        if out_d[bi] is not None:
            out_d[bi].wait()
            out_d[bi] = None
        isrc, tbl, _, j = steps[t]
        pltpu.sync_copy(isrc.at[pl.ds(base + j * 128, 128)], idx_bufs[bi])
        in_d[bi] = pltpu.async_copy(tbl.at[idx_bufs[bi]], row_bufs[bi],
                                    isems[bi])

    fire(0)
    for t in range(len(steps)):
        if t + 1 < len(steps):
            fire(t + 1)
        bi = t % 2
        in_d[bi].wait()
        _, _, out, j = steps[t]
        out_d[bi] = pltpu.async_copy(
            row_bufs[bi], out.at[pl.ds(base + j * 128, 128)], osems[bi])
    for bi in range(2):
        if out_d[bi] is not None:
            out_d[bi].wait()


def _gather_call(src, dst, a, b):
    mesh = plsc.VectorSubcoreMesh(core_axis_name="c", subcore_axis_name="s",
                                  num_cores=NC, num_subcores=NS)
    f = functools.partial(
        pl.kernel, _gather_body,
        out_type=[jax.ShapeDtypeStruct((N_PAIRS, HIDDEN // 2), jnp.int32)] * 2,
        mesh=mesh,
        scratch_types=[
            pltpu.VMEM((128,), jnp.int32),
            pltpu.VMEM((128,), jnp.int32),
            pltpu.VMEM((128, HIDDEN // 2), jnp.int32),
            pltpu.VMEM((128, HIDDEN // 2), jnp.int32),
            pltpu.SemaphoreType.DMA,
            pltpu.SemaphoreType.DMA,
            pltpu.SemaphoreType.DMA,
            pltpu.SemaphoreType.DMA,
        ],
    )()
    return f(src, dst, a, b)


def _main_body(vis, gs, gd, vw, vb, gb, fgv, fgg, fbv, fbg, fwv, fwg, fb,
               cg, cb_ln, cw, cb, hw, hb, out_logits, out_scores):
    v = jnp.dot(jnp.maximum(vis[...], 0.0).astype(jnp.bfloat16), vw[...],
                preferred_element_type=_f32) + vb[...]
    g = _unpack_halves(gs[...]) + _unpack_halves(gd[...]) + gb[...]
    width = 2.0 * HIDDEN
    mu = (jnp.sum(v, axis=1, keepdims=True) +
          jnp.sum(g, axis=1, keepdims=True)) / width
    dv = v - mu
    dg = g - mu
    var = (jnp.sum(dv * dv, axis=1, keepdims=True) +
           jnp.sum(dg * dg, axis=1, keepdims=True)) / width
    inv = lax.rsqrt(var + 1e-5)
    nv = jnp.maximum(dv * inv * fgv[...] + fbv[...], 0.0).astype(jnp.bfloat16)
    ng = jnp.maximum(dg * inv * fgg[...] + fbg[...], 0.0).astype(jnp.bfloat16)
    h = (jnp.dot(nv, fwv[...], preferred_element_type=_f32) +
         jnp.dot(ng, fwg[...], preferred_element_type=_f32) + fb[...])
    mu2 = jnp.mean(h, axis=1, keepdims=True)
    dh = h - mu2
    var2 = jnp.mean(dh * dh, axis=1, keepdims=True)
    n2 = jnp.maximum(dh * lax.rsqrt(var2 + 1e-5) * cg[...] + cb_ln[...], 0.0)
    logits = jnp.dot(n2, cw[...], preferred_element_type=_f32) + cb[...]
    bin_l = jnp.dot(logits, hw[...], preferred_element_type=_f32) + hb[...]
    out_logits[...] = jnp.concatenate([logits, bin_l], axis=1)
    out_scores[...] = jax.nn.sigmoid(bin_l)


def _main_call(vis, gs, gd, vw, vb, gb, fgv, fgg, fbv, fbg, fwv, fwg, fb,
               cg, cb_ln, cw, cb, hw, hb):
    blk = 2048
    n_blk = N_PAIRS // blk
    row = lambda i: (i, 0)
    rep = lambda i: (0, 0)
    wide = lambda shape: pl.BlockSpec(shape, rep)
    return pl.pallas_call(
        _main_body,
        grid=(n_blk,),
        in_specs=[
            pl.BlockSpec((blk, INPUT_DIM), row),
            pl.BlockSpec((blk, HIDDEN // 2), row),
            pl.BlockSpec((blk, HIDDEN // 2), row),
            wide((INPUT_DIM, HIDDEN)),
            wide((1, HIDDEN)),
            wide((1, HIDDEN)),
            wide((1, HIDDEN)),
            wide((1, HIDDEN)),
            wide((1, HIDDEN)),
            wide((1, HIDDEN)),
            wide((HIDDEN, HIDDEN)),
            wide((HIDDEN, HIDDEN)),
            wide((1, HIDDEN)),
            wide((1, HIDDEN)),
            wide((1, HIDDEN)),
            wide((HIDDEN, NUM_REL)),
            wide((1, NUM_REL)),
            wide((NUM_REL, 1)),
            wide((1, 1)),
        ],
        out_specs=[pl.BlockSpec((blk, NUM_REL + 1), row),
                   pl.BlockSpec((blk, 1), row)],
        out_shape=[jax.ShapeDtypeStruct((N_PAIRS, NUM_REL + 1), _f32),
                   jax.ShapeDtypeStruct((N_PAIRS, 1), _f32)],
    )(vis, gs, gd, vw, vb, gb, fgv, fgg, fbv, fbg, fwv, fwg, fb,
      cg, cb_ln, cw, cb, hw, hb)


_TILE_Z = MAT // NW
_ZBUF = 32768
_ROWS_PER_TILE = 4


def _zero_body(out_hbm, zbuf, sem):
    wid = lax.axis_index("s") * NC + lax.axis_index("c")

    def _fill(i, _):
        zbuf[pl.ds(i * 16, 16)] = jnp.zeros((16,), _f32)
        return 0
    lax.fori_loop(0, _ZBUF // 16, _fill, 0)

    base0 = wid * _TILE_Z
    zcopies = [pltpu.async_copy(
        zbuf, out_hbm.at[pl.ds(base0 + k * _ZBUF, _ZBUF)], sem)
        for k in range(_TILE_Z // _ZBUF)]
    for cp in zcopies:
        cp.wait()


def _zero_call():
    mesh = plsc.VectorSubcoreMesh(core_axis_name="c", subcore_axis_name="s",
                                  num_cores=NC, num_subcores=NS)
    f = functools.partial(
        pl.kernel, _zero_body,
        out_type=jax.ShapeDtypeStruct((MAT,), _f32),
        mesh=mesh,
        scratch_types=[
            pltpu.VMEM((_ZBUF,), _f32),
            pltpu.SemaphoreType.DMA,
        ],
    )()
    return f()


def _scatter_body(src_hbm, dst_hbm, sco_hbm, mat_hbm,
                  srcv, dstv, valv, i0, i1, i2, i3, sem):
    idx_bufs = (i0, i1, i2, i3)
    wid = lax.axis_index("s") * NC + lax.axis_index("c")
    r0 = wid * _ROWS_PER_TILE
    pltpu.sync_copy(src_hbm.at[pl.ds(r0, _ROWS_PER_TILE)], srcv)
    pltpu.sync_copy(dst_hbm.at[pl.ds(r0, _ROWS_PER_TILE)], dstv)
    pltpu.sync_copy(sco_hbm.at[pl.ds(r0, _ROWS_PER_TILE)], valv)
    for r in range(_ROWS_PER_TILE):
        for k in range(8):
            sv = srcv[r, pl.ds(k * 16, 16)]
            dv = dstv[r, pl.ds(k * 16, 16)]
            idx_bufs[r][pl.ds(k * 16, 16)] = sv * N_PROP + dv
    copies = [pltpu.async_copy(valv.at[r], mat_hbm.at[idx_bufs[r]], sem)
              for r in range(_ROWS_PER_TILE)]
    for cp in copies:
        cp.wait()


def _scatter_call(src2, dst2, sco2, mat_ref):
    mesh = plsc.VectorSubcoreMesh(core_axis_name="c", subcore_axis_name="s",
                                  num_cores=NC, num_subcores=NS)
    f = functools.partial(
        pl.kernel, _scatter_body,
        out_type=(),
        mesh=mesh,
        scratch_types=[
            pltpu.VMEM((_ROWS_PER_TILE, 128), jnp.int32),
            pltpu.VMEM((_ROWS_PER_TILE, 128), jnp.int32),
            pltpu.VMEM((_ROWS_PER_TILE, 128), _f32),
        ] + [pltpu.VMEM((128,), jnp.int32)] * _ROWS_PER_TILE + [
            pltpu.SemaphoreType.DMA,
        ],
    )()
    f(src2, dst2, sco2, mat_ref)


def kernel(visual_feat, boxes, pred_labels, pair_idx, obj_sem_table,
           pos_W1, pos_b1, pos_W2, pos_b2, geo_W, geo_b, vis_W, vis_b,
           fus_g, fus_bln, fus_W, fus_b, cls_g, cls_bln, cls_W, cls_b,
           hyb_W, hyb_b):
    pair_idx = pair_idx.astype(jnp.int32)
    src = pair_idx[:, 0]
    dst = pair_idx[:, 1]
    labels = pred_labels.astype(jnp.int32).reshape(N_PROP, 1)

    gw_ps = geo_W[0:GEO_DIM]
    gw_ss = geo_W[GEO_DIM:GEO_DIM + EMBED_DIM]
    gw_pd = geo_W[GEO_DIM + EMBED_DIM:2 * GEO_DIM + EMBED_DIM]
    gw_sd = geo_W[2 * GEO_DIM + EMBED_DIM:]

    a_tab, b_tab = _prep_call(
        boxes, labels, obj_sem_table, pos_W1, pos_b1.reshape(1, -1),
        pos_W2, pos_b2.reshape(1, -1), gw_ps, gw_ss, gw_pd, gw_sd)

    gs, gd = _gather_call(src, dst, a_tab, b_tab)

    mat_ref = jax.new_ref(_zero_call())

    logits_out, scores = _main_call(
        visual_feat, gs, gd, vis_W.astype(jnp.bfloat16),
        vis_b.reshape(1, -1), geo_b.reshape(1, -1),
        fus_g[:HIDDEN].reshape(1, -1), fus_g[HIDDEN:].reshape(1, -1),
        fus_bln[:HIDDEN].reshape(1, -1), fus_bln[HIDDEN:].reshape(1, -1),
        fus_W[:HIDDEN].astype(jnp.bfloat16),
        fus_W[HIDDEN:].astype(jnp.bfloat16), fus_b.reshape(1, -1),
        cls_g.reshape(1, -1), cls_bln.reshape(1, -1), cls_W,
        cls_b.reshape(1, -1), hyb_W, hyb_b.reshape(1, 1))

    _scatter_call(src.reshape(128, 128), dst.reshape(128, 128),
                  scores.reshape(128, 128), mat_ref)
    mat = jax.freeze(mat_ref).reshape(N_PROP, N_PROP)
    return (logits_out, mat)

# --- scband reference (transcript-rebuilt; emitter-appended) ---
"""Pipeline reference for scband-rel-aware-rel-feature-31181462569561 (READ-ONLY COPY).

The authoritative reference and input builder live on the scoring server;
editing this copy changes nothing except your own understanding.
"""

import jax, jax.numpy as jnp
import numpy as np

N_PROP = 4096
N_PAIRS = 16384
INPUT_DIM = 512
EMBED_DIM = 300
GEO_DIM = 128
HIDDEN = 512
NUM_OBJ = 150
NUM_REL = 50


def _ln(x, g, b):
    mu = jnp.mean(x, axis=-1, keepdims=True)
    var = jnp.var(x, axis=-1, keepdims=True)
    return (x - mu) / jnp.sqrt(var + 1e-5) * g + b


def setup_inputs(seed: int = 0) -> dict:
    key = jax.random.key(seed)
    ks = jax.random.split(key, 24)
    s = 0.02
    inp = {}
    inp['visual_feat'] = jax.random.normal(ks[0], (N_PAIRS, INPUT_DIM), dtype=jnp.float32)
    inp['boxes'] = jax.random.uniform(ks[1], (N_PROP, 4), dtype=jnp.float32)
    inp['pred_labels'] = jax.random.randint(ks[2], (N_PROP,), 0, NUM_OBJ)
    inp['pair_idx'] = jax.random.randint(ks[3], (N_PAIRS, 2), 0, N_PROP)
    # learned parameters
    inp['obj_sem_table'] = jax.random.normal(ks[4], (NUM_OBJ, EMBED_DIM), dtype=jnp.float32) * s
    inp['pos_W1'] = jax.random.normal(ks[5], (9, GEO_DIM), dtype=jnp.float32) * s
    inp['pos_b1'] = jnp.zeros((GEO_DIM,), dtype=jnp.float32)
    inp['pos_W2'] = jax.random.normal(ks[6], (GEO_DIM, GEO_DIM), dtype=jnp.float32) * s
    inp['pos_b2'] = jnp.zeros((GEO_DIM,), dtype=jnp.float32)
    inp['geo_W'] = jax.random.normal(ks[7], (2 * EMBED_DIM + 2 * GEO_DIM, HIDDEN), dtype=jnp.float32) * s
    inp['geo_b'] = jnp.zeros((HIDDEN,), dtype=jnp.float32)
    inp['vis_W'] = jax.random.normal(ks[8], (INPUT_DIM, HIDDEN), dtype=jnp.float32) * s
    inp['vis_b'] = jnp.zeros((HIDDEN,), dtype=jnp.float32)
    inp['fus_g'] = jnp.ones((2 * HIDDEN,), dtype=jnp.float32)
    inp['fus_bln'] = jnp.zeros((2 * HIDDEN,), dtype=jnp.float32)
    inp['fus_W'] = jax.random.normal(ks[9], (2 * HIDDEN, HIDDEN), dtype=jnp.float32) * s
    inp['fus_b'] = jnp.zeros((HIDDEN,), dtype=jnp.float32)
    inp['cls_g'] = jnp.ones((HIDDEN,), dtype=jnp.float32)
    inp['cls_bln'] = jnp.zeros((HIDDEN,), dtype=jnp.float32)
    inp['cls_W'] = jax.random.normal(ks[10], (HIDDEN, NUM_REL), dtype=jnp.float32) * s
    inp['cls_b'] = jnp.zeros((NUM_REL,), dtype=jnp.float32)
    inp['hyb_W'] = jax.random.normal(ks[11], (NUM_REL, 1), dtype=jnp.float32) * s
    inp['hyb_b'] = jnp.zeros((1,), dtype=jnp.float32)
    return inp


def reference(visual_feat, boxes, pred_labels, pair_idx, obj_sem_table,
              pos_W1, pos_b1, pos_W2, pos_b2, geo_W, geo_b, vis_W, vis_b,
              fus_g, fus_bln, fus_W, fus_b, cls_g, cls_bln, cls_W, cls_b,
              hyb_W, hyb_b):
    wid = 1.0
    hei = 1.0
    # encode_box_info (single flattened image, size normalized to 1.0)
    wh = boxes[:, 2:] - boxes[:, :2] + 1.0
    xy = boxes[:, :2] + 0.5 * wh
    w = wh[:, 0:1]; h = wh[:, 1:2]
    x = xy[:, 0:1]; y = xy[:, 1:2]
    x1 = boxes[:, 0:1]; y1 = boxes[:, 1:2]; x2 = boxes[:, 2:3]; y2 = boxes[:, 3:4]
    info = jnp.concatenate([w / wid, h / hei, x / wid, y / hei,
                            x1 / wid, y1 / hei, x2 / wid, y2 / hei,
                            w * h / (wid * hei)], axis=-1)
    # obj_pos_embed: Linear -> ReLU -> Linear
    pos_embed = jax.nn.relu(info @ pos_W1 + pos_b1) @ pos_W2 + pos_b2
    # obj_sem_embed: embedding gather (pred_labels detached in torch)
    obj_sem = jnp.take(obj_sem_table, pred_labels, axis=0)
    src = pair_idx[:, 0]
    dst = pair_idx[:, 1]
    rel_pair_symb = jnp.concatenate([pos_embed[src], obj_sem[src], pos_embed[dst], obj_sem[dst]], axis=1)
    # proposal_box_feat_extract: ReLU -> Linear
    prop_pair_geo = jax.nn.relu(rel_pair_symb) @ geo_W + geo_b
    # vis_embed on detached visual features: ReLU -> Linear
    vis = jax.nn.relu(jax.lax.stop_gradient(visual_feat)) @ vis_W + vis_b
    # proposal_feat_fusion: LayerNorm -> ReLU -> Linear
    fused_in = jnp.concatenate([vis, prop_pair_geo], axis=1)
    rel_repre = jax.nn.relu(_ln(fused_in, fus_g, fus_bln)) @ fus_W + fus_b
    # proposal_relness_cls_fc: LayerNorm -> ReLU -> Linear
    relness_logits = jax.nn.relu(_ln(rel_repre, cls_g, cls_bln)) @ cls_W + cls_b
    # hybrid predictor head
    bin_logits = relness_logits @ hyb_W + hyb_b
    scores = jax.nn.sigmoid(bin_logits)[:, 0]
    # scatter-overwrite relness scores into the NxN pairwise relatedness matrix
    pred_rel_matrix = jnp.zeros((N_PROP, N_PROP), dtype=jnp.float32).at[src, dst].set(scores)
    relness_logits_out = jnp.concatenate([relness_logits, bin_logits], axis=1)
    return (relness_logits_out, pred_rel_matrix)

if __name__ == "__main__":
    import jax
    _d = setup_inputs()
    print(jax.jit(kernel)(*tuple(_d.values())))

</pallas_src>

<mosaic_0001>
#map = affine_map<(d0, d1) -> (0)>
#map1 = affine_map<(d0, d1) -> (0, 0)>
module attributes {stable_mosaic.version = 14 : i64} {
  func.func @_gather_body(%arg0: i32, %arg1: i32, %arg2: memref<16384xi32, #tpu.memory_space<hbm>>, %arg3: memref<16384xi32, #tpu.memory_space<hbm>>, %arg4: memref<4096x256xi32, #tpu.memory_space<hbm>>, %arg5: memref<4096x256xi32, #tpu.memory_space<hbm>>, %arg6: memref<16384x256xi32, #tpu.memory_space<hbm>>, %arg7: memref<16384x256xi32, #tpu.memory_space<hbm>>, %arg8: memref<128xi32, #tpu.memory_space<vmem>>, %arg9: memref<128xi32, #tpu.memory_space<vmem>>, %arg10: memref<128x256xi32, #tpu.memory_space<vmem>>, %arg11: memref<128x256xi32, #tpu.memory_space<vmem>>, %arg12: memref<!tpu.dma_semaphore, #tpu.memory_space<semaphore_mem>>, %arg13: memref<!tpu.dma_semaphore, #tpu.memory_space<semaphore_mem>>, %arg14: memref<!tpu.dma_semaphore, #tpu.memory_space<semaphore_mem>>, %arg15: memref<!tpu.dma_semaphore, #tpu.memory_space<semaphore_mem>>) attributes {dimension_semantics = [#tpu.dimension_semantics<core_parallel>, #tpu.dimension_semantics<subcore_parallel>], iteration_bounds = array<i64: 2, 16>, scalar_prefetch = 0 : i64, scratch_operands = 8 : i64, tpu.core_type = #tpu.core_type<sc_vector_subcore>, window_params = [{transform_indices = #map}, {transform_indices = #map}, {transform_indices = #map1}, {transform_indices = #map1}, {transform_indices = #map1}, {transform_indices = #map1}]} {
    %mul3A = arith.constant 2 : i32
    %mul3A_0 = arith.muli %arg1, %mul3A : i32
    %add3A = arith.addi %mul3A_0, %arg0 : i32
    %mul3A_1 = arith.constant 512 : i32
    %mul3A_2 = arith.muli %add3A, %mul3A_1 : i32
    %add3A_3 = arith.constant 0 : i32
    %add3A_4 = arith.addi %mul3A_2, %add3A_3 : i32
    "tpu.region"() ({
      %run_scoped3A = tpu.sem_alloc : memref<!tpu.dma_semaphore, #tpu.memory_space<semaphore_mem>>
      %dma_start3A_145 = tpu.memref_slice %arg2[%add3A_4] : memref<16384xi32, #tpu.memory_space<hbm>> -> memref<128xi32, #tpu.memory_space<hbm>>
      %dma_start3A_146 = tpu.memref_slice %arg2[%add3A_4] : memref<16384xi32, #tpu.memory_space<hbm>> -> memref<128xi32, #tpu.memory_space<hbm>>
      tpu.enqueue_dma source(%dma_start3A_146 : memref<128xi32, #tpu.memory_space<hbm>>) target(%arg8 : memref<128xi32, #tpu.memory_space<vmem>>) target_semaphore(%run_scoped3A : memref<!tpu.dma_semaphore, #tpu.memory_space<semaphore_mem>>)
      %dma_wait3A_147 = tpu.memref_slice %arg2[%add3A_4] : memref<16384xi32, #tpu.memory_space<hbm>> -> memref<128xi32, #tpu.memory_space<hbm>>
      %dma_wait3A_148 = tpu.memref_slice %arg2[%add3A_4] : memref<16384xi32, #tpu.memory_space<hbm>> -> memref<128xi32, #tpu.memory_space<hbm>>
      tpu.wait_dma2 semaphore(%run_scoped3A : memref<!tpu.dma_semaphore, #tpu.memory_space<semaphore_mem>>) src(%dma_wait3A_148 : memref<128xi32, #tpu.memory_space<hbm>>) dst(%arg8 : memref<128xi32, #tpu.memory_space<vmem>>)
      tpu.yield
    }) : () -> ()
    %dma_start3A = arith.constant 0 : i32
    %dma_start3A_5 = arith.constant 0 : i32
    %dma_start3A_6 = tpu.memref_slice %arg4[%dma_start3A, %dma_start3A_5] : memref<4096x256xi32, #tpu.memory_space<hbm>> -> memref<4096x256xi32, #tpu.memory_space<hbm>>
    tpu.enqueue_indirect_dma source(%dma_start3A_6 : memref<4096x256xi32, #tpu.memory_space<hbm>>) target(%arg10 : memref<128x256xi32, #tpu.memory_space<vmem>>) offsets(%arg8 : memref<128xi32, #tpu.memory_space<vmem>>) semaphore(%arg12 : memref<!tpu.dma_semaphore, #tpu.memory_space<semaphore_mem>>)
    %add3A_7 = arith.constant 128 : i32
    %add3A_8 = arith.addi %mul3A_2, %add3A_7 : i32
    "tpu.region"() ({
      %run_scoped3A = tpu.sem_alloc : memref<!tpu.dma_semaphore, #tpu.memory_space<semaphore_mem>>
      %dma_start3A_145 = tpu.memref_slice %arg2[%add3A_8] : memref<16384xi32, #tpu.memory_space<hbm>> -> memref<128xi32, #tpu.memory_space<hbm>>
      %dma_start3A_146 = tpu.memref_slice %arg2[%add3A_8] : memref<16384xi32, #tpu.memory_space<hbm>> -> memref<128xi32, #tpu.memory_space<hbm>>
      tpu.enqueue_dma source(%dma_start3A_146 : memref<128xi32, #tpu.memory_space<hbm>>) target(%arg9 : memref<128xi32, #tpu.memory_space<vmem>>) target_semaphore(%run_scoped3A : memref<!tpu.dma_semaphore, #tpu.memory_space<semaphore_mem>>)
      %dma_wait3A_147 = tpu.memref_slice %arg2[%add3A_8] : memref<16384xi32, #tpu.memory_space<hbm>> -> memref<128xi32, #tpu.memory_space<hbm>>
      %dma_wait3A_148 = tpu.memref_slice %arg2[%add3A_8] : memref<16384xi32, #tpu.memory_space<hbm>> -> memref<128xi32, #tpu.memory_space<hbm>>
      tpu.wait_dma2 semaphore(%run_scoped3A : memref<!tpu.dma_semaphore, #tpu.memory_space<semaphore_mem>>) src(%dma_wait3A_148 : memref<128xi32, #tpu.memory_space<hbm>>) dst(%arg9 : memref<128xi32, #tpu.memory_space<vmem>>)
      tpu.yield
    }) : () -> ()
    %dma_start3A_9 = arith.constant 0 : i32
    %dma_start3A_10 = arith.constant 0 : i32
    %dma_start3A_11 = tpu.memref_slice %arg4[%dma_start3A_9, %dma_start3A_10] : memref<4096x256xi32, #tpu.memory_space<hbm>> -> memref<4096x256xi32, #tpu.memory_space<hbm>>
    tpu.enqueue_indirect_dma source(%dma_start3A_11 : memref<4096x256xi32, #tpu.memory_space<hbm>>) target(%arg11 : memref<128x256xi32, #tpu.memory_space<vmem>>) offsets(%arg9 : memref<128xi32, #tpu.memory_space<vmem>>) semaphore(%arg13 : memref<!tpu.dma_semaphore, #tpu.memory_space<semaphore_mem>>)
    %dma_wait3A = arith.constant 0 : i32
    %dma_wait3A_12 = arith.constant 0 : i32
    %dma_wait3A_13 = tpu.memref_slice %arg4[%dma_wait3A, %dma_wait3A_12] : memref<4096x256xi32, #tpu.memory_space<hbm>> -> memref<4096x256xi32, #tpu.memory_space<hbm>>
    tpu.wait_indirect_dma semaphore(%arg12 : memref<!tpu.dma_semaphore, #tpu.memory_space<semaphore_mem>>) src(%dma_wait3A_13 : memref<4096x256xi32, #tpu.memory_space<hbm>>) dst(%arg10 : memref<128x256xi32, #tpu.memory_space<vmem>>)
    %add3A_14 = arith.constant 0 : i32
    %add3A_15 = arith.addi %mul3A_2, %add3A_14 : i32
    %dma_start3A_16 = arith.constant 0 : i32
    %dma_start3A_17 = tpu.memref_slice %arg6[%add3A_15, %dma_start3A_16] : memref<16384x256xi32, #tpu.memory_space<hbm>> -> memref<128x256xi32, #tpu.memory_space<hbm>>
    %dma_start3A_18 = arith.constant 0 : i32
    %dma_start3A_19 = tpu.memref_slice %arg6[%add3A_15, %dma_start3A_18] : memref<16384x256xi32, #tpu.memory_space<hbm>> -> memref<128x256xi32, #tpu.memory_space<hbm>>
    tpu.enqueue_dma source(%arg10 : memref<128x256xi32, #tpu.memory_space<vmem>>) target(%dma_start3A_19 : memref<128x256xi32, #tpu.memory_space<hbm>>) target_semaphore(%arg14 : memref<!tpu.dma_semaphore, #tpu.memory_space<semaphore_mem>>)
    %dma_wait3A_20 = arith.constant 0 : i32
    %dma_wait3A_21 = tpu.memref_slice %arg6[%add3A_15, %dma_wait3A_20] : memref<16384x256xi32, #tpu.memory_space<hbm>> -> memref<128x256xi32, #tpu.memory_space<hbm>>
    %dma_wait3A_22 = arith.constant 0 : i32
    %dma_wait3A_23 = tpu.memref_slice %arg6[%add3A_15, %dma_wait3A_22] : memref<16384x256xi32, #tpu.memory_space<hbm>> -> memref<128x256xi32, #tpu.memory_space<hbm>>
    tpu.wait_dma2 semaphore(%arg14 : memref<!tpu.dma_semaphore, #tpu.memory_space<semaphore_mem>>) src(%arg10 : memref<128x256xi32, #tpu.memory_space<vmem>>) dst(%dma_wait3A_23 : memref<128x256xi32, #tpu.memory_space<hbm>>)
    %add3A_24 = arith.constant 256 : i32
    %add3A_25 = arith.addi %mul3A_2, %add3A_24 : i32
    "tpu.region"() ({
      %run_scoped3A = tpu.sem_alloc : memref<!tpu.dma_semaphore, #tpu.memory_space<semaphore_mem>>
      %dma_start3A_145 = tpu.memref_slice %arg2[%add3A_25] : memref<16384xi32, #tpu.memory_space<hbm>> -> memref<128xi32, #tpu.memory_space<hbm>>
      %dma_start3A_146 = tpu.memref_slice %arg2[%add3A_25] : memref<16384xi32, #tpu.memory_space<hbm>> -> memref<128xi32, #tpu.memory_space<hbm>>
      tpu.enqueue_dma source(%dma_start3A_146 : memref<128xi32, #tpu.memory_space<hbm>>) target(%arg8 : memref<128xi32, #tpu.memory_space<vmem>>) target_semaphore(%run_scoped3A : memref<!tpu.dma_semaphore, #tpu.memory_space<semaphore_mem>>)
      %dma_wait3A_147 = tpu.memref_slice %arg2[%add3A_25] : memref<16384xi32, #tpu.memory_space<hbm>> -> memref<128xi32, #tpu.memory_space<hbm>>
      %dma_wait3A_148 = tpu.memref_slice %arg2[%add3A_25] : memref<16384xi32, #tpu.memory_space<hbm>> -> memref<128xi32, #tpu.memory_space<hbm>>
      tpu.wait_dma2 semaphore(%run_scoped3A : memref<!tpu.dma_semaphore, #tpu.memory_space<semaphore_mem>>) src(%dma_wait3A_148 : memref<128xi32, #tpu.memory_space<hbm>>) dst(%arg8 : memref<128xi32, #tpu.memory_space<vmem>>)
      tpu.yield
    }) : () -> ()
    %dma_start3A_26 = arith.constant 0 : i32
    %dma_start3A_27 = arith.constant 0 : i32
    %dma_start3A_28 = tpu.memref_slice %arg4[%dma_start3A_26, %dma_start3A_27] : memref<4096x256xi32, #tpu.memory_space<hbm>> -> memref<4096x256xi32, #tpu.memory_space<hbm>>
    tpu.enqueue_indirect_dma source(%dma_start3A_28 : memref<4096x256xi32, #tpu.memory_space<hbm>>) target(%arg10 : memref<128x256xi32, #tpu.memory_space<vmem>>) offsets(%arg8 : memref<128xi32, #tpu.memory_space<vmem>>) semaphore(%arg12 : memref<!tpu.dma_semaphore, #tpu.memory_space<semaphore_mem>>)
    %dma_wait3A_29 = arith.constant 0 : i32
    %dma_wait3A_30 = arith.constant 0 : i32
    %dma_wait3A_31 = tpu.memref_slice %arg4[%dma_wait3A_29, %dma_wait3A_30] : memref<4096x256xi32, #tpu.memory_space<hbm>> -> memref<4096x256xi32, #tpu.memory_space<hbm>>
    tpu.wait_indirect_dma semaphore(%arg13 : memref<!tpu.dma_semaphore, #tpu.memory_space<semaphore_mem>>) src(%dma_wait3A_31 : memref<4096x256xi32, #tpu.memory_space<hbm>>) dst(%arg11 : memref<128x256xi32, #tpu.memory_space<vmem>>)
    %add3A_32 = arith.constant 128 : i32
    %add3A_33 = arith.addi %mul3A_2, %add3A_32 : i32
    %dma_start3A_34 = arith.constant 0 : i32
    %dma_start3A_35 = tpu.memref_slice %arg6[%add3A_33, %dma_start3A_34] : memref<16384x256xi32, #tpu.memory_space<hbm>> -> memref<128x256xi32, #tpu.memory_space<hbm>>
    %dma_start3A_36 = arith.constant 0 : i32
    %dma_start3A_37 = tpu.memref_slice %arg6[%add3A_33, %dma_start3A_36] : memref<16384x256xi32, #tpu.memory_space<hbm>> -> memref<128x256xi32, #tpu.memory_space<hbm>>
    tpu.enqueue_dma source(%arg11 : memref<128x256xi32, #tpu.memory_space<vmem>>) target(%dma_start3A_37 : memref<128x256xi32, #tpu.memory_space<hbm>>) target_semaphore(%arg15 : memref<!tpu.dma_semaphore, #tpu.memory_space<semaphore_mem>>)
    %dma_wait3A_38 = arith.constant 0 : i32
    %dma_wait3A_39 = tpu.memref_slice %arg6[%add3A_33, %dma_wait3A_38] : memref<16384x256xi32, #tpu.memory_space<hbm>> -> memref<128x256xi32, #tpu.memory_space<hbm>>
    %dma_wait3A_40 = arith.constant 0 : i32
    %dma_wait3A_41 = tpu.memref_slice %arg6[%add3A_33, %dma_wait3A_40] : memref<16384x256xi32, #tpu.memory_space<hbm>> -> memref<128x256xi32, #tpu.memory_space<hbm>>
    tpu.wait_dma2 semaphore(%arg15 : memref<!tpu.dma_semaphore, #tpu.memory_space<semaphore_mem>>) src(%arg11 : memref<128x256xi32, #tpu.memory_space<vmem>>) dst(%dma_wait3A_41 : memref<128x256xi32, #tpu.memory_space<hbm>>)
    %add3A_42 = arith.constant 384 : i32
    %add3A_43 = arith.addi %mul3A_2, %add3A_42 : i32
    "tpu.region"() ({
      %run_scoped3A = tpu.sem_alloc : memref<!tpu.dma_semaphore, #tpu.memory_space<semaphore_mem>>
      %dma_start3A_145 = tpu.memref_slice %arg2[%add3A_43] : memref<16384xi32, #tpu.memory_space<hbm>> -> memref<128xi32, #tpu.memory_space<hbm>>
      %dma_start3A_146 = tpu.memref_slice %arg2[%add3A_43] : memref<16384xi32, #tpu.memory_space<hbm>> -> memref<128xi32, #tpu.memory_space<hbm>>
      tpu.enqueue_dma source(%dma_start3A_146 : memref<128xi32, #tpu.memory_space<hbm>>) target(%arg9 : memref<128xi32, #tpu.memory_space<vmem>>) target_semaphore(%run_scoped3A : memref<!tpu.dma_semaphore, #tpu.memory_space<semaphore_mem>>)
      %dma_wait3A_147 = tpu.memref_slice %arg2[%add3A_43] : memref<16384xi32, #tpu.memory_space<hbm>> -> memref<128xi32, #tpu.memory_space<hbm>>
      %dma_wait3A_148 = tpu.memref_slice %arg2[%add3A_43] : memref<16384xi32, #tpu.memory_space<hbm>> -> memref<128xi32, #tpu.memory_space<hbm>>
      tpu.wait_dma2 semaphore(%run_scoped3A : memref<!tpu.dma_semaphore, #tpu.memory_space<semaphore_mem>>) src(%dma_wait3A_148 : memref<128xi32, #tpu.memory_space<hbm>>) dst(%arg9 : memref<128xi32, #tpu.memory_space<vmem>>)
      tpu.yield
    }) : () -> ()
    %dma_start3A_44 = arith.constant 0 : i32
    %dma_start3A_45 = arith.constant 0 : i32
    %dma_start3A_46 = tpu.memref_slice %arg4[%dma_start3A_44, %dma_start3A_45] : memref<4096x256xi32, #tpu.memory_space<hbm>> -> memref<4096x256xi32, #tpu.memory_space<hbm>>
    tpu.enqueue_indirect_dma source(%dma_start3A_46 : memref<4096x256xi32, #tpu.memory_space<hbm>>) target(%arg11 : memref<128x256xi32, #tpu.memory_space<vmem>>) offsets(%arg9 : memref<128xi32, #tpu.memory_space<vmem>>) semaphore(%arg13 : memref<!tpu.dma_semaphore, #tpu.memory_space<semaphore_mem>>)
    %dma_wait3A_47 = arith.constant 0 : i32
    %dma_wait3A_48 = arith.constant 0 : i32
    %dma_wait3A_49 = tpu.memref_slice %arg4[%dma_wait3A_47, %dma_wait3A_48] : memref<4096x256xi32, #tpu.memory_space<hbm>> -> memref<4096x256xi32, #tpu.memory_space<hbm>>
    tpu.wait_indirect_dma semaphore(%arg12 : memref<!tpu.dma_semaphore, #tpu.memory_space<semaphore_mem>>) src(%dma_wait3A_49 : memref<4096x256xi32, #tpu.memory_space<hbm>>) dst(%arg10 : memref<128x256xi32, #tpu.memory_space<vmem>>)
    %add3A_50 = arith.constant 256 : i32
    %add3A_51 = arith.addi %mul3A_2, %add3A_50 : i32
    %dma_start3A_52 = arith.constant 0 : i32
    %dma_start3A_53 = tpu.memref_slice %arg6[%add3A_51, %dma_start3A_52] : memref<16384x256xi32, #tpu.memory_space<hbm>> -> memref<128x256xi32, #tpu.memory_space<hbm>>
    %dma_start3A_54 = arith.constant 0 : i32
    %dma_start3A_55 = tpu.memref_slice %arg6[%add3A_51, %dma_start3A_54] : memref<16384x256xi32, #tpu.memory_space<hbm>> -> memref<128x256xi32, #tpu.memory_space<hbm>>
    tpu.enqueue_dma source(%arg10 : memref<128x256xi32, #tpu.memory_space<vmem>>) target(%dma_start3A_55 : memref<128x256xi32, #tpu.memory_space<hbm>>) target_semaphore(%arg14 : memref<!tpu.dma_semaphore, #tpu.memory_space<semaphore_mem>>)
    %dma_wait3A_56 = arith.constant 0 : i32
    %dma_wait3A_57 = tpu.memref_slice %arg6[%add3A_51, %dma_wait3A_56] : memref<16384x256xi32, #tpu.memory_space<hbm>> -> memref<128x256xi32, #tpu.memory_space<hbm>>
    %dma_wait3A_58 = arith.constant 0 : i32
    %dma_wait3A_59 = tpu.memref_slice %arg6[%add3A_51, %dma_wait3A_58] : memref<16384x256xi32, #tpu.memory_space<hbm>> -> memref<128x256xi32, #tpu.memory_space<hbm>>
    tpu.wait_dma2 semaphore(%arg14 : memref<!tpu.dma_semaphore, #tpu.memory_space<semaphore_mem>>) src(%arg10 : memref<128x256xi32, #tpu.memory_space<vmem>>) dst(%dma_wait3A_59 : memref<128x256xi32, #tpu.memory_space<hbm>>)
    %add3A_60 = arith.constant 0 : i32
    %add3A_61 = arith.addi %mul3A_2, %add3A_60 : i32
    "tpu.region"() ({
      %run_scoped3A = tpu.sem_alloc : memref<!tpu.dma_semaphore, #tpu.memory_space<semaphore_mem>>
      %dma_start3A_145 = tpu.memref_slice %arg3[%add3A_61] : memref<16384xi32, #tpu.memory_space<hbm>> -> memref<128xi32, #tpu.memory_space<hbm>>
      %dma_start3A_146 = tpu.memref_slice %arg3[%add3A_61] : memref<16384xi32, #tpu.memory_space<hbm>> -> memref<128xi32, #tpu.memory_space<hbm>>
      tpu.enqueue_dma source(%dma_start3A_146 : memref<128xi32, #tpu.memory_space<hbm>>) target(%arg8 : memref<128xi32, #tpu.memory_space<vmem>>) target_semaphore(%run_scoped3A : memref<!tpu.dma_semaphore, #tpu.memory_space<semaphore_mem>>)
      %dma_wait3A_147 = tpu.memref_slice %arg3[%add3A_61] : memref<16384xi32, #tpu.memory_space<hbm>> -> memref<128xi32, #tpu.memory_space<hbm>>
      %dma_wait3A_148 = tpu.memref_slice %arg3[%add3A_61] : memref<16384xi32, #tpu.memory_space<hbm>> -> memref<128xi32, #tpu.memory_space<hbm>>
      tpu.wait_dma2 semaphore(%run_scoped3A : memref<!tpu.dma_semaphore, #tpu.memory_space<semaphore_mem>>) src(%dma_wait3A_148 : memref<128xi32, #tpu.memory_space<hbm>>) dst(%arg8 : memref<128xi32, #tpu.memory_space<vmem>>)
      tpu.yield
    }) : () -> ()
    %dma_start3A_62 = arith.constant 0 : i32
    %dma_start3A_63 = arith.constant 0 : i32
    %dma_start3A_64 = tpu.memref_slice %arg5[%dma_start3A_62, %dma_start3A_63] : memref<4096x256xi32, #tpu.memory_space<hbm>> -> memref<4096x256xi32, #tpu.memory_space<hbm>>
    tpu.enqueue_indirect_dma source(%dma_start3A_64 : memref<4096x256xi32, #tpu.memory_space<hbm>>) target(%arg10 : memref<128x256xi32, #tpu.memory_space<vmem>>) offsets(%arg8 : memref<128xi32, #tpu.memory_space<vmem>>) semaphore(%arg12 : memref<!tpu.dma_semaphore, #tpu.memory_space<semaphore_mem>>)
    %dma_wait3A_65 = arith.constant 0 : i32
    %dma_wait3A_66 = arith.constant 0 : i32
    %dma_wait3A_67 = tpu.memref_slice %arg4[%dma_wait3A_65, %dma_wait3A_66] : memref<4096x256xi32, #tpu.memory_space<hbm>> -> memref<4096x256xi32, #tpu.memory_space<hbm>>
    tpu.wait_indirect_dma semaphore(%arg13 : memref<!tpu.dma_semaphore, #tpu.memory_space<semaphore_mem>>) src(%dma_wait3A_67 : memref<4096x256xi32, #tpu.memory_space<hbm>>) dst(%arg11 : memref<128x256xi32, #tpu.memory_space<vmem>>)
    %add3A_68 = arith.constant 384 : i32
    %add3A_69 = arith.addi %mul3A_2, %add3A_68 : i32
    %dma_start3A_70 = arith.constant 0 : i32
    %dma_start3A_71 = tpu.memref_slice %arg6[%add3A_69, %dma_start3A_70] : memref<16384x256xi32, #tpu.memory_space<hbm>> -> memref<128x256xi32, #tpu.memory_space<hbm>>
    %dma_start3A_72 = arith.constant 0 : i32
    %dma_start3A_73 = tpu.memref_slice %arg6[%add3A_69, %dma_start3A_72] : memref<16384x256xi32, #tpu.memory_space<hbm>> -> memref<128x256xi32, #tpu.memory_space<hbm>>
    tpu.enqueue_dma source(%arg11 : memref<128x256xi32, #tpu.memory_space<vmem>>) target(%dma_start3A_73 : memref<128x256xi32, #tpu.memory_space<hbm>>) target_semaphore(%arg15 : memref<!tpu.dma_semaphore, #tpu.memory_space<semaphore_mem>>)
    %dma_wait3A_74 = arith.constant 0 : i32
    %dma_wait3A_75 = tpu.memref_slice %arg6[%add3A_69, %dma_wait3A_74] : memref<16384x256xi32, #tpu.memory_space<hbm>> -> memref<128x256xi32, #tpu.memory_space<hbm>>
    %dma_wait3A_76 = arith.constant 0 : i32
    %dma_wait3A_77 = tpu.memref_slice %arg6[%add3A_69, %dma_wait3A_76] : memref<16384x256xi32, #tpu.memory_space<hbm>> -> memref<128x256xi32, #tpu.memory_space<hbm>>
    tpu.wait_dma2 semaphore(%arg15 : memref<!tpu.dma_semaphore, #tpu.memory_space<semaphore_mem>>) src(%arg11 : memref<128x256xi32, #tpu.memory_space<vmem>>) dst(%dma_wait3A_77 : memref<128x256xi32, #tpu.memory_space<hbm>>)
    %add3A_78 = arith.constant 128 : i32
    %add3A_79 = arith.addi %mul3A_2, %add3A_78 : i32
    "tpu.region"() ({
      %run_scoped3A = tpu.sem_alloc : memref<!tpu.dma_semaphore, #tpu.memory_space<semaphore_mem>>
      %dma_start3A_145 = tpu.memref_slice %arg3[%add3A_79] : memref<16384xi32, #tpu.memory_space<hbm>> -> memref<128xi32, #tpu.memory_space<hbm>>
      %dma_start3A_146 = tpu.memref_slice %arg3[%add3A_79] : memref<16384xi32, #tpu.memory_space<hbm>> -> memref<128xi32, #tpu.memory_space<hbm>>
      tpu.enqueue_dma source(%dma_start3A_146 : memref<128xi32, #tpu.memory_space<hbm>>) target(%arg9 : memref<128xi32, #tpu.memory_space<vmem>>) target_semaphore(%run_scoped3A : memref<!tpu.dma_semaphore, #tpu.memory_space<semaphore_mem>>)
      %dma_wait3A_147 = tpu.memref_slice %arg3[%add3A_79] : memref<16384xi32, #tpu.memory_space<hbm>> -> memref<128xi32, #tpu.memory_space<hbm>>
      %dma_wait3A_148 = tpu.memref_slice %arg3[%add3A_79] : memref<16384xi32, #tpu.memory_space<hbm>> -> memref<128xi32, #tpu.memory_space<hbm>>
      tpu.wait_dma2 semaphore(%run_scoped3A : memref<!tpu.dma_semaphore, #tpu.memory_space<semaphore_mem>>) src(%dma_wait3A_148 : memref<128xi32, #tpu.memory_space<hbm>>) dst(%arg9 : memref<128xi32, #tpu.memory_space<vmem>>)
      tpu.yield
    }) : () -> ()
    %dma_start3A_80 = arith.constant 0 : i32
    %dma_start3A_81 = arith.constant 0 : i32
    %dma_start3A_82 = tpu.memref_slice %arg5[%dma_start3A_80, %dma_start3A_81] : memref<4096x256xi32, #tpu.memory_space<hbm>> -> memref<4096x256xi32, #tpu.memory_space<hbm>>
    tpu.enqueue_indirect_dma source(%dma_start3A_82 : memref<4096x256xi32, #tpu.memory_space<hbm>>) target(%arg11 : memref<128x256xi32, #tpu.memory_space<vmem>>) offsets(%arg9 : memref<128xi32, #tpu.memory_space<vmem>>) semaphore(%arg13 : memref<!tpu.dma_semaphore, #tpu.memory_space<semaphore_mem>>)
    %dma_wait3A_83 = arith.constant 0 : i32
    %dma_wait3A_84 = arith.constant 0 : i32
    %dma_wait3A_85 = tpu.memref_slice %arg5[%dma_wait3A_83, %dma_wait3A_84] : memref<4096x256xi32, #tpu.memory_space<hbm>> -> memref<4096x256xi32, #tpu.memory_space<hbm>>
    tpu.wait_indirect_dma semaphore(%arg12 : memref<!tpu.dma_semaphore, #tpu.memory_space<semaphore_mem>>) src(%dma_wait3A_85 : memref<4096x256xi32, #tpu.memory_space<hbm>>) dst(%arg10 : memref<128x256xi32, #tpu.memory_space<vmem>>)
    %add3A_86 = arith.constant 0 : i32
    %add3A_87 = arith.addi %mul3A_2, %add3A_86 : i32
    %dma_start3A_88 = arith.constant 0 : i32
    %dma_start3A_89 = tpu.memref_slice %arg7[%add3A_87, %dma_start3A_88] : memref<16384x256xi32, #tpu.memory_space<hbm>> -> memref<128x256xi32, #tpu.memory_space<hbm>>
    %dma_start3A_90 = arith.constant 0 : i32
    %dma_start3A_91 = tpu.memref_slice %arg7[%add3A_87, %dma_start3A_90] : memref<16384x256xi32, #tpu.memory_space<hbm>> -> memref<128x256xi32, #tpu.memory_space<hbm>>
    tpu.enqueue_dma source(%arg10 : memref<128x256xi32, #tpu.memory_space<vmem>>) target(%dma_start3A_91 : memref<128x256xi32, #tpu.memory_space<hbm>>) target_semaphore(%arg14 : memref<!tpu.dma_semaphore, #tpu.memory_space<semaphore_mem>>)
    %dma_wait3A_92 = arith.constant 0 : i32
    %dma_wait3A_93 = tpu.memref_slice %arg7[%add3A_87, %dma_wait3A_92] : memref<16384x256xi32, #tpu.memory_space<hbm>> -> memref<128x256xi32, #tpu.memory_space<hbm>>
    %dma_wait3A_94 = arith.constant 0 : i32
    %dma_wait3A_95 = tpu.memref_slice %arg7[%add3A_87, %dma_wait3A_94] : memref<16384x256xi32, #tpu.memory_space<hbm>> -> memref<128x256xi32, #tpu.memory_space<hbm>>
    tpu.wait_dma2 semaphore(%arg14 : memref<!tpu.dma_semaphore, #tpu.memory_space<semaphore_mem>>) src(%arg10 : memref<128x256xi32, #tpu.memory_space<vmem>>) dst(%dma_wait3A_95 : memref<128x256xi32, #tpu.memory_space<hbm>>)
    %add3A_96 = arith.constant 256 : i32
    %add3A_97 = arith.addi %mul3A_2, %add3A_96 : i32
    "tpu.region"() ({
      %run_scoped3A = tpu.sem_alloc : memref<!tpu.dma_semaphore, #tpu.memory_space<semaphore_mem>>
      %dma_start3A_145 = tpu.memref_slice %arg3[%add3A_97] : memref<16384xi32, #tpu.memory_space<hbm>> -> memref<128xi32, #tpu.memory_space<hbm>>
      %dma_start3A_146 = tpu.memref_slice %arg3[%add3A_97] : memref<16384xi32, #tpu.memory_space<hbm>> -> memref<128xi32, #tpu.memory_space<hbm>>
      tpu.enqueue_dma source(%dma_start3A_146 : memref<128xi32, #tpu.memory_space<hbm>>) target(%arg8 : memref<128xi32, #tpu.memory_space<vmem>>) target_semaphore(%run_scoped3A : memref<!tpu.dma_semaphore, #tpu.memory_space<semaphore_mem>>)
      %dma_wait3A_147 = tpu.memref_slice %arg3[%add3A_97] : memref<16384xi32, #tpu.memory_space<hbm>> -> memref<128xi32, #tpu.memory_space<hbm>>
      %dma_wait3A_148 = tpu.memref_slice %arg3[%add3A_97] : memref<16384xi32, #tpu.memory_space<hbm>> -> memref<128xi32, #tpu.memory_space<hbm>>
      tpu.wait_dma2 semaphore(%run_scoped3A : memref<!tpu.dma_semaphore, #tpu.memory_space<semaphore_mem>>) src(%dma_wait3A_148 : memref<128xi32, #tpu.memory_space<hbm>>) dst(%arg8 : memref<128xi32, #tpu.memory_space<vmem>>)
      tpu.yield
    }) : () -> ()
    %dma_start3A_98 = arith.constant 0 : i32
    %dma_start3A_99 = arith.constant 0 : i32
    %dma_start3A_100 = tpu.memref_slice %arg5[%dma_start3A_98, %dma_start3A_99] : memref<4096x256xi32, #tpu.memory_space<hbm>> -> memref<4096x256xi32, #tpu.memory_space<hbm>>
    tpu.enqueue_indirect_dma source(%dma_start3A_100 : memref<4096x256xi32, #tpu.memory_space<hbm>>) target(%arg10 : memref<128x256xi32, #tpu.memory_space<vmem>>) offsets(%arg8 : memref<128xi32, #tpu.memory_space<vmem>>) semaphore(%arg12 : memref<!tpu.dma_semaphore, #tpu.memory_space<semaphore_mem>>)
    %dma_wait3A_101 = arith.constant 0 : i32
    %dma_wait3A_102 = arith.constant 0 : i32
    %dma_wait3A_103 = tpu.memref_slice %arg5[%dma_wait3A_101, %dma_wait3A_102] : memref<4096x256xi32, #tpu.memory_space<hbm>> -> memref<4096x256xi32, #tpu.memory_space<hbm>>
    tpu.wait_indirect_dma semaphore(%arg13 : memref<!tpu.dma_semaphore, #tpu.memory_space<semaphore_mem>>) src(%dma_wait3A_103 : memref<4096x256xi32, #tpu.memory_space<hbm>>) dst(%arg11 : memref<128x256xi32, #tpu.memory_space<vmem>>)
    %add3A_104 = arith.constant 128 : i32
    %add3A_105 = arith.addi %mul3A_2, %add3A_104 : i32
    %dma_start3A_106 = arith.constant 0 : i32
    %dma_start3A_107 = tpu.memref_slice %arg7[%add3A_105, %dma_start3A_106] : memref<16384x256xi32, #tpu.memory_space<hbm>> -> memref<128x256xi32, #tpu.memory_space<hbm>>
    %dma_start3A_108 = arith.constant 0 : i32
    %dma_start3A_109 = tpu.memref_slice %arg7[%add3A_105, %dma_start3A_108] : memref<16384x256xi32, #tpu.memory_space<hbm>> -> memref<128x256xi32, #tpu.memory_space<hbm>>
    tpu.enqueue_dma source(%arg11 : memref<128x256xi32, #tpu.memory_space<vmem>>) target(%dma_start3A_109 : memref<128x256xi32, #tpu.memory_space<hbm>>) target_semaphore(%arg15 : memref<!tpu.dma_semaphore, #tpu.memory_space<semaphore_mem>>)
    %dma_wait3A_110 = arith.constant 0 : i32
    %dma_wait3A_111 = tpu.memref_slice %arg7[%add3A_105, %dma_wait3A_110] : memref<16384x256xi32, #tpu.memory_space<hbm>> -> memref<128x256xi32, #tpu.memory_space<hbm>>
    %dma_wait3A_112 = arith.constant 0 : i32
    %dma_wait3A_113 = tpu.memref_slice %arg7[%add3A_105, %dma_wait3A_112] : memref<16384x256xi32, #tpu.memory_space<hbm>> -> memref<128x256xi32, #tpu.memory_space<hbm>>
    tpu.wait_dma2 semaphore(%arg15 : memref<!tpu.dma_semaphore, #tpu.memory_space<semaphore_mem>>) src(%arg11 : memref<128x256xi32, #tpu.memory_space<vmem>>) dst(%dma_wait3A_113 : memref<128x256xi32, #tpu.memory_space<hbm>>)
    %add3A_114 = arith.constant 384 : i32
    %add3A_115 = arith.addi %mul3A_2, %add3A_114 : i32
    "tpu.region"() ({
      %run_scoped3A = tpu.sem_alloc : memref<!tpu.dma_semaphore, #tpu.memory_space<semaphore_mem>>
      %dma_start3A_145 = tpu.memref_slice %arg3[%add3A_115] : memref<16384xi32, #tpu.memory_space<hbm>> -> memref<128xi32, #tpu.memory_space<hbm>>
      %dma_start3A_146 = tpu.memref_slice %arg3[%add3A_115] : memref<16384xi32, #tpu.memory_space<hbm>> -> memref<128xi32, #tpu.memory_space<hbm>>
      tpu.enqueue_dma source(%dma_start3A_146 : memref<128xi32, #tpu.memory_space<hbm>>) target(%arg9 : memref<128xi32, #tpu.memory_space<vmem>>) target_semaphore(%run_scoped3A : memref<!tpu.dma_semaphore, #tpu.memory_space<semaphore_mem>>)
      %dma_wait3A_147 = tpu.memref_slice %arg3[%add3A_115] : memref<16384xi32, #tpu.memory_space<hbm>> -> memref<128xi32, #tpu.memory_space<hbm>>
      %dma_wait3A_148 = tpu.memref_slice %arg3[%add3A_115] : memref<16384xi32, #tpu.memory_space<hbm>> -> memref<128xi32, #tpu.memory_space<hbm>>
      tpu.wait_dma2 semaphore(%run_scoped3A : memref<!tpu.dma_semaphore, #tpu.memory_space<semaphore_mem>>) src(%dma_wait3A_148 : memref<128xi32, #tpu.memory_space<hbm>>) dst(%arg9 : memref<128xi32, #tpu.memory_space<vmem>>)
      tpu.yield
    }) : () -> ()
    %dma_start3A_116 = arith.constant 0 : i32
    %dma_start3A_117 = arith.constant 0 : i32
    %dma_start3A_118 = tpu.memref_slice %arg5[%dma_start3A_116, %dma_start3A_117] : memref<4096x256xi32, #tpu.memory_space<hbm>> -> memref<4096x256xi32, #tpu.memory_space<hbm>>
    tpu.enqueue_indirect_dma source(%dma_start3A_118 : memref<4096x256xi32, #tpu.memory_space<hbm>>) target(%arg11 : memref<128x256xi32, #tpu.memory_space<vmem>>) offsets(%arg9 : memref<128xi32, #tpu.memory_space<vmem>>) semaphore(%arg13 : memref<!tpu.dma_semaphore, #tpu.memory_space<semaphore_mem>>)
    %dma_wait3A_119 = arith.constant 0 : i32
    %dma_wait3A_120 = arith.constant 0 : i32
    %dma_wait3A_121 = tpu.memref_slice %arg5[%dma_wait3A_119, %dma_wait3A_120] : memref<4096x256xi32, #tpu.memory_space<hbm>> -> memref<4096x256xi32, #tpu.memory_space<hbm>>
    tpu.wait_indirect_dma semaphore(%arg12 : memref<!tpu.dma_semaphore, #tpu.memory_space<semaphore_mem>>) src(%dma_wait3A_121 : memref<4096x256xi32, #tpu.memory_space<hbm>>) dst(%arg10 : memref<128x256xi32, #tpu.memory_space<vmem>>)
    %add3A_122 = arith.constant 256 : i32
    %add3A_123 = arith.addi %mul3A_2, %add3A_122 : i32
    %dma_start3A_124 = arith.constant 0 : i32
    %dma_start3A_125 = tpu.memref_slice %arg7[%add3A_123, %dma_start3A_124] : memref<16384x256xi32, #tpu.memory_space<hbm>> -> memref<128x256xi32, #tpu.memory_space<hbm>>
    %dma_start3A_126 = arith.constant 0 : i32
    %dma_start3A_127 = tpu.memref_slice %arg7[%add3A_123, %dma_start3A_126] : memref<16384x256xi32, #tpu.memory_space<hbm>> -> memref<128x256xi32, #tpu.memory_space<hbm>>
    tpu.enqueue_dma source(%arg10 : memref<128x256xi32, #tpu.memory_space<vmem>>) target(%dma_start3A_127 : memref<128x256xi32, #tpu.memory_space<hbm>>) target_semaphore(%arg14 : memref<!tpu.dma_semaphore, #tpu.memory_space<semaphore_mem>>)
    %dma_wait3A_128 = arith.constant 0 : i32
    %dma_wait3A_129 = arith.constant 0 : i32
    %dma_wait3A_130 = tpu.memref_slice %arg5[%dma_wait3A_128, %dma_wait3A_129] : memref<4096x256xi32, #tpu.memory_space<hbm>> -> memref<4096x256xi32, #tpu.memory_space<hbm>>
    tpu.wait_indirect_dma semaphore(%arg13 : memref<!tpu.dma_semaphore, #tpu.memory_space<semaphore_mem>>) src(%dma_wait3A_130 : memref<4096x256xi32, #tpu.memory_space<hbm>>) dst(%arg11 : memref<128x256xi32, #tpu.memory_space<vmem>>)
    %add3A_131 = arith.constant 384 : i32
    %add3A_132 = arith.addi %mul3A_2, %add3A_131 : i32
    %dma_start3A_133 = arith.constant 0 : i32
    %dma_start3A_134 = tpu.memref_slice %arg7[%add3A_132, %dma_start3A_133] : memref<16384x256xi32, #tpu.memory_space<hbm>> -> memref<128x256xi32, #tpu.memory_space<hbm>>
    %dma_start3A_135 = arith.constant 0 : i32
    %dma_start3A_136 = tpu.memref_slice %arg7[%add3A_132, %dma_start3A_135] : memref<16384x256xi32, #tpu.memory_space<hbm>> -> memref<128x256xi32, #tpu.memory_space<hbm>>
    tpu.enqueue_dma source(%arg11 : memref<128x256xi32, #tpu.memory_space<vmem>>) target(%dma_start3A_136 : memref<128x256xi32, #tpu.memory_space<hbm>>) target_semaphore(%arg15 : memref<!tpu.dma_semaphore, #tpu.memory_space<semaphore_mem>>)
    %dma_wait3A_137 = arith.constant 0 : i32
    %dma_wait3A_138 = tpu.memref_slice %arg7[%add3A_123, %dma_wait3A_137] : memref<16384x256xi32, #tpu.memory_space<hbm>> -> memref<128x256xi32, #tpu.memory_space<hbm>>
    %dma_wait3A_139 = arith.constant 0 : i32
    %dma_wait3A_140 = tpu.memref_slice %arg7[%add3A_123, %dma_wait3A_139] : memref<16384x256xi32, #tpu.memory_space<hbm>> -> memref<128x256xi32, #tpu.memory_space<hbm>>
    tpu.wait_dma2 semaphore(%arg14 : memref<!tpu.dma_semaphore, #tpu.memory_space<semaphore_mem>>) src(%arg10 : memref<128x256xi32, #tpu.memory_space<vmem>>) dst(%dma_wait3A_140 : memref<128x256xi32, #tpu.memory_space<hbm>>)
    %dma_wait3A_141 = arith.constant 0 : i32
    %dma_wait3A_142 = tpu.memref_slice %arg7[%add3A_132, %dma_wait3A_141] : memref<16384x256xi32, #tpu.memory_space<hbm>> -> memref<128x256xi32, #tpu.memory_space<hbm>>
    %dma_wait3A_143 = arith.constant 0 : i32
    %dma_wait3A_144 = tpu.memref_slice %arg7[%add3A_132, %dma_wait3A_143] : memref<16384x256xi32, #tpu.memory_space<hbm>> -> memref<128x256xi32, #tpu.memory_space<hbm>>
    tpu.wait_dma2 semaphore(%arg15 : memref<!tpu.dma_semaphore, #tpu.memory_space<semaphore_mem>>) src(%arg11 : memref<128x256xi32, #tpu.memory_space<vmem>>) dst(%dma_wait3A_144 : memref<128x256xi32, #tpu.memory_space<hbm>>)
    return
  }
}

#map = affine_map<(d0, d1) -> (0)>
module attributes {stable_mosaic.version = 14 : i64} {
  func.func @_zero_body(%arg0: i32, %arg1: i32, %arg2: memref<16777216xf32, #tpu.memory_space<hbm>>, %arg3: memref<32768xf32, #tpu.memory_space<vmem>>, %arg4: memref<!tpu.dma_semaphore, #tpu.memory_space<semaphore_mem>>) attributes {dimension_semantics = [#tpu.dimension_semantics<core_parallel>, #tpu.dimension_semantics<subcore_parallel>], iteration_bounds = array<i64: 2, 16>, scalar_prefetch = 0 : i64, scratch_operands = 2 : i64, tpu.core_type = #tpu.core_type<sc_vector_subcore>, window_params = [{transform_indices = #map}]} {
    %mul3A = arith.constant 2 : i32
    %mul3A_0 = arith.muli %arg1, %mul3A : i32
    %add3A = arith.addi %mul3A_0, %arg0 : i32
    %scan3A = arith.constant 0 : i32
    %scan3A_1 = arith.constant 0 : i32
    %scan3A_2 = arith.constant 2048 : i32
    %scan3A_3 = arith.addi %scan3A_1, %scan3A_2 : i32
    %scan3A_4 = arith.constant 1 : i32
    %scan3A_5 = scf.for %scan3A_103 = %scan3A_1 to %scan3A_3 step %scan3A_4 iter_args(%scan3A_104 = %scan3A) -> (i32)  : i32 {
      %broadcast_in_dim3A = arith.constant 0.000000e+00 : f32
      %broadcast_in_dim3A_105 = vector.broadcast %broadcast_in_dim3A : f32 to vector<16xf32>
      %mul3A_106 = arith.constant 16 : i32
      %mul3A_107 = arith.muli %scan3A_103, %mul3A_106 : i32
      %swap3A = arith.index_cast %mul3A_107 : i32 to index
      %swap3A_108 = tpu.vector_load %arg3[%swap3A] {strides = array<i32>} : memref<32768xf32, #tpu.memory_space<vmem>>, vector<16xf32>,
      %swap3A_109 = vector.shape_cast %swap3A_108 : vector<16xf32> to vector<16xf32>
      %swap3A_110 = vector.shape_cast %broadcast_in_dim3A_105 : vector<16xf32> to vector<16xf32>
      tpu.vector_store %arg3[%swap3A], %swap3A_110 {strides = array<i32>} : memref<32768xf32, #tpu.memory_space<vmem>>, vector<16xf32>,
      %scan3A_111 = arith.constant 0 : i32
      scf.yield %scan3A_111 : i32
    }
    %scan3A_6 = arith.constant 2048 : i32
    %mul3A_7 = arith.constant 524288 : i32
    %mul3A_8 = arith.muli %add3A, %mul3A_7 : i32
    %add3A_9 = arith.constant 0 : i32
    %add3A_10 = arith.addi %mul3A_8, %add3A_9 : i32
    %dma_start3A = tpu.memref_slice %arg2[%add3A_10] : memref<16777216xf32, #tpu.memory_space<hbm>> -> memref<32768xf32, #tpu.memory_space<hbm>>
    %dma_start3A_11 = tpu.memref_slice %arg2[%add3A_10] : memref<16777216xf32, #tpu.memory_space<hbm>> -> memref<32768xf32, #tpu.memory_space<hbm>>
    tpu.enqueue_dma source(%arg3 : memref<32768xf32, #tpu.memory_space<vmem>>) target(%dma_start3A_11 : memref<32768xf32, #tpu.memory_space<hbm>>) target_semaphore(%arg4 : memref<!tpu.dma_semaphore, #tpu.memory_space<semaphore_mem>>)
    %add3A_12 = arith.constant 32768 : i32
    %add3A_13 = arith.addi %mul3A_8, %add3A_12 : i32
    %dma_start3A_14 = tpu.memref_slice %arg2[%add3A_13] : memref<16777216xf32, #tpu.memory_space<hbm>> -> memref<32768xf32, #tpu.memory_space<hbm>>
    %dma_start3A_15 = tpu.memref_slice %arg2[%add3A_13] : memref<16777216xf32, #tpu.memory_space<hbm>> -> memref<32768xf32, #tpu.memory_space<hbm>>
    tpu.enqueue_dma source(%arg3 : memref<32768xf32, #tpu.memory_space<vmem>>) target(%dma_start3A_15 : memref<32768xf32, #tpu.memory_space<hbm>>) target_semaphore(%arg4 : memref<!tpu.dma_semaphore, #tpu.memory_space<semaphore_mem>>)
    %add3A_16 = arith.constant 65536 : i32
    %add3A_17 = arith.addi %mul3A_8, %add3A_16 : i32
    %dma_start3A_18 = tpu.memref_slice %arg2[%add3A_17] : memref<16777216xf32, #tpu.memory_space<hbm>> -> memref<32768xf32, #tpu.memory_space<hbm>>
    %dma_start3A_19 = tpu.memref_slice %arg2[%add3A_17] : memref<16777216xf32, #tpu.memory_space<hbm>> -> memref<32768xf32, #tpu.memory_space<hbm>>
    tpu.enqueue_dma source(%arg3 : memref<32768xf32, #tpu.memory_space<vmem>>) target(%dma_start3A_19 : memref<32768xf32, #tpu.memory_space<hbm>>) target_semaphore(%arg4 : memref<!tpu.dma_semaphore, #tpu.memory_space<semaphore_mem>>)
    %add3A_20 = arith.constant 98304 : i32
    %add3A_21 = arith.addi %mul3A_8, %add3A_20 : i32
    %dma_start3A_22 = tpu.memref_slice %arg2[%add3A_21] : memref<16777216xf32, #tpu.memory_space<hbm>> -> memref<32768xf32, #tpu.memory_space<hbm>>
    %dma_start3A_23 = tpu.memref_slice %arg2[%add3A_21] : memref<16777216xf32, #tpu.memory_space<hbm>> -> memref<32768xf32, #tpu.memory_space<hbm>>
    tpu.enqueue_dma source(%arg3 : memref<32768xf32, #tpu.memory_space<vmem>>) target(%dma_start3A_23 : memref<32768xf32, #tpu.memory_space<hbm>>) target_semaphore(%arg4 : memref<!tpu.dma_semaphore, #tpu.memory_space<semaphore_mem>>)
    %add3A_24 = arith.constant 131072 : i32
    %add3A_25 = arith.addi %mul3A_8, %add3A_24 : i32
    %dma_start3A_26 = tpu.memref_slice %arg2[%add3A_25] : memref<16777216xf32, #tpu.memory_space<hbm>> -> memref<32768xf32, #tpu.memory_space<hbm>>
    %dma_start3A_27 = tpu.memref_slice %arg2[%add3A_25] : memref<16777216xf32, #tpu.memory_space<hbm>> -> memref<32768xf32, #tpu.memory_space<hbm>>
    tpu.enqueue_dma source(%arg3 : memref<32768xf32, #tpu.memory_space<vmem>>) target(%dma_start3A_27 : memref<32768xf32, #tpu.memory_space<hbm>>) target_semaphore(%arg4 : memref<!tpu.dma_semaphore, #tpu.memory_space<semaphore_mem>>)
    %add3A_28 = arith.constant 163840 : i32
    %add3A_29 = arith.addi %mul3A_8, %add3A_28 : i32
    %dma_start3A_30 = tpu.memref_slice %arg2[%add3A_29] : memref<16777216xf32, #tpu.memory_space<hbm>> -> memref<32768xf32, #tpu.memory_space<hbm>>
    %dma_start3A_31 = tpu.memref_slice %arg2[%add3A_29] : memref<16777216xf32, #tpu.memory_space<hbm>> -> memref<32768xf32, #tpu.memory_space<hbm>>
    tpu.enqueue_dma source(%arg3 : memref<32768xf32, #tpu.memory_space<vmem>>) target(%dma_start3A_31 : memref<32768xf32, #tpu.memory_space<hbm>>) target_semaphore(%arg4 : memref<!tpu.dma_semaphore, #tpu.memory_space<semaphore_mem>>)
    %add3A_32 = arith.constant 196608 : i32
    %add3A_33 = arith.addi %mul3A_8, %add3A_32 : i32
    %dma_start3A_34 = tpu.memref_slice %arg2[%add3A_33] : memref<16777216xf32, #tpu.memory_space<hbm>> -> memref<32768xf32, #tpu.memory_space<hbm>>
    %dma_start3A_35 = tpu.memref_slice %arg2[%add3A_33] : memref<16777216xf32, #tpu.memory_space<hbm>> -> memref<32768xf32, #tpu.memory_space<hbm>>
    tpu.enqueue_dma source(%arg3 : memref<32768xf32, #tpu.memory_space<vmem>>) target(%dma_start3A_35 : memref<32768xf32, #tpu.memory_space<hbm>>) target_semaphore(%arg4 : memref<!tpu.dma_semaphore, #tpu.memory_space<semaphore_mem>>)
    %add3A_36 = arith.constant 229376 : i32
    %add3A_37 = arith.addi %mul3A_8, %add3A_36 : i32
    %dma_start3A_38 = tpu.memref_slice %arg2[%add3A_37] : memref<16777216xf32, #tpu.memory_space<hbm>> -> memref<32768xf32, #tpu.memory_space<hbm>>
    %dma_start3A_39 = tpu.memref_slice %arg2[%add3A_37] : memref<16777216xf32, #tpu.memory_space<hbm>> -> memref<32768xf32, #tpu.memory_space<hbm>>
    tpu.enqueue_dma source(%arg3 : memref<32768xf32, #tpu.memory_space<vmem>>) target(%dma_start3A_39 : memref<32768xf32, #tpu.memory_space<hbm>>) target_semaphore(%arg4 : memref<!tpu.dma_semaphore, #tpu.memory_space<semaphore_mem>>)
    %add3A_40 = arith.constant 262144 : i32
    %add3A_41 = arith.addi %mul3A_8, %add3A_40 : i32
    %dma_start3A_42 = tpu.memref_slice %arg2[%add3A_41] : memref<16777216xf32, #tpu.memory_space<hbm>> -> memref<32768xf32, #tpu.memory_space<hbm>>
    %dma_start3A_43 = tpu.memref_slice %arg2[%add3A_41] : memref<16777216xf32, #tpu.memory_space<hbm>> -> memref<32768xf32, #tpu.memory_space<hbm>>
    tpu.enqueue_dma source(%arg3 : memref<32768xf32, #tpu.memory_space<vmem>>) target(%dma_start3A_43 : memref<32768xf32, #tpu.memory_space<hbm>>) target_semaphore(%arg4 : memref<!tpu.dma_semaphore, #tpu.memory_space<semaphore_mem>>)
    %add3A_44 = arith.constant 294912 : i32
    %add3A_45 = arith.addi %mul3A_8, %add3A_44 : i32
    %dma_start3A_46 = tpu.memref_slice %arg2[%add3A_45] : memref<16777216xf32, #tpu.memory_space<hbm>> -> memref<32768xf32, #tpu.memory_space<hbm>>
    %dma_start3A_47 = tpu.memref_slice %arg2[%add3A_45] : memref<16777216xf32, #tpu.memory_space<hbm>> -> memref<32768xf32, #tpu.memory_space<hbm>>
    tpu.enqueue_dma source(%arg3 : memref<32768xf32, #tpu.memory_space<vmem>>) target(%dma_start3A_47 : memref<32768xf32, #tpu.memory_space<hbm>>) target_semaphore(%arg4 : memref<!tpu.dma_semaphore, #tpu.memory_space<semaphore_mem>>)
    %add3A_48 = arith.constant 327680 : i32
    %add3A_49 = arith.addi %mul3A_8, %add3A_48 : i32
    %dma_start3A_50 = tpu.memref_slice %arg2[%add3A_49] : memref<16777216xf32, #tpu.memory_space<hbm>> -> memref<32768xf32, #tpu.memory_space<hbm>>
    %dma_start3A_51 = tpu.memref_slice %arg2[%add3A_49] : memref<16777216xf32, #tpu.memory_space<hbm>> -> memref<32768xf32, #tpu.memory_space<hbm>>
    tpu.enqueue_dma source(%arg3 : memref<32768xf32, #tpu.memory_space<vmem>>) target(%dma_start3A_51 : memref<32768xf32, #tpu.memory_space<hbm>>) target_semaphore(%arg4 : memref<!tpu.dma_semaphore, #tpu.memory_space<semaphore_mem>>)
    %add3A_52 = arith.constant 360448 : i32
    %add3A_53 = arith.addi %mul3A_8, %add3A_52 : i32
    %dma_start3A_54 = tpu.memref_slice %arg2[%add3A_53] : memref<16777216xf32, #tpu.memory_space<hbm>> -> memref<32768xf32, #tpu.memory_space<hbm>>
    %dma_start3A_55 = tpu.memref_slice %arg2[%add3A_53] : memref<16777216xf32, #tpu.memory_space<hbm>> -> memref<32768xf32, #tpu.memory_space<hbm>>
    tpu.enqueue_dma source(%arg3 : memref<32768xf32, #tpu.memory_space<vmem>>) target(%dma_start3A_55 : memref<32768xf32, #tpu.memory_space<hbm>>) target_semaphore(%arg4 : memref<!tpu.dma_semaphore, #tpu.memory_space<semaphore_mem>>)
    %add3A_56 = arith.constant 393216 : i32
    %add3A_57 = arith.addi %mul3A_8, %add3A_56 : i32
    %dma_start3A_58 = tpu.memref_slice %arg2[%add3A_57] : memref<16777216xf32, #tpu.memory_space<hbm>> -> memref<32768xf32, #tpu.memory_space<hbm>>
    %dma_start3A_59 = tpu.memref_slice %arg2[%add3A_57] : memref<16777216xf32, #tpu.memory_space<hbm>> -> memref<32768xf32, #tpu.memory_space<hbm>>
    tpu.enqueue_dma source(%arg3 : memref<32768xf32, #tpu.memory_space<vmem>>) target(%dma_start3A_59 : memref<32768xf32, #tpu.memory_space<hbm>>) target_semaphore(%arg4 : memref<!tpu.dma_semaphore, #tpu.memory_space<semaphore_mem>>)
    %add3A_60 = arith.constant 425984 : i32
    %add3A_61 = arith.addi %mul3A_8, %add3A_60 : i32
    %dma_start3A_62 = tpu.memref_slice %arg2[%add3A_61] : memref<16777216xf32, #tpu.memory_space<hbm>> -> memref<32768xf32, #tpu.memory_space<hbm>>
    %dma_start3A_63 = tpu.memref_slice %arg2[%add3A_61] : memref<16777216xf32, #tpu.memory_space<hbm>> -> memref<32768xf32, #tpu.memory_space<hbm>>
    tpu.enqueue_dma source(%arg3 : memref<32768xf32, #tpu.memory_space<vmem>>) target(%dma_start3A_63 : memref<32768xf32, #tpu.memory_space<hbm>>) target_semaphore(%arg4 : memref<!tpu.dma_semaphore, #tpu.memory_space<semaphore_mem>>)
    %add3A_64 = arith.constant 458752 : i32
    %add3A_65 = arith.addi %mul3A_8, %add3A_64 : i32
    %dma_start3A_66 = tpu.memref_slice %arg2[%add3A_65] : memref<16777216xf32, #tpu.memory_space<hbm>> -> memref<32768xf32, #tpu.memory_space<hbm>>
    %dma_start3A_67 = tpu.memref_slice %arg2[%add3A_65] : memref<16777216xf32, #tpu.memory_space<hbm>> -> memref<32768xf32, #tpu.memory_space<hbm>>
    tpu.enqueue_dma source(%arg3 : memref<32768xf32, #tpu.memory_space<vmem>>) target(%dma_start3A_67 : memref<32768xf32, #tpu.memory_space<hbm>>) target_semaphore(%arg4 : memref<!tpu.dma_semaphore, #tpu.memory_space<semaphore_mem>>)
    %add3A_68 = arith.constant 491520 : i32
    %add3A_69 = arith.addi %mul3A_8, %add3A_68 : i32
    %dma_start3A_70 = tpu.memref_slice %arg2[%add3A_69] : memref<16777216xf32, #tpu.memory_space<hbm>> -> memref<32768xf32, #tpu.memory_space<hbm>>
    %dma_start3A_71 = tpu.memref_slice %arg2[%add3A_69] : memref<16777216xf32, #tpu.memory_space<hbm>> -> memref<32768xf32, #tpu.memory_space<hbm>>
    tpu.enqueue_dma source(%arg3 : memref<32768xf32, #tpu.memory_space<vmem>>) target(%dma_start3A_71 : memref<32768xf32, #tpu.memory_space<hbm>>) target_semaphore(%arg4 : memref<!tpu.dma_semaphore, #tpu.memory_space<semaphore_mem>>)
    %dma_wait3A = tpu.memref_slice %arg2[%add3A_10] : memref<16777216xf32, #tpu.memory_space<hbm>> -> memref<32768xf32, #tpu.memory_space<hbm>>
    %dma_wait3A_72 = tpu.memref_slice %arg2[%add3A_10] : memref<16777216xf32, #tpu.memory_space<hbm>> -> memref<32768xf32, #tpu.memory_space<hbm>>
    tpu.wait_dma2 semaphore(%arg4 : memref<!tpu.dma_semaphore, #tpu.memory_space<semaphore_mem>>) src(%arg3 : memref<32768xf32, #tpu.memory_space<vmem>>) dst(%dma_wait3A_72 : memref<32768xf32, #tpu.memory_space<hbm>>)
    %dma_wait3A_73 = tpu.memref_slice %arg2[%add3A_13] : memref<16777216xf32, #tpu.memory_space<hbm>> -> memref<32768xf32, #tpu.memory_space<hbm>>
    %dma_wait3A_74 = tpu.memref_slice %arg2[%add3A_13] : memref<16777216xf32, #tpu.memory_space<hbm>> -> memref<32768xf32, #tpu.memory_space<hbm>>
    tpu.wait_dma2 semaphore(%arg4 : memref<!tpu.dma_semaphore, #tpu.memory_space<semaphore_mem>>) src(%arg3 : memref<32768xf32, #tpu.memory_space<vmem>>) dst(%dma_wait3A_74 : memref<32768xf32, #tpu.memory_space<hbm>>)
    %dma_wait3A_75 = tpu.memref_slice %arg2[%add3A_17] : memref<16777216xf32, #tpu.memory_space<hbm>> -> memref<32768xf32, #tpu.memory_space<hbm>>
    %dma_wait3A_76 = tpu.memref_slice %arg2[%add3A_17] : memref<16777216xf32, #tpu.memory_space<hbm>> -> memref<32768xf32, #tpu.memory_space<hbm>>
    tpu.wait_dma2 semaphore(%arg4 : memref<!tpu.dma_semaphore, #tpu.memory_space<semaphore_mem>>) src(%arg3 : memref<32768xf32, #tpu.memory_space<vmem>>) dst(%dma_wait3A_76 : memref<32768xf32, #tpu.memory_space<hbm>>)
    %dma_wait3A_77 = tpu.memref_slice %arg2[%add3A_21] : memref<16777216xf32, #tpu.memory_space<hbm>> -> memref<32768xf32, #tpu.memory_space<hbm>>
    %dma_wait3A_78 = tpu.memref_slice %arg2[%add3A_21] : memref<16777216xf32, #tpu.memory_space<hbm>> -> memref<32768xf32, #tpu.memory_space<hbm>>
    tpu.wait_dma2 semaphore(%arg4 : memref<!tpu.dma_semaphore, #tpu.memory_space<semaphore_mem>>) src(%arg3 : memref<32768xf32, #tpu.memory_space<vmem>>) dst(%dma_wait3A_78 : memref<32768xf32, #tpu.memory_space<hbm>>)
    %dma_wait3A_79 = tpu.memref_slice %arg2[%add3A_25] : memref<16777216xf32, #tpu.memory_space<hbm>> -> memref<32768xf32, #tpu.memory_space<hbm>>
    %dma_wait3A_80 = tpu.memref_slice %arg2[%add3A_25] : memref<16777216xf32, #tpu.memory_space<hbm>> -> memref<32768xf32, #tpu.memory_space<hbm>>
    tpu.wait_dma2 semaphore(%arg4 : memref<!tpu.dma_semaphore, #tpu.memory_space<semaphore_mem>>) src(%arg3 : memref<32768xf32, #tpu.memory_space<vmem>>) dst(%dma_wait3A_80 : memref<32768xf32, #tpu.memory_space<hbm>>)
    %dma_wait3A_81 = tpu.memref_slice %arg2[%add3A_29] : memref<16777216xf32, #tpu.memory_space<hbm>> -> memref<32768xf32, #tpu.memory_space<hbm>>
    %dma_wait3A_82 = tpu.memref_slice %arg2[%add3A_29] : memref<16777216xf32, #tpu.memory_space<hbm>> -> memref<32768xf32, #tpu.memory_space<hbm>>
    tpu.wait_dma2 semaphore(%arg4 : memref<!tpu.dma_semaphore, #tpu.memory_space<semaphore_mem>>) src(%arg3 : memref<32768xf32, #tpu.memory_space<vmem>>) dst(%dma_wait3A_82 : memref<32768xf32, #tpu.memory_space<hbm>>)
    %dma_wait3A_83 = tpu.memref_slice %arg2[%add3A_33] : memref<16777216xf32, #tpu.memory_space<hbm>> -> memref<32768xf32, #tpu.memory_space<hbm>>
    %dma_wait3A_84 = tpu.memref_slice %arg2[%add3A_33] : memref<16777216xf32, #tpu.memory_space<hbm>> -> memref<32768xf32, #tpu.memory_space<hbm>>
    tpu.wait_dma2 semaphore(%arg4 : memref<!tpu.dma_semaphore, #tpu.memory_space<semaphore_mem>>) src(%arg3 : memref<32768xf32, #tpu.memory_space<vmem>>) dst(%dma_wait3A_84 : memref<32768xf32, #tpu.memory_space<hbm>>)
    %dma_wait3A_85 = tpu.memref_slice %arg2[%add3A_37] : memref<16777216xf32, #tpu.memory_space<hbm>> -> memref<32768xf32, #tpu.memory_space<hbm>>
    %dma_wait3A_86 = tpu.memref_slice %arg2[%add3A_37] : memref<16777216xf32, #tpu.memory_space<hbm>> -> memref<32768xf32, #tpu.memory_space<hbm>>
    tpu.wait_dma2 semaphore(%arg4 : memref<!tpu.dma_semaphore, #tpu.memory_space<semaphore_mem>>) src(%arg3 : memref<32768xf32, #tpu.memory_space<vmem>>) dst(%dma_wait3A_86 : memref<32768xf32, #tpu.memory_space<hbm>>)
    %dma_wait3A_87 = tpu.memref_slice %arg2[%add3A_41] : memref<16777216xf32, #tpu.memory_space<hbm>> -> memref<32768xf32, #tpu.memory_space<hbm>>
    %dma_wait3A_88 = tpu.memref_slice %arg2[%add3A_41] : memref<16777216xf32, #tpu.memory_space<hbm>> -> memref<32768xf32, #tpu.memory_space<hbm>>
    tpu.wait_dma2 semaphore(%arg4 : memref<!tpu.dma_semaphore, #tpu.memory_space<semaphore_mem>>) src(%arg3 : memref<32768xf32, #tpu.memory_space<vmem>>) dst(%dma_wait3A_88 : memref<32768xf32, #tpu.memory_space<hbm>>)
    %dma_wait3A_89 = tpu.memref_slice %arg2[%add3A_45] : memref<16777216xf32, #tpu.memory_space<hbm>> -> memref<32768xf32, #tpu.memory_space<hbm>>
    %dma_wait3A_90 = tpu.memref_slice %arg2[%add3A_45] : memref<16777216xf32, #tpu.memory_space<hbm>> -> memref<32768xf32, #tpu.memory_space<hbm>>
    tpu.wait_dma2 semaphore(%arg4 : memref<!tpu.dma_semaphore, #tpu.memory_space<semaphore_mem>>) src(%arg3 : memref<32768xf32, #tpu.memory_space<vmem>>) dst(%dma_wait3A_90 : memref<32768xf32, #tpu.memory_space<hbm>>)
    %dma_wait3A_91 = tpu.memref_slice %arg2[%add3A_49] : memref<16777216xf32, #tpu.memory_space<hbm>> -> memref<32768xf32, #tpu.memory_space<hbm>>
    %dma_wait3A_92 = tpu.memref_slice %arg2[%add3A_49] : memref<16777216xf32, #tpu.memory_space<hbm>> -> memref<32768xf32, #tpu.memory_space<hbm>>
    tpu.wait_dma2 semaphore(%arg4 : memref<!tpu.dma_semaphore, #tpu.memory_space<semaphore_mem>>) src(%arg3 : memref<32768xf32, #tpu.memory_space<vmem>>) dst(%dma_wait3A_92 : memref<32768xf32, #tpu.memory_space<hbm>>)
    %dma_wait3A_93 = tpu.memref_slice %arg2[%add3A_53] : memref<16777216xf32, #tpu.memory_space<hbm>> -> memref<32768xf32, #tpu.memory_space<hbm>>
    %dma_wait3A_94 = tpu.memref_slice %arg2[%add3A_53] : memref<16777216xf32, #tpu.memory_space<hbm>> -> memref<32768xf32, #tpu.memory_space<hbm>>
    tpu.wait_dma2 semaphore(%arg4 : memref<!tpu.dma_semaphore, #tpu.memory_space<semaphore_mem>>) src(%arg3 : memref<32768xf32, #tpu.memory_space<vmem>>) dst(%dma_wait3A_94 : memref<32768xf32, #tpu.memory_space<hbm>>)
    %dma_wait3A_95 = tpu.memref_slice %arg2[%add3A_57] : memref<16777216xf32, #tpu.memory_space<hbm>> -> memref<32768xf32, #tpu.memory_space<hbm>>
    %dma_wait3A_96 = tpu.memref_slice %arg2[%add3A_57] : memref<16777216xf32, #tpu.memory_space<hbm>> -> memref<32768xf32, #tpu.memory_space<hbm>>
    tpu.wait_dma2 semaphore(%arg4 : memref<!tpu.dma_semaphore, #tpu.memory_space<semaphore_mem>>) src(%arg3 : memref<32768xf32, #tpu.memory_space<vmem>>) dst(%dma_wait3A_96 : memref<32768xf32, #tpu.memory_space<hbm>>)
    %dma_wait3A_97 = tpu.memref_slice %arg2[%add3A_61] : memref<16777216xf32, #tpu.memory_space<hbm>> -> memref<32768xf32, #tpu.memory_space<hbm>>
    %dma_wait3A_98 = tpu.memref_slice %arg2[%add3A_61] : memref<16777216xf32, #tpu.memory_space<hbm>> -> memref<32768xf32, #tpu.memory_space<hbm>>
    tpu.wait_dma2 semaphore(%arg4 : memref<!tpu.dma_semaphore, #tpu.memory_space<semaphore_mem>>) src(%arg3 : memref<32768xf32, #tpu.memory_space<vmem>>) dst(%dma_wait3A_98 : memref<32768xf32, #tpu.memory_space<hbm>>)
    %dma_wait3A_99 = tpu.memref_slice %arg2[%add3A_65] : memref<16777216xf32, #tpu.memory_space<hbm>> -> memref<32768xf32, #tpu.memory_space<hbm>>
    %dma_wait3A_100 = tpu.memref_slice %arg2[%add3A_65] : memref<16777216xf32, #tpu.memory_space<hbm>> -> memref<32768xf32, #tpu.memory_space<hbm>>
    tpu.wait_dma2 semaphore(%arg4 : memref<!tpu.dma_semaphore, #tpu.memory_space<semaphore_mem>>) src(%arg3 : memref<32768xf32, #tpu.memory_space<vmem>>) dst(%dma_wait3A_100 : memref<32768xf32, #tpu.memory_space<hbm>>)
    %dma_wait3A_101 = tpu.memref_slice %arg2[%add3A_69] : memref<16777216xf32, #tpu.memory_space<hbm>> -> memref<32768xf32, #tpu.memory_space<hbm>>
    %dma_wait3A_102 = tpu.memref_slice %arg2[%add3A_69] : memref<16777216xf32, #tpu.memory_space<hbm>> -> memref<32768xf32, #tpu.memory_space<hbm>>
    tpu.wait_dma2 semaphore(%arg4 : memref<!tpu.dma_semaphore, #tpu.memory_space<semaphore_mem>>) src(%arg3 : memref<32768xf32, #tpu.memory_space<vmem>>) dst(%dma_wait3A_102 : memref<32768xf32, #tpu.memory_space<hbm>>)
    return
  }
}

#map = affine_map<(d0, d1) -> (0, 0)>
#map1 = affine_map<(d0, d1) -> (0)>
module attributes {stable_mosaic.version = 14 : i64} {
  func.func @new_body(%arg0: i32, %arg1: i32, %arg2: memref<128x128xi32, #tpu.memory_space<hbm>>, %arg3: memref<128x128xi32, #tpu.memory_space<hbm>>, %arg4: memref<128x128xf32, #tpu.memory_space<hbm>>, %arg5: memref<16777216xf32, #tpu.memory_space<hbm>>, %arg6: memref<16777216xf32, #tpu.memory_space<hbm>>, %arg7: memref<4x128xi32, #tpu.memory_space<vmem>>, %arg8: memref<4x128xi32, #tpu.memory_space<vmem>>, %arg9: memref<4x128xf32, #tpu.memory_space<vmem>>, %arg10: memref<128xi32, #tpu.memory_space<vmem>>, %arg11: memref<128xi32, #tpu.memory_space<vmem>>, %arg12: memref<128xi32, #tpu.memory_space<vmem>>, %arg13: memref<128xi32, #tpu.memory_space<vmem>>, %arg14: memref<!tpu.dma_semaphore, #tpu.memory_space<semaphore_mem>>) attributes {dimension_semantics = [#tpu.dimension_semantics<core_parallel>, #tpu.dimension_semantics<subcore_parallel>], iteration_bounds = array<i64: 2, 16>, scalar_prefetch = 0 : i64, scratch_operands = 8 : i64, tpu.core_type = #tpu.core_type<sc_vector_subcore>, window_params = [{transform_indices = #map}, {transform_indices = #map}, {transform_indices = #map}, {transform_indices = #map1}, {transform_indices = #map1}]} {
    %mul3A = arith.constant 2 : i32
    %mul3A_0 = arith.muli %arg1, %mul3A : i32
    %add3A = arith.addi %mul3A_0, %arg0 : i32
    %mul3A_1 = arith.constant 4 : i32
    %mul3A_2 = arith.muli %add3A, %mul3A_1 : i32
    "tpu.region"() ({
      %run_scoped3A = tpu.sem_alloc : memref<!tpu.dma_semaphore, #tpu.memory_space<semaphore_mem>>
      %dma_start3A_623 = arith.constant 0 : i32
      %dma_start3A_624 = tpu.memref_slice %arg2[%mul3A_2, %dma_start3A_623] : memref<128x128xi32, #tpu.memory_space<hbm>> -> memref<4x128xi32, #tpu.memory_space<hbm>>
      %dma_start3A_625 = arith.constant 0 : i32
      %dma_start3A_626 = tpu.memref_slice %arg2[%mul3A_2, %dma_start3A_625] : memref<128x128xi32, #tpu.memory_space<hbm>> -> memref<4x128xi32, #tpu.memory_space<hbm>>
      tpu.enqueue_dma source(%dma_start3A_626 : memref<4x128xi32, #tpu.memory_space<hbm>>) target(%arg7 : memref<4x128xi32, #tpu.memory_space<vmem>>) target_semaphore(%run_scoped3A : memref<!tpu.dma_semaphore, #tpu.memory_space<semaphore_mem>>)
      %dma_wait3A_627 = arith.constant 0 : i32
      %dma_wait3A_628 = tpu.memref_slice %arg2[%mul3A_2, %dma_wait3A_627] : memref<128x128xi32, #tpu.memory_space<hbm>> -> memref<4x128xi32, #tpu.memory_space<hbm>>
      %dma_wait3A_629 = arith.constant 0 : i32
      %dma_wait3A_630 = tpu.memref_slice %arg2[%mul3A_2, %dma_wait3A_629] : memref<128x128xi32, #tpu.memory_space<hbm>> -> memref<4x128xi32, #tpu.memory_space<hbm>>
      tpu.wait_dma2 semaphore(%run_scoped3A : memref<!tpu.dma_semaphore, #tpu.memory_space<semaphore_mem>>) src(%dma_wait3A_630 : memref<4x128xi32, #tpu.memory_space<hbm>>) dst(%arg7 : memref<4x128xi32, #tpu.memory_space<vmem>>)
      tpu.yield
    }) : () -> ()
    "tpu.region"() ({
      %run_scoped3A = tpu.sem_alloc : memref<!tpu.dma_semaphore, #tpu.memory_space<semaphore_mem>>
      %dma_start3A_623 = arith.constant 0 : i32
      %dma_start3A_624 = tpu.memref_slice %arg3[%mul3A_2, %dma_start3A_623] : memref<128x128xi32, #tpu.memory_space<hbm>> -> memref<4x128xi32, #tpu.memory_space<hbm>>
      %dma_start3A_625 = arith.constant 0 : i32
      %dma_start3A_626 = tpu.memref_slice %arg3[%mul3A_2, %dma_start3A_625] : memref<128x128xi32, #tpu.memory_space<hbm>> -> memref<4x128xi32, #tpu.memory_space<hbm>>
      tpu.enqueue_dma source(%dma_start3A_626 : memref<4x128xi32, #tpu.memory_space<hbm>>) target(%arg8 : memref<4x128xi32, #tpu.memory_space<vmem>>) target_semaphore(%run_scoped3A : memref<!tpu.dma_semaphore, #tpu.memory_space<semaphore_mem>>)
      %dma_wait3A_627 = arith.constant 0 : i32
      %dma_wait3A_628 = tpu.memref_slice %arg3[%mul3A_2, %dma_wait3A_627] : memref<128x128xi32, #tpu.memory_space<hbm>> -> memref<4x128xi32, #tpu.memory_space<hbm>>
      %dma_wait3A_629 = arith.constant 0 : i32
      %dma_wait3A_630 = tpu.memref_slice %arg3[%mul3A_2, %dma_wait3A_629] : memref<128x128xi32, #tpu.memory_space<hbm>> -> memref<4x128xi32, #tpu.memory_space<hbm>>
      tpu.wait_dma2 semaphore(%run_scoped3A : memref<!tpu.dma_semaphore, #tpu.memory_space<semaphore_mem>>) src(%dma_wait3A_630 : memref<4x128xi32, #tpu.memory_space<hbm>>) dst(%arg8 : memref<4x128xi32, #tpu.memory_space<vmem>>)
      tpu.yield
    }) : () -> ()
    "tpu.region"() ({
      %run_scoped3A = tpu.sem_alloc : memref<!tpu.dma_semaphore, #tpu.memory_space<semaphore_mem>>
      %dma_start3A_623 = arith.constant 0 : i32
      %dma_start3A_624 = tpu.memref_slice %arg4[%mul3A_2, %dma_start3A_623] : memref<128x128xf32, #tpu.memory_space<hbm>> -> memref<4x128xf32, #tpu.memory_space<hbm>>
      %dma_start3A_625 = arith.constant 0 : i32
      %dma_start3A_626 = tpu.memref_slice %arg4[%mul3A_2, %dma_start3A_625] : memref<128x128xf32, #tpu.memory_space<hbm>> -> memref<4x128xf32, #tpu.memory_space<hbm>>
      tpu.enqueue_dma source(%dma_start3A_626 : memref<4x128xf32, #tpu.memory_space<hbm>>) target(%arg9 : memref<4x128xf32, #tpu.memory_space<vmem>>) target_semaphore(%run_scoped3A : memref<!tpu.dma_semaphore, #tpu.memory_space<semaphore_mem>>)
      %dma_wait3A_627 = arith.constant 0 : i32
      %dma_wait3A_628 = tpu.memref_slice %arg4[%mul3A_2, %dma_wait3A_627] : memref<128x128xf32, #tpu.memory_space<hbm>> -> memref<4x128xf32, #tpu.memory_space<hbm>>
      %dma_wait3A_629 = arith.constant 0 : i32
      %dma_wait3A_630 = tpu.memref_slice %arg4[%mul3A_2, %dma_wait3A_629] : memref<128x128xf32, #tpu.memory_space<hbm>> -> memref<4x128xf32, #tpu.memory_space<hbm>>
      tpu.wait_dma2 semaphore(%run_scoped3A : memref<!tpu.dma_semaphore, #tpu.memory_space<semaphore_mem>>) src(%dma_wait3A_630 : memref<4x128xf32, #tpu.memory_space<hbm>>) dst(%arg9 : memref<4x128xf32, #tpu.memory_space<vmem>>)
      tpu.yield
    }) : () -> ()
    %get3A = arith.constant 0 : i32
    %get3A_3 = arith.index_cast %get3A : i32 to index
    %get3A_4 = arith.constant 0 : index
    %get3A_5 = tpu.vector_load %arg7[%get3A_3, %get3A_4] {strides = array<i32>} : memref<4x128xi32, #tpu.memory_space<vmem>>, vector<1x16xi32>,
    %get3A_6 = vector.shape_cast %get3A_5 : vector<1x16xi32> to vector<16xi32>
    %get3A_7 = arith.constant 0 : i32
    %get3A_8 = arith.index_cast %get3A_7 : i32 to index
    %get3A_9 = arith.constant 0 : index
    %get3A_10 = tpu.vector_load %arg8[%get3A_8, %get3A_9] {strides = array<i32>} : memref<4x128xi32, #tpu.memory_space<vmem>>, vector<1x16xi32>,
    %get3A_11 = vector.shape_cast %get3A_10 : vector<1x16xi32> to vector<16xi32>
    %mul3A_12 = arith.constant 4096 : i32
    %mul3A_13 = vector.broadcast %mul3A_12 : i32 to vector<16xi32>
    %mul3A_14 = arith.muli %get3A_6, %mul3A_13 : vector<16xi32>
    %add3A_15 = arith.addi %mul3A_14, %get3A_11 : vector<16xi32>
    %swap3A = arith.constant 0 : index
    %swap3A_16 = tpu.vector_load %arg10[%swap3A] {strides = array<i32>} : memref<128xi32, #tpu.memory_space<vmem>>, vector<16xi32>,
    %swap3A_17 = vector.shape_cast %swap3A_16 : vector<16xi32> to vector<16xi32>
    %swap3A_18 = vector.shape_cast %add3A_15 : vector<16xi32> to vector<16xi32>
    tpu.vector_store %arg10[%swap3A], %swap3A_18 {strides = array<i32>} : memref<128xi32, #tpu.memory_space<vmem>>, vector<16xi32>,
    %get3A_19 = arith.constant 0 : i32
    %get3A_20 = arith.index_cast %get3A_19 : i32 to index
    %get3A_21 = arith.constant 16 : index
    %get3A_22 = tpu.vector_load %arg7[%get3A_20, %get3A_21] {strides = array<i32>} : memref<4x128xi32, #tpu.memory_space<vmem>>, vector<1x16xi32>,
    %get3A_23 = vector.shape_cast %get3A_22 : vector<1x16xi32> to vector<16xi32>
    %get3A_24 = arith.constant 0 : i32
    %get3A_25 = arith.index_cast %get3A_24 : i32 to index
    %get3A_26 = arith.constant 16 : index
    %get3A_27 = tpu.vector_load %arg8[%get3A_25, %get3A_26] {strides = array<i32>} : memref<4x128xi32, #tpu.memory_space<vmem>>, vector<1x16xi32>,
    %get3A_28 = vector.shape_cast %get3A_27 : vector<1x16xi32> to vector<16xi32>
    %mul3A_29 = arith.constant 4096 : i32
    %mul3A_30 = vector.broadcast %mul3A_29 : i32 to vector<16xi32>
    %mul3A_31 = arith.muli %get3A_23, %mul3A_30 : vector<16xi32>
    %add3A_32 = arith.addi %mul3A_31, %get3A_28 : vector<16xi32>
    %swap3A_33 = arith.constant 16 : index
    %swap3A_34 = tpu.vector_load %arg10[%swap3A_33] {strides = array<i32>} : memref<128xi32, #tpu.memory_space<vmem>>, vector<16xi32>,
    %swap3A_35 = vector.shape_cast %swap3A_34 : vector<16xi32> to vector<16xi32>
    %swap3A_36 = vector.shape_cast %add3A_32 : vector<16xi32> to vector<16xi32>
    tpu.vector_store %arg10[%swap3A_33], %swap3A_36 {strides = array<i32>} : memref<128xi32, #tpu.memory_space<vmem>>, vector<16xi32>,
    %get3A_37 = arith.constant 0 : i32
    %get3A_38 = arith.index_cast %get3A_37 : i32 to index
    %get3A_39 = arith.constant 32 : index
    %get3A_40 = tpu.vector_load %arg7[%get3A_38, %get3A_39] {strides = array<i32>} : memref<4x128xi32, #tpu.memory_space<vmem>>, vector<1x16xi32>,
    %get3A_41 = vector.shape_cast %get3A_40 : vector<1x16xi32> to vector<16xi32>
    %get3A_42 = arith.constant 0 : i32
    %get3A_43 = arith.index_cast %get3A_42 : i32 to index
    %get3A_44 = arith.constant 32 : index
    %get3A_45 = tpu.vector_load %arg8[%get3A_43, %get3A_44] {strides = array<i32>} : memref<4x128xi32, #tpu.memory_space<vmem>>, vector<1x16xi32>,
    %get3A_46 = vector.shape_cast %get3A_45 : vector<1x16xi32> to vector<16xi32>
    %mul3A_47 = arith.constant 4096 : i32
    %mul3A_48 = vector.broadcast %mul3A_47 : i32 to vector<16xi32>
    %mul3A_49 = arith.muli %get3A_41, %mul3A_48 : vector<16xi32>
    %add3A_50 = arith.addi %mul3A_49, %get3A_46 : vector<16xi32>
    %swap3A_51 = arith.constant 32 : index
    %swap3A_52 = tpu.vector_load %arg10[%swap3A_51] {strides = array<i32>} : memref<128xi32, #tpu.memory_space<vmem>>, vector<16xi32>,
    %swap3A_53 = vector.shape_cast %swap3A_52 : vector<16xi32> to vector<16xi32>
    %swap3A_54 = vector.shape_cast %add3A_50 : vector<16xi32> to vector<16xi32>
    tpu.vector_store %arg10[%swap3A_51], %swap3A_54 {strides = array<i32>} : memref<128xi32, #tpu.memory_space<vmem>>, vector<16xi32>,
    %get3A_55 = arith.constant 0 : i32
    %get3A_56 = arith.index_cast %get3A_55 : i32 to index
    %get3A_57 = arith.constant 48 : index
    %get3A_58 = tpu.vector_load %arg7[%get3A_56, %get3A_57] {strides = array<i32>} : memref<4x128xi32, #tpu.memory_space<vmem>>, vector<1x16xi32>,
    %get3A_59 = vector.shape_cast %get3A_58 : vector<1x16xi32> to vector<16xi32>
    %get3A_60 = arith.constant 0 : i32
    %get3A_61 = arith.index_cast %get3A_60 : i32 to index
    %get3A_62 = arith.constant 48 : index
    %get3A_63 = tpu.vector_load %arg8[%get3A_61, %get3A_62] {strides = array<i32>} : memref<4x128xi32, #tpu.memory_space<vmem>>, vector<1x16xi32>,
    %get3A_64 = vector.shape_cast %get3A_63 : vector<1x16xi32> to vector<16xi32>
    %mul3A_65 = arith.constant 4096 : i32
    %mul3A_66 = vector.broadcast %mul3A_65 : i32 to vector<16xi32>
    %mul3A_67 = arith.muli %get3A_59, %mul3A_66 : vector<16xi32>
    %add3A_68 = arith.addi %mul3A_67, %get3A_64 : vector<16xi32>
    %swap3A_69 = arith.constant 48 : index
    %swap3A_70 = tpu.vector_load %arg10[%swap3A_69] {strides = array<i32>} : memref<128xi32, #tpu.memory_space<vmem>>, vector<16xi32>,
    %swap3A_71 = vector.shape_cast %swap3A_70 : vector<16xi32> to vector<16xi32>
    %swap3A_72 = vector.shape_cast %add3A_68 : vector<16xi32> to vector<16xi32>
    tpu.vector_store %arg10[%swap3A_69], %swap3A_72 {strides = array<i32>} : memref<128xi32, #tpu.memory_space<vmem>>, vector<16xi32>,
    %get3A_73 = arith.constant 0 : i32
    %get3A_74 = arith.index_cast %get3A_73 : i32 to index
    %get3A_75 = arith.constant 64 : index
    %get3A_76 = tpu.vector_load %arg7[%get3A_74, %get3A_75] {strides = array<i32>} : memref<4x128xi32, #tpu.memory_space<vmem>>, vector<1x16xi32>,
    %get3A_77 = vector.shape_cast %get3A_76 : vector<1x16xi32> to vector<16xi32>
    %get3A_78 = arith.constant 0 : i32
    %get3A_79 = arith.index_cast %get3A_78 : i32 to index
    %get3A_80 = arith.constant 64 : index
    %get3A_81 = tpu.vector_load %arg8[%get3A_79, %get3A_80] {strides = array<i32>} : memref<4x128xi32, #tpu.memory_space<vmem>>, vector<1x16xi32>,
    %get3A_82 = vector.shape_cast %get3A_81 : vector<1x16xi32> to vector<16xi32>
    %mul3A_83 = arith.constant 4096 : i32
    %mul3A_84 = vector.broadcast %mul3A_83 : i32 to vector<16xi32>
    %mul3A_85 = arith.muli %get3A_77, %mul3A_84 : vector<16xi32>
    %add3A_86 = arith.addi %mul3A_85, %get3A_82 : vector<16xi32>
    %swap3A_87 = arith.constant 64 : index
    %swap3A_88 = tpu.vector_load %arg10[%swap3A_87] {strides = array<i32>} : memref<128xi32, #tpu.memory_space<vmem>>, vector<16xi32>,
    %swap3A_89 = vector.shape_cast %swap3A_88 : vector<16xi32> to vector<16xi32>
    %swap3A_90 = vector.shape_cast %add3A_86 : vector<16xi32> to vector<16xi32>
    tpu.vector_store %arg10[%swap3A_87], %swap3A_90 {strides = array<i32>} : memref<128xi32, #tpu.memory_space<vmem>>, vector<16xi32>,
    %get3A_91 = arith.constant 0 : i32
    %get3A_92 = arith.index_cast %get3A_91 : i32 to index
    %get3A_93 = arith.constant 80 : index
    %get3A_94 = tpu.vector_load %arg7[%get3A_92, %get3A_93] {strides = array<i32>} : memref<4x128xi32, #tpu.memory_space<vmem>>, vector<1x16xi32>,
    %get3A_95 = vector.shape_cast %get3A_94 : vector<1x16xi32> to vector<16xi32>
    %get3A_96 = arith.constant 0 : i32
    %get3A_97 = arith.index_cast %get3A_96 : i32 to index
    %get3A_98 = arith.constant 80 : index
    %get3A_99 = tpu.vector_load %arg8[%get3A_97, %get3A_98] {strides = array<i32>} : memref<4x128xi32, #tpu.memory_space<vmem>>, vector<1x16xi32>,
    %get3A_100 = vector.shape_cast %get3A_99 : vector<1x16xi32> to vector<16xi32>
    %mul3A_101 = arith.constant 4096 : i32
    %mul3A_102 = vector.broadcast %mul3A_101 : i32 to vector<16xi32>
    %mul3A_103 = arith.muli %get3A_95, %mul3A_102 : vector<16xi32>
    %add3A_104 = arith.addi %mul3A_103, %get3A_100 : vector<16xi32>
    %swap3A_105 = arith.constant 80 : index
    %swap3A_106 = tpu.vector_load %arg10[%swap3A_105] {strides = array<i32>} : memref<128xi32, #tpu.memory_space<vmem>>, vector<16xi32>,
    %swap3A_107 = vector.shape_cast %swap3A_106 : vector<16xi32> to vector<16xi32>
    %swap3A_108 = vector.shape_cast %add3A_104 : vector<16xi32> to vector<16xi32>
    tpu.vector_store %arg10[%swap3A_105], %swap3A_108 {strides = array<i32>} : memref<128xi32, #tpu.memory_space<vmem>>, vector<16xi32>,
    %get3A_109 = arith.constant 0 : i32
    %get3A_110 = arith.index_cast %get3A_109 : i32 to index
    %get3A_111 = arith.constant 96 : index
    %get3A_112 = tpu.vector_load %arg7[%get3A_110, %get3A_111] {strides = array<i32>} : memref<4x128xi32, #tpu.memory_space<vmem>>, vector<1x16xi32>,
    %get3A_113 = vector.shape_cast %get3A_112 : vector<1x16xi32> to vector<16xi32>
    %get3A_114 = arith.constant 0 : i32
    %get3A_115 = arith.index_cast %get3A_114 : i32 to index
    %get3A_116 = arith.constant 96 : index
    %get3A_117 = tpu.vector_load %arg8[%get3A_115, %get3A_116] {strides = array<i32>} : memref<4x128xi32, #tpu.memory_space<vmem>>, vector<1x16xi32>,
    %get3A_118 = vector.shape_cast %get3A_117 : vector<1x16xi32> to vector<16xi32>
    %mul3A_119 = arith.constant 4096 : i32
    %mul3A_120 = vector.broadcast %mul3A_119 : i32 to vector<16xi32>
    %mul3A_121 = arith.muli %get3A_113, %mul3A_120 : vector<16xi32>
    %add3A_122 = arith.addi %mul3A_121, %get3A_118 : vector<16xi32>
    %swap3A_123 = arith.constant 96 : index
    %swap3A_124 = tpu.vector_load %arg10[%swap3A_123] {strides = array<i32>} : memref<128xi32, #tpu.memory_space<vmem>>, vector<16xi32>,
    %swap3A_125 = vector.shape_cast %swap3A_124 : vector<16xi32> to vector<16xi32>
    %swap3A_126 = vector.shape_cast %add3A_122 : vector<16xi32> to vector<16xi32>
    tpu.vector_store %arg10[%swap3A_123], %swap3A_126 {strides = array<i32>} : memref<128xi32, #tpu.memory_space<vmem>>, vector<16xi32>,
    %get3A_127 = arith.constant 0 : i32
    %get3A_128 = arith.index_cast %get3A_127 : i32 to index
    %get3A_129 = arith.constant 112 : index
    %get3A_130 = tpu.vector_load %arg7[%get3A_128, %get3A_129] {strides = array<i32>} : memref<4x128xi32, #tpu.memory_space<vmem>>, vector<1x16xi32>,
    %get3A_131 = vector.shape_cast %get3A_130 : vector<1x16xi32> to vector<16xi32>
    %get3A_132 = arith.constant 0 : i32
    %get3A_133 = arith.index_cast %get3A_132 : i32 to index
    %get3A_134 = arith.constant 112 : index
    %get3A_135 = tpu.vector_load %arg8[%get3A_133, %get3A_134] {strides = array<i32>} : memref<4x128xi32, #tpu.memory_space<vmem>>, vector<1x16xi32>,
    %get3A_136 = vector.shape_cast %get3A_135 : vector<1x16xi32> to vector<16xi32>
    %mul3A_137 = arith.constant 4096 : i32
    %mul3A_138 = vector.broadcast %mul3A_137 : i32 to vector<16xi32>
    %mul3A_139 = arith.muli %get3A_131, %mul3A_138 : vector<16xi32>
    %add3A_140 = arith.addi %mul3A_139, %get3A_136 : vector<16xi32>
    %swap3A_141 = arith.constant 112 : index
    %swap3A_142 = tpu.vector_load %arg10[%swap3A_141] {strides = array<i32>} : memref<128xi32, #tpu.memory_space<vmem>>, vector<16xi32>,
    %swap3A_143 = vector.shape_cast %swap3A_142 : vector<16xi32> to vector<16xi32>
    %swap3A_144 = vector.shape_cast %add3A_140 : vector<16xi32> to vector<16xi32>
    tpu.vector_store %arg10[%swap3A_141], %swap3A_144 {strides = array<i32>} : memref<128xi32, #tpu.memory_space<vmem>>, vector<16xi32>,
    %get3A_145 = arith.constant 1 : i32
    %get3A_146 = arith.index_cast %get3A_145 : i32 to index
    %get3A_147 = arith.constant 0 : index
    %get3A_148 = tpu.vector_load %arg7[%get3A_146, %get3A_147] {strides = array<i32>} : memref<4x128xi32, #tpu.memory_space<vmem>>, vector<1x16xi32>,
    %get3A_149 = vector.shape_cast %get3A_148 : vector<1x16xi32> to vector<16xi32>
    %get3A_150 = arith.constant 1 : i32
    %get3A_151 = arith.index_cast %get3A_150 : i32 to index
    %get3A_152 = arith.constant 0 : index
    %get3A_153 = tpu.vector_load %arg8[%get3A_151, %get3A_152] {strides = array<i32>} : memref<4x128xi32, #tpu.memory_space<vmem>>, vector<1x16xi32>,
    %get3A_154 = vector.shape_cast %get3A_153 : vector<1x16xi32> to vector<16xi32>
    %mul3A_155 = arith.constant 4096 : i32
    %mul3A_156 = vector.broadcast %mul3A_155 : i32 to vector<16xi32>
    %mul3A_157 = arith.muli %get3A_149, %mul3A_156 : vector<16xi32>
    %add3A_158 = arith.addi %mul3A_157, %get3A_154 : vector<16xi32>
    %swap3A_159 = arith.constant 0 : index
    %swap3A_160 = tpu.vector_load %arg11[%swap3A_159] {strides = array<i32>} : memref<128xi32, #tpu.memory_space<vmem>>, vector<16xi32>,
    %swap3A_161 = vector.shape_cast %swap3A_160 : vector<16xi32> to vector<16xi32>
    %swap3A_162 = vector.shape_cast %add3A_158 : vector<16xi32> to vector<16xi32>
    tpu.vector_store %arg11[%swap3A_159], %swap3A_162 {strides = array<i32>} : memref<128xi32, #tpu.memory_space<vmem>>, vector<16xi32>,
    %get3A_163 = arith.constant 1 : i32
    %get3A_164 = arith.index_cast %get3A_163 : i32 to index
    %get3A_165 = arith.constant 16 : index
    %get3A_166 = tpu.vector_load %arg7[%get3A_164, %get3A_165] {strides = array<i32>} : memref<4x128xi32, #tpu.memory_space<vmem>>, vector<1x16xi32>,
    %get3A_167 = vector.shape_cast %get3A_166 : vector<1x16xi32> to vector<16xi32>
    %get3A_168 = arith.constant 1 : i32
    %get3A_169 = arith.index_cast %get3A_168 : i32 to index
    %get3A_170 = arith.constant 16 : index
    %get3A_171 = tpu.vector_load %arg8[%get3A_169, %get3A_170] {strides = array<i32>} : memref<4x128xi32, #tpu.memory_space<vmem>>, vector<1x16xi32>,
    %get3A_172 = vector.shape_cast %get3A_171 : vector<1x16xi32> to vector<16xi32>
    %mul3A_173 = arith.constant 4096 : i32
    %mul3A_174 = vector.broadcast %mul3A_173 : i32 to vector<16xi32>
    %mul3A_175 = arith.muli %get3A_167, %mul3A_174 : vector<16xi32>
    %add3A_176 = arith.addi %mul3A_175, %get3A_172 : vector<16xi32>
    %swap3A_177 = arith.constant 16 : index
    %swap3A_178 = tpu.vector_load %arg11[%swap3A_177] {strides = array<i32>} : memref<128xi32, #tpu.memory_space<vmem>>, vector<16xi32>,
    %swap3A_179 = vector.shape_cast %swap3A_178 : vector<16xi32> to vector<16xi32>
    %swap3A_180 = vector.shape_cast %add3A_176 : vector<16xi32> to vector<16xi32>
    tpu.vector_store %arg11[%swap3A_177], %swap3A_180 {strides = array<i32>} : memref<128xi32, #tpu.memory_space<vmem>>, vector<16xi32>,
    %get3A_181 = arith.constant 1 : i32
    %get3A_182 = arith.index_cast %get3A_181 : i32 to index
    %get3A_183 = arith.constant 32 : index
    %get3A_184 = tpu.vector_load %arg7[%get3A_182, %get3A_183] {strides = array<i32>} : memref<4x128xi32, #tpu.memory_space<vmem>>, vector<1x16xi32>,
    %get3A_185 = vector.shape_cast %get3A_184 : vector<1x16xi32> to vector<16xi32>
    %get3A_186 = arith.constant 1 : i32
    %get3A_187 = arith.index_cast %get3A_186 : i32 to index
    %get3A_188 = arith.constant 32 : index
    %get3A_189 = tpu.vector_load %arg8[%get3A_187, %get3A_188] {strides = array<i32>} : memref<4x128xi32, #tpu.memory_space<vmem>>, vector<1x16xi32>,
    %get3A_190 = vector.shape_cast %get3A_189 : vector<1x16xi32> to vector<16xi32>
    %mul3A_191 = arith.constant 4096 : i32
    %mul3A_192 = vector.broadcast %mul3A_191 : i32 to vector<16xi32>
    %mul3A_193 = arith.muli %get3A_185, %mul3A_192 : vector<16xi32>
    %add3A_194 = arith.addi %mul3A_193, %get3A_190 : vector<16xi32>
    %swap3A_195 = arith.constant 32 : index
    %swap3A_196 = tpu.vector_load %arg11[%swap3A_195] {strides = array<i32>} : memref<128xi32, #tpu.memory_space<vmem>>, vector<16xi32>,
    %swap3A_197 = vector.shape_cast %swap3A_196 : vector<16xi32> to vector<16xi32>
    %swap3A_198 = vector.shape_cast %add3A_194 : vector<16xi32> to vector<16xi32>
    tpu.vector_store %arg11[%swap3A_195], %swap3A_198 {strides = array<i32>} : memref<128xi32, #tpu.memory_space<vmem>>, vector<16xi32>,
    %get3A_199 = arith.constant 1 : i32
    %get3A_200 = arith.index_cast %get3A_199 : i32 to index
    %get3A_201 = arith.constant 48 : index
    %get3A_202 = tpu.vector_load %arg7[%get3A_200, %get3A_201] {strides = array<i32>} : memref<4x128xi32, #tpu.memory_space<vmem>>, vector<1x16xi32>,
    %get3A_203 = vector.shape_cast %get3A_202 : vector<1x16xi32> to vector<16xi32>
    %get3A_204 = arith.constant 1 : i32
    %get3A_205 = arith.index_cast %get3A_204 : i32 to index
    %get3A_206 = arith.constant 48 : index
    %get3A_207 = tpu.vector_load %arg8[%get3A_205, %get3A_206] {strides = array<i32>} : memref<4x128xi32, #tpu.memory_space<vmem>>, vector<1x16xi32>,
    %get3A_208 = vector.shape_cast %get3A_207 : vector<1x16xi32> to vector<16xi32>
    %mul3A_209 = arith.constant 4096 : i32
    %mul3A_210 = vector.broadcast %mul3A_209 : i32 to vector<16xi32>
    %mul3A_211 = arith.muli %get3A_203, %mul3A_210 : vector<16xi32>
    %add3A_212 = arith.addi %mul3A_211, %get3A_208 : vector<16xi32>
    %swap3A_213 = arith.constant 48 : index
    %swap3A_214 = tpu.vector_load %arg11[%swap3A_213] {strides = array<i32>} : memref<128xi32, #tpu.memory_space<vmem>>, vector<16xi32>,
    %swap3A_215 = vector.shape_cast %swap3A_214 : vector<16xi32> to vector<16xi32>
    %swap3A_216 = vector.shape_cast %add3A_212 : vector<16xi32> to vector<16xi32>
    tpu.vector_store %arg11[%swap3A_213], %swap3A_216 {strides = array<i32>} : memref<128xi32, #tpu.memory_space<vmem>>, vector<16xi32>,
    %get3A_217 = arith.constant 1 : i32
    %get3A_218 = arith.index_cast %get3A_217 : i32 to index
    %get3A_219 = arith.constant 64 : index
    %get3A_220 = tpu.vector_load %arg7[%get3A_218, %get3A_219] {strides = array<i32>} : memref<4x128xi32, #tpu.memory_space<vmem>>, vector<1x16xi32>,
    %get3A_221 = vector.shape_cast %get3A_220 : vector<1x16xi32> to vector<16xi32>
    %get3A_222 = arith.constant 1 : i32
    %get3A_223 = arith.index_cast %get3A_222 : i32 to index
    %get3A_224 = arith.constant 64 : index
    %get3A_225 = tpu.vector_load %arg8[%get3A_223, %get3A_224] {strides = array<i32>} : memref<4x128xi32, #tpu.memory_space<vmem>>, vector<1x16xi32>,
    %get3A_226 = vector.shape_cast %get3A_225 : vector<1x16xi32> to vector<16xi32>
    %mul3A_227 = arith.constant 4096 : i32
    %mul3A_228 = vector.broadcast %mul3A_227 : i32 to vector<16xi32>
    %mul3A_229 = arith.muli %get3A_221, %mul3A_228 : vector<16xi32>
    %add3A_230 = arith.addi %mul3A_229, %get3A_226 : vector<16xi32>
    %swap3A_231 = arith.constant 64 : index
    %swap3A_232 = tpu.vector_load %arg11[%swap3A_231] {strides = array<i32>} : memref<128xi32, #tpu.memory_space<vmem>>, vector<16xi32>,
    %swap3A_233 = vector.shape_cast %swap3A_232 : vector<16xi32> to vector<16xi32>
    %swap3A_234 = vector.shape_cast %add3A_230 : vector<16xi32> to vector<16xi32>
    tpu.vector_store %arg11[%swap3A_231], %swap3A_234 {strides = array<i32>} : memref<128xi32, #tpu.memory_space<vmem>>, vector<16xi32>,
    %get3A_235 = arith.constant 1 : i32
    %get3A_236 = arith.index_cast %get3A_235 : i32 to index
    %get3A_237 = arith.constant 80 : index
    %get3A_238 = tpu.vector_load %arg7[%get3A_236, %get3A_237] {strides = array<i32>} : memref<4x128xi32, #tpu.memory_space<vmem>>, vector<1x16xi32>,
    %get3A_239 = vector.shape_cast %get3A_238 : vector<1x16xi32> to vector<16xi32>
    %get3A_240 = arith.constant 1 : i32
    %get3A_241 = arith.index_cast %get3A_240 : i32 to index
    %get3A_242 = arith.constant 80 : index
    %get3A_243 = tpu.vector_load %arg8[%get3A_241, %get3A_242] {strides = array<i32>} : memref<4x128xi32, #tpu.memory_space<vmem>>, vector<1x16xi32>,
    %get3A_244 = vector.shape_cast %get3A_243 : vector<1x16xi32> to vector<16xi32>
    %mul3A_245 = arith.constant 4096 : i32
    %mul3A_246 = vector.broadcast %mul3A_245 : i32 to vector<16xi32>
    %mul3A_247 = arith.muli %get3A_239, %mul3A_246 : vector<16xi32>
    %add3A_248 = arith.addi %mul3A_247, %get3A_244 : vector<16xi32>
    %swap3A_249 = arith.constant 80 : index
    %swap3A_250 = tpu.vector_load %arg11[%swap3A_249] {strides = array<i32>} : memref<128xi32, #tpu.memory_space<vmem>>, vector<16xi32>,
    %swap3A_251 = vector.shape_cast %swap3A_250 : vector<16xi32> to vector<16xi32>
    %swap3A_252 = vector.shape_cast %add3A_248 : vector<16xi32> to vector<16xi32>
    tpu.vector_store %arg11[%swap3A_249], %swap3A_252 {strides = array<i32>} : memref<128xi32, #tpu.memory_space<vmem>>, vector<16xi32>,
    %get3A_253 = arith.constant 1 : i32
    %get3A_254 = arith.index_cast %get3A_253 : i32 to index
    %get3A_255 = arith.constant 96 : index
    %get3A_256 = tpu.vector_load %arg7[%get3A_254, %get3A_255] {strides = array<i32>} : memref<4x128xi32, #tpu.memory_space<vmem>>, vector<1x16xi32>,
    %get3A_257 = vector.shape_cast %get3A_256 : vector<1x16xi32> to vector<16xi32>
    %get3A_258 = arith.constant 1 : i32
    %get3A_259 = arith.index_cast %get3A_258 : i32 to index
    %get3A_260 = arith.constant 96 : index
    %get3A_261 = tpu.vector_load %arg8[%get3A_259, %get3A_260] {strides = array<i32>} : memref<4x128xi32, #tpu.memory_space<vmem>>, vector<1x16xi32>,
    %get3A_262 = vector.shape_cast %get3A_261 : vector<1x16xi32> to vector<16xi32>
    %mul3A_263 = arith.constant 4096 : i32
    %mul3A_264 = vector.broadcast %mul3A_263 : i32 to vector<16xi32>
    %mul3A_265 = arith.muli %get3A_257, %mul3A_264 : vector<16xi32>
    %add3A_266 = arith.addi %mul3A_265, %get3A_262 : vector<16xi32>
    %swap3A_267 = arith.constant 96 : index
    %swap3A_268 = tpu.vector_load %arg11[%swap3A_267] {strides = array<i32>} : memref<128xi32, #tpu.memory_space<vmem>>, vector<16xi32>,
    %swap3A_269 = vector.shape_cast %swap3A_268 : vector<16xi32> to vector<16xi32>
    %swap3A_270 = vector.shape_cast %add3A_266 : vector<16xi32> to vector<16xi32>
    tpu.vector_store %arg11[%swap3A_267], %swap3A_270 {strides = array<i32>} : memref<128xi32, #tpu.memory_space<vmem>>, vector<16xi32>,
    %get3A_271 = arith.constant 1 : i32
    %get3A_272 = arith.index_cast %get3A_271 : i32 to index
    %get3A_273 = arith.constant 112 : index
    %get3A_274 = tpu.vector_load %arg7[%get3A_272, %get3A_273] {strides = array<i32>} : memref<4x128xi32, #tpu.memory_space<vmem>>, vector<1x16xi32>,
    %get3A_275 = vector.shape_cast %get3A_274 : vector<1x16xi32> to vector<16xi32>
    %get3A_276 = arith.constant 1 : i32
    %get3A_277 = arith.index_cast %get3A_276 : i32 to index
    %get3A_278 = arith.constant 112 : index
    %get3A_279 = tpu.vector_load %arg8[%get3A_277, %get3A_278] {strides = array<i32>} : memref<4x128xi32, #tpu.memory_space<vmem>>, vector<1x16xi32>,
    %get3A_280 = vector.shape_cast %get3A_279 : vector<1x16xi32> to vector<16xi32>
    %mul3A_281 = arith.constant 4096 : i32
    %mul3A_282 = vector.broadcast %mul3A_281 : i32 to vector<16xi32>
    %mul3A_283 = arith.muli %get3A_275, %mul3A_282 : vector<16xi32>
    %add3A_284 = arith.addi %mul3A_283, %get3A_280 : vector<16xi32>
    %swap3A_285 = arith.constant 112 : index
    %swap3A_286 = tpu.vector_load %arg11[%swap3A_285] {strides = array<i32>} : memref<128xi32, #tpu.memory_space<vmem>>, vector<16xi32>,
    %swap3A_287 = vector.shape_cast %swap3A_286 : vector<16xi32> to vector<16xi32>
    %swap3A_288 = vector.shape_cast %add3A_284 : vector<16xi32> to vector<16xi32>
    tpu.vector_store %arg11[%swap3A_285], %swap3A_288 {strides = array<i32>} : memref<128xi32, #tpu.memory_space<vmem>>, vector<16xi32>,
    %get3A_289 = arith.constant 2 : i32
    %get3A_290 = arith.index_cast %get3A_289 : i32 to index
    %get3A_291 = arith.constant 0 : index
    %get3A_292 = tpu.vector_load %arg7[%get3A_290, %get3A_291] {strides = array<i32>} : memref<4x128xi32, #tpu.memory_space<vmem>>, vector<1x16xi32>,
    %get3A_293 = vector.shape_cast %get3A_292 : vector<1x16xi32> to vector<16xi32>
    %get3A_294 = arith.constant 2 : i32
    %get3A_295 = arith.index_cast %get3A_294 : i32 to index
    %get3A_296 = arith.constant 0 : index
    %get3A_297 = tpu.vector_load %arg8[%get3A_295, %get3A_296] {strides = array<i32>} : memref<4x128xi32, #tpu.memory_space<vmem>>, vector<1x16xi32>,
    %get3A_298 = vector.shape_cast %get3A_297 : vector<1x16xi32> to vector<16xi32>
    %mul3A_299 = arith.constant 4096 : i32
    %mul3A_300 = vector.broadcast %mul3A_299 : i32 to vector<16xi32>
    %mul3A_301 = arith.muli %get3A_293, %mul3A_300 : vector<16xi32>
    %add3A_302 = arith.addi %mul3A_301, %get3A_298 : vector<16xi32>
    %swap3A_303 = arith.constant 0 : index
    %swap3A_304 = tpu.vector_load %arg12[%swap3A_303] {strides = array<i32>} : memref<128xi32, #tpu.memory_space<vmem>>, vector<16xi32>,
    %swap3A_305 = vector.shape_cast %swap3A_304 : vector<16xi32> to vector<16xi32>
    %swap3A_306 = vector.shape_cast %add3A_302 : vector<16xi32> to vector<16xi32>
    tpu.vector_store %arg12[%swap3A_303], %swap3A_306 {strides = array<i32>} : memref<128xi32, #tpu.memory_space<vmem>>, vector<16xi32>,
    %get3A_307 = arith.constant 2 : i32
    %get3A_308 = arith.index_cast %get3A_307 : i32 to index
    %get3A_309 = arith.constant 16 : index
    %get3A_310 = tpu.vector_load %arg7[%get3A_308, %get3A_309] {strides = array<i32>} : memref<4x128xi32, #tpu.memory_space<vmem>>, vector<1x16xi32>,
    %get3A_311 = vector.shape_cast %get3A_310 : vector<1x16xi32> to vector<16xi32>
    %get3A_312 = arith.constant 2 : i32
    %get3A_313 = arith.index_cast %get3A_312 : i32 to index
    %get3A_314 = arith.constant 16 : index
    %get3A_315 = tpu.vector_load %arg8[%get3A_313, %get3A_314] {strides = array<i32>} : memref<4x128xi32, #tpu.memory_space<vmem>>, vector<1x16xi32>,
    %get3A_316 = vector.shape_cast %get3A_315 : vector<1x16xi32> to vector<16xi32>
    %mul3A_317 = arith.constant 4096 : i32
    %mul3A_318 = vector.broadcast %mul3A_317 : i32 to vector<16xi32>
    %mul3A_319 = arith.muli %get3A_311, %mul3A_318 : vector<16xi32>
    %add3A_320 = arith.addi %mul3A_319, %get3A_316 : vector<16xi32>
    %swap3A_321 = arith.constant 16 : index
    %swap3A_322 = tpu.vector_load %arg12[%swap3A_321] {strides = array<i32>} : memref<128xi32, #tpu.memory_space<vmem>>, vector<16xi32>,
    %swap3A_323 = vector.shape_cast %swap3A_322 : vector<16xi32> to vector<16xi32>
    %swap3A_324 = vector.shape_cast %add3A_320 : vector<16xi32> to vector<16xi32>
    tpu.vector_store %arg12[%swap3A_321], %swap3A_324 {strides = array<i32>} : memref<128xi32, #tpu.memory_space<vmem>>, vector<16xi32>,
    %get3A_325 = arith.constant 2 : i32
    %get3A_326 = arith.index_cast %get3A_325 : i32 to index
    %get3A_327 = arith.constant 32 : index
    %get3A_328 = tpu.vector_load %arg7[%get3A_326, %get3A_327] {strides = array<i32>} : memref<4x128xi32, #tpu.memory_space<vmem>>, vector<1x16xi32>,
    %get3A_329 = vector.shape_cast %get3A_328 : vector<1x16xi32> to vector<16xi32>
    %get3A_330 = arith.constant 2 : i32
    %get3A_331 = arith.index_cast %get3A_330 : i32 to index
    %get3A_332 = arith.constant 32 : index
    %get3A_333 = tpu.vector_load %arg8[%get3A_331, %get3A_332] {strides = array<i32>} : memref<4x128xi32, #tpu.memory_space<vmem>>, vector<1x16xi32>,
    %get3A_334 = vector.shape_cast %get3A_333 : vector<1x16xi32> to vector<16xi32>
    %mul3A_335 = arith.constant 4096 : i32
    %mul3A_336 = vector.broadcast %mul3A_335 : i32 to vector<16xi32>
    %mul3A_337 = arith.muli %get3A_329, %mul3A_336 : vector<16xi32>
    %add3A_338 = arith.addi %mul3A_337, %get3A_334 : vector<16xi32>
    %swap3A_339 = arith.constant 32 : index
    %swap3A_340 = tpu.vector_load %arg12[%swap3A_339] {strides = array<i32>} : memref<128xi32, #tpu.memory_space<vmem>>, vector<16xi32>,
    %swap3A_341 = vector.shape_cast %swap3A_340 : vector<16xi32> to vector<16xi32>
    %swap3A_342 = vector.shape_cast %add3A_338 : vector<16xi32> to vector<16xi32>
    tpu.vector_store %arg12[%swap3A_339], %swap3A_342 {strides = array<i32>} : memref<128xi32, #tpu.memory_space<vmem>>, vector<16xi32>,
    %get3A_343 = arith.constant 2 : i32
    %get3A_344 = arith.index_cast %get3A_343 : i32 to index
    %get3A_345 = arith.constant 48 : index
    %get3A_346 = tpu.vector_load %arg7[%get3A_344, %get3A_345] {strides = array<i32>} : memref<4x128xi32, #tpu.memory_space<vmem>>, vector<1x16xi32>,
    %get3A_347 = vector.shape_cast %get3A_346 : vector<1x16xi32> to vector<16xi32>
    %get3A_348 = arith.constant 2 : i32
    %get3A_349 = arith.index_cast %get3A_348 : i32 to index
    %get3A_350 = arith.constant 48 : index
    %get3A_351 = tpu.vector_load %arg8[%get3A_349, %get3A_350] {strides = array<i32>} : memref<4x128xi32, #tpu.memory_space<vmem>>, vector<1x16xi32>,
    %get3A_352 = vector.shape_cast %get3A_351 : vector<1x16xi32> to vector<16xi32>
    %mul3A_353 = arith.constant 4096 : i32
    %mul3A_354 = vector.broadcast %mul3A_353 : i32 to vector<16xi32>
    %mul3A_355 = arith.muli %get3A_347, %mul3A_354 : vector<16xi32>
    %add3A_356 = arith.addi %mul3A_355, %get3A_352 : vector<16xi32>
    %swap3A_357 = arith.constant 48 : index
    %swap3A_358 = tpu.vector_load %arg12[%swap3A_357] {strides = array<i32>} : memref<128xi32, #tpu.memory_space<vmem>>, vector<16xi32>,
    %swap3A_359 = vector.shape_cast %swap3A_358 : vector<16xi32> to vector<16xi32>
    %swap3A_360 = vector.shape_cast %add3A_356 : vector<16xi32> to vector<16xi32>
    tpu.vector_store %arg12[%swap3A_357], %swap3A_360 {strides = array<i32>} : memref<128xi32, #tpu.memory_space<vmem>>, vector<16xi32>,
    %get3A_361 = arith.constant 2 : i32
    %get3A_362 = arith.index_cast %get3A_361 : i32 to index
    %get3A_363 = arith.constant 64 : index
    %get3A_364 = tpu.vector_load %arg7[%get3A_362, %get3A_363] {strides = array<i32>} : memref<4x128xi32, #tpu.memory_space<vmem>>, vector<1x16xi32>,
    %get3A_365 = vector.shape_cast %get3A_364 : vector<1x16xi32> to vector<16xi32>
    %get3A_366 = arith.constant 2 : i32
    %get3A_367 = arith.index_cast %get3A_366 : i32 to index
    %get3A_368 = arith.constant 64 : index
    %get3A_369 = tpu.vector_load %arg8[%get3A_367, %get3A_368] {strides = array<i32>} : memref<4x128xi32, #tpu.memory_space<vmem>>, vector<1x16xi32>,
    %get3A_370 = vector.shape_cast %get3A_369 : vector<1x16xi32> to vector<16xi32>
    %mul3A_371 = arith.constant 4096 : i32
    %mul3A_372 = vector.broadcast %mul3A_371 : i32 to vector<16xi32>
    %mul3A_373 = arith.muli %get3A_365, %mul3A_372 : vector<16xi32>
    %add3A_374 = arith.addi %mul3A_373, %get3A_370 : vector<16xi32>
    %swap3A_375 = arith.constant 64 : index
    %swap3A_376 = tpu.vector_load %arg12[%swap3A_375] {strides = array<i32>} : memref<128xi32, #tpu.memory_space<vmem>>, vector<16xi32>,
    %swap3A_377 = vector.shape_cast %swap3A_376 : vector<16xi32> to vector<16xi32>
    %swap3A_378 = vector.shape_cast %add3A_374 : vector<16xi32> to vector<16xi32>
    tpu.vector_store %arg12[%swap3A_375], %swap3A_378 {strides = array<i32>} : memref<128xi32, #tpu.memory_space<vmem>>, vector<16xi32>,
    %get3A_379 = arith.constant 2 : i32
    %get3A_380 = arith.index_cast %get3A_379 : i32 to index
    %get3A_381 = arith.constant 80 : index
    %get3A_382 = tpu.vector_load %arg7[%get3A_380, %get3A_381] {strides = array<i32>} : memref<4x128xi32, #tpu.memory_space<vmem>>, vector<1x16xi32>,
    %get3A_383 = vector.shape_cast %get3A_382 : vector<1x16xi32> to vector<16xi32>
    %get3A_384 = arith.constant 2 : i32
    %get3A_385 = arith.index_cast %get3A_384 : i32 to index
    %get3A_386 = arith.constant 80 : index
    %get3A_387 = tpu.vector_load %arg8[%get3A_385, %get3A_386] {strides = array<i32>} : memref<4x128xi32, #tpu.memory_space<vmem>>, vector<1x16xi32>,
    %get3A_388 = vector.shape_cast %get3A_387 : vector<1x16xi32> to vector<16xi32>
    %mul3A_389 = arith.constant 4096 : i32
    %mul3A_390 = vector.broadcast %mul3A_389 : i32 to vector<16xi32>
    %mul3A_391 = arith.muli %get3A_383, %mul3A_390 : vector<16xi32>
    %add3A_392 = arith.addi %mul3A_391, %get3A_388 : vector<16xi32>
    %swap3A_393 = arith.constant 80 : index
    %swap3A_394 = tpu.vector_load %arg12[%swap3A_393] {strides = array<i32>} : memref<128xi32, #tpu.memory_space<vmem>>, vector<16xi32>,
    %swap3A_395 = vector.shape_cast %swap3A_394 : vector<16xi32> to vector<16xi32>
    %swap3A_396 = vector.shape_cast %add3A_392 : vector<16xi32> to vector<16xi32>
    tpu.vector_store %arg12[%swap3A_393], %swap3A_396 {strides = array<i32>} : memref<128xi32, #tpu.memory_space<vmem>>, vector<16xi32>,
    %get3A_397 = arith.constant 2 : i32
    %get3A_398 = arith.index_cast %get3A_397 : i32 to index
    %get3A_399 = arith.constant 96 : index
    %get3A_400 = tpu.vector_load %arg7[%get3A_398, %get3A_399] {strides = array<i32>} : memref<4x128xi32, #tpu.memory_space<vmem>>, vector<1x16xi32>,
    %get3A_401 = vector.shape_cast %get3A_400 : vector<1x16xi32> to vector<16xi32>
    %get3A_402 = arith.constant 2 : i32
    %get3A_403 = arith.index_cast %get3A_402 : i32 to index
    %get3A_404 = arith.constant 96 : index
    %get3A_405 = tpu.vector_load %arg8[%get3A_403, %get3A_404] {strides = array<i32>} : memref<4x128xi32, #tpu.memory_space<vmem>>, vector<1x16xi32>,
    %get3A_406 = vector.shape_cast %get3A_405 : vector<1x16xi32> to vector<16xi32>
    %mul3A_407 = arith.constant 4096 : i32
    %mul3A_408 = vector.broadcast %mul3A_407 : i32 to vector<16xi32>
    %mul3A_409 = arith.muli %get3A_401, %mul3A_408 : vector<16xi32>
    %add3A_410 = arith.addi %mul3A_409, %get3A_406 : vector<16xi32>
    %swap3A_411 = arith.constant 96 : index
    %swap3A_412 = tpu.vector_load %arg12[%swap3A_411] {strides = array<i32>} : memref<128xi32, #tpu.memory_space<vmem>>, vector<16xi32>,
    %swap3A_413 = vector.shape_cast %swap3A_412 : vector<16xi32> to vector<16xi32>
    %swap3A_414 = vector.shape_cast %add3A_410 : vector<16xi32> to vector<16xi32>
    tpu.vector_store %arg12[%swap3A_411], %swap3A_414 {strides = array<i32>} : memref<128xi32, #tpu.memory_space<vmem>>, vector<16xi32>,
    %get3A_415 = arith.constant 2 : i32
    %get3A_416 = arith.index_cast %get3A_415 : i32 to index
    %get3A_417 = arith.constant 112 : index
    %get3A_418 = tpu.vector_load %arg7[%get3A_416, %get3A_417] {strides = array<i32>} : memref<4x128xi32, #tpu.memory_space<vmem>>, vector<1x16xi32>,
    %get3A_419 = vector.shape_cast %get3A_418 : vector<1x16xi32> to vector<16xi32>
    %get3A_420 = arith.constant 2 : i32
    %get3A_421 = arith.index_cast %get3A_420 : i32 to index
    %get3A_422 = arith.constant 112 : index
    %get3A_423 = tpu.vector_load %arg8[%get3A_421, %get3A_422] {strides = array<i32>} : memref<4x128xi32, #tpu.memory_space<vmem>>, vector<1x16xi32>,
    %get3A_424 = vector.shape_cast %get3A_423 : vector<1x16xi32> to vector<16xi32>
    %mul3A_425 = arith.constant 4096 : i32
    %mul3A_426 = vector.broadcast %mul3A_425 : i32 to vector<16xi32>
    %mul3A_427 = arith.muli %get3A_419, %mul3A_426 : vector<16xi32>
    %add3A_428 = arith.addi %mul3A_427, %get3A_424 : vector<16xi32>
    %swap3A_429 = arith.constant 112 : index
    %swap3A_430 = tpu.vector_load %arg12[%swap3A_429] {strides = array<i32>} : memref<128xi32, #tpu.memory_space<vmem>>, vector<16xi32>,
    %swap3A_431 = vector.shape_cast %swap3A_430 : vector<16xi32> to vector<16xi32>
    %swap3A_432 = vector.shape_cast %add3A_428 : vector<16xi32> to vector<16xi32>
    tpu.vector_store %arg12[%swap3A_429], %swap3A_432 {strides = array<i32>} : memref<128xi32, #tpu.memory_space<vmem>>, vector<16xi32>,
    %get3A_433 = arith.constant 3 : i32
    %get3A_434 = arith.index_cast %get3A_433 : i32 to index
    %get3A_435 = arith.constant 0 : index
    %get3A_436 = tpu.vector_load %arg7[%get3A_434, %get3A_435] {strides = array<i32>} : memref<4x128xi32, #tpu.memory_space<vmem>>, vector<1x16xi32>,
    %get3A_437 = vector.shape_cast %get3A_436 : vector<1x16xi32> to vector<16xi32>
    %get3A_438 = arith.constant 3 : i32
    %get3A_439 = arith.index_cast %get3A_438 : i32 to index
    %get3A_440 = arith.constant 0 : index
    %get3A_441 = tpu.vector_load %arg8[%get3A_439, %get3A_440] {strides = array<i32>} : memref<4x128xi32, #tpu.memory_space<vmem>>, vector<1x16xi32>,
    %get3A_442 = vector.shape_cast %get3A_441 : vector<1x16xi32> to vector<16xi32>
    %mul3A_443 = arith.constant 4096 : i32
    %mul3A_444 = vector.broadcast %mul3A_443 : i32 to vector<16xi32>
    %mul3A_445 = arith.muli %get3A_437, %mul3A_444 : vector<16xi32>
    %add3A_446 = arith.addi %mul3A_445, %get3A_442 : vector<16xi32>
    %swap3A_447 = arith.constant 0 : index
    %swap3A_448 = tpu.vector_load %arg13[%swap3A_447] {strides = array<i32>} : memref<128xi32, #tpu.memory_space<vmem>>, vector<16xi32>,
    %swap3A_449 = vector.shape_cast %swap3A_448 : vector<16xi32> to vector<16xi32>
    %swap3A_450 = vector.shape_cast %add3A_446 : vector<16xi32> to vector<16xi32>
    tpu.vector_store %arg13[%swap3A_447], %swap3A_450 {strides = array<i32>} : memref<128xi32, #tpu.memory_space<vmem>>, vector<16xi32>,
    %get3A_451 = arith.constant 3 : i32
    %get3A_452 = arith.index_cast %get3A_451 : i32 to index
    %get3A_453 = arith.constant 16 : index
    %get3A_454 = tpu.vector_load %arg7[%get3A_452, %get3A_453] {strides = array<i32>} : memref<4x128xi32, #tpu.memory_space<vmem>>, vector<1x16xi32>,
    %get3A_455 = vector.shape_cast %get3A_454 : vector<1x16xi32> to vector<16xi32>
    %get3A_456 = arith.constant 3 : i32
    %get3A_457 = arith.index_cast %get3A_456 : i32 to index
    %get3A_458 = arith.constant 16 : index
    %get3A_459 = tpu.vector_load %arg8[%get3A_457, %get3A_458] {strides = array<i32>} : memref<4x128xi32, #tpu.memory_space<vmem>>, vector<1x16xi32>,
    %get3A_460 = vector.shape_cast %get3A_459 : vector<1x16xi32> to vector<16xi32>
    %mul3A_461 = arith.constant 4096 : i32
    %mul3A_462 = vector.broadcast %mul3A_461 : i32 to vector<16xi32>
    %mul3A_463 = arith.muli %get3A_455, %mul3A_462 : vector<16xi32>
    %add3A_464 = arith.addi %mul3A_463, %get3A_460 : vector<16xi32>
    %swap3A_465 = arith.constant 16 : index
    %swap3A_466 = tpu.vector_load %arg13[%swap3A_465] {strides = array<i32>} : memref<128xi32, #tpu.memory_space<vmem>>, vector<16xi32>,
    %swap3A_467 = vector.shape_cast %swap3A_466 : vector<16xi32> to vector<16xi32>
    %swap3A_468 = vector.shape_cast %add3A_464 : vector<16xi32> to vector<16xi32>
    tpu.vector_store %arg13[%swap3A_465], %swap3A_468 {strides = array<i32>} : memref<128xi32, #tpu.memory_space<vmem>>, vector<16xi32>,
    %get3A_469 = arith.constant 3 : i32
    %get3A_470 = arith.index_cast %get3A_469 : i32 to index
    %get3A_471 = arith.constant 32 : index
    %get3A_472 = tpu.vector_load %arg7[%get3A_470, %get3A_471] {strides = array<i32>} : memref<4x128xi32, #tpu.memory_space<vmem>>, vector<1x16xi32>,
    %get3A_473 = vector.shape_cast %get3A_472 : vector<1x16xi32> to vector<16xi32>
    %get3A_474 = arith.constant 3 : i32
    %get3A_475 = arith.index_cast %get3A_474 : i32 to index
    %get3A_476 = arith.constant 32 : index
    %get3A_477 = tpu.vector_load %arg8[%get3A_475, %get3A_476] {strides = array<i32>} : memref<4x128xi32, #tpu.memory_space<vmem>>, vector<1x16xi32>,
    %get3A_478 = vector.shape_cast %get3A_477 : vector<1x16xi32> to vector<16xi32>
    %mul3A_479 = arith.constant 4096 : i32
    %mul3A_480 = vector.broadcast %mul3A_479 : i32 to vector<16xi32>
    %mul3A_481 = arith.muli %get3A_473, %mul3A_480 : vector<16xi32>
    %add3A_482 = arith.addi %mul3A_481, %get3A_478 : vector<16xi32>
    %swap3A_483 = arith.constant 32 : index
    %swap3A_484 = tpu.vector_load %arg13[%swap3A_483] {strides = array<i32>} : memref<128xi32, #tpu.memory_space<vmem>>, vector<16xi32>,
    %swap3A_485 = vector.shape_cast %swap3A_484 : vector<16xi32> to vector<16xi32>
    %swap3A_486 = vector.shape_cast %add3A_482 : vector<16xi32> to vector<16xi32>
    tpu.vector_store %arg13[%swap3A_483], %swap3A_486 {strides = array<i32>} : memref<128xi32, #tpu.memory_space<vmem>>, vector<16xi32>,
    %get3A_487 = arith.constant 3 : i32
    %get3A_488 = arith.index_cast %get3A_487 : i32 to index
    %get3A_489 = arith.constant 48 : index
    %get3A_490 = tpu.vector_load %arg7[%get3A_488, %get3A_489] {strides = array<i32>} : memref<4x128xi32, #tpu.memory_space<vmem>>, vector<1x16xi32>,
    %get3A_491 = vector.shape_cast %get3A_490 : vector<1x16xi32> to vector<16xi32>
    %get3A_492 = arith.constant 3 : i32
    %get3A_493 = arith.index_cast %get3A_492 : i32 to index
    %get3A_494 = arith.constant 48 : index
    %get3A_495 = tpu.vector_load %arg8[%get3A_493, %get3A_494] {strides = array<i32>} : memref<4x128xi32, #tpu.memory_space<vmem>>, vector<1x16xi32>,
    %get3A_496 = vector.shape_cast %get3A_495 : vector<1x16xi32> to vector<16xi32>
    %mul3A_497 = arith.constant 4096 : i32
    %mul3A_498 = vector.broadcast %mul3A_497 : i32 to vector<16xi32>
    %mul3A_499 = arith.muli %get3A_491, %mul3A_498 : vector<16xi32>
    %add3A_500 = arith.addi %mul3A_499, %get3A_496 : vector<16xi32>
    %swap3A_501 = arith.constant 48 : index
    %swap3A_502 = tpu.vector_load %arg13[%swap3A_501] {strides = array<i32>} : memref<128xi32, #tpu.memory_space<vmem>>, vector<16xi32>,
    %swap3A_503 = vector.shape_cast %swap3A_502 : vector<16xi32> to vector<16xi32>
    %swap3A_504 = vector.shape_cast %add3A_500 : vector<16xi32> to vector<16xi32>
    tpu.vector_store %arg13[%swap3A_501], %swap3A_504 {strides = array<i32>} : memref<128xi32, #tpu.memory_space<vmem>>, vector<16xi32>,
    %get3A_505 = arith.constant 3 : i32
    %get3A_506 = arith.index_cast %get3A_505 : i32 to index
    %get3A_507 = arith.constant 64 : index
    %get3A_508 = tpu.vector_load %arg7[%get3A_506, %get3A_507] {strides = array<i32>} : memref<4x128xi32, #tpu.memory_space<vmem>>, vector<1x16xi32>,
    %get3A_509 = vector.shape_cast %get3A_508 : vector<1x16xi32> to vector<16xi32>
    %get3A_510 = arith.constant 3 : i32
    %get3A_511 = arith.index_cast %get3A_510 : i32 to index
    %get3A_512 = arith.constant 64 : index
    %get3A_513 = tpu.vector_load %arg8[%get3A_511, %get3A_512] {strides = array<i32>} : memref<4x128xi32, #tpu.memory_space<vmem>>, vector<1x16xi32>,
    %get3A_514 = vector.shape_cast %get3A_513 : vector<1x16xi32> to vector<16xi32>
    %mul3A_515 = arith.constant 4096 : i32
    %mul3A_516 = vector.broadcast %mul3A_515 : i32 to vector<16xi32>
    %mul3A_517 = arith.muli %get3A_509, %mul3A_516 : vector<16xi32>
    %add3A_518 = arith.addi %mul3A_517, %get3A_514 : vector<16xi32>
    %swap3A_519 = arith.constant 64 : index
    %swap3A_520 = tpu.vector_load %arg13[%swap3A_519] {strides = array<i32>} : memref<128xi32, #tpu.memory_space<vmem>>, vector<16xi32>,
    %swap3A_521 = vector.shape_cast %swap3A_520 : vector<16xi32> to vector<16xi32>
    %swap3A_522 = vector.shape_cast %add3A_518 : vector<16xi32> to vector<16xi32>
    tpu.vector_store %arg13[%swap3A_519], %swap3A_522 {strides = array<i32>} : memref<128xi32, #tpu.memory_space<vmem>>, vector<16xi32>,
    %get3A_523 = arith.constant 3 : i32
    %get3A_524 = arith.index_cast %get3A_523 : i32 to index
    %get3A_525 = arith.constant 80 : index
    %get3A_526 = tpu.vector_load %arg7[%get3A_524, %get3A_525] {strides = array<i32>} : memref<4x128xi32, #tpu.memory_space<vmem>>, vector<1x16xi32>,
    %get3A_527 = vector.shape_cast %get3A_526 : vector<1x16xi32> to vector<16xi32>
    %get3A_528 = arith.constant 3 : i32
    %get3A_529 = arith.index_cast %get3A_528 : i32 to index
    %get3A_530 = arith.constant 80 : index
    %get3A_531 = tpu.vector_load %arg8[%get3A_529, %get3A_530] {strides = array<i32>} : memref<4x128xi32, #tpu.memory_space<vmem>>, vector<1x16xi32>,
    %get3A_532 = vector.shape_cast %get3A_531 : vector<1x16xi32> to vector<16xi32>
    %mul3A_533 = arith.constant 4096 : i32
    %mul3A_534 = vector.broadcast %mul3A_533 : i32 to vector<16xi32>
    %mul3A_535 = arith.muli %get3A_527, %mul3A_534 : vector<16xi32>
    %add3A_536 = arith.addi %mul3A_535, %get3A_532 : vector<16xi32>
    %swap3A_537 = arith.constant 80 : index
    %swap3A_538 = tpu.vector_load %arg13[%swap3A_537] {strides = array<i32>} : memref<128xi32, #tpu.memory_space<vmem>>, vector<16xi32>,
    %swap3A_539 = vector.shape_cast %swap3A_538 : vector<16xi32> to vector<16xi32>
    %swap3A_540 = vector.shape_cast %add3A_536 : vector<16xi32> to vector<16xi32>
    tpu.vector_store %arg13[%swap3A_537], %swap3A_540 {strides = array<i32>} : memref<128xi32, #tpu.memory_space<vmem>>, vector<16xi32>,
    %get3A_541 = arith.constant 3 : i32
    %get3A_542 = arith.index_cast %get3A_541 : i32 to index
    %get3A_543 = arith.constant 96 : index
    %get3A_544 = tpu.vector_load %arg7[%get3A_542, %get3A_543] {strides = array<i32>} : memref<4x128xi32, #tpu.memory_space<vmem>>, vector<1x16xi32>,
    %get3A_545 = vector.shape_cast %get3A_544 : vector<1x16xi32> to vector<16xi32>
    %get3A_546 = arith.constant 3 : i32
    %get3A_547 = arith.index_cast %get3A_546 : i32 to index
    %get3A_548 = arith.constant 96 : index
    %get3A_549 = tpu.vector_load %arg8[%get3A_547, %get3A_548] {strides = array<i32>} : memref<4x128xi32, #tpu.memory_space<vmem>>, vector<1x16xi32>,
    %get3A_550 = vector.shape_cast %get3A_549 : vector<1x16xi32> to vector<16xi32>
    %mul3A_551 = arith.constant 4096 : i32
    %mul3A_552 = vector.broadcast %mul3A_551 : i32 to vector<16xi32>
    %mul3A_553 = arith.muli %get3A_545, %mul3A_552 : vector<16xi32>
    %add3A_554 = arith.addi %mul3A_553, %get3A_550 : vector<16xi32>
    %swap3A_555 = arith.constant 96 : index
    %swap3A_556 = tpu.vector_load %arg13[%swap3A_555] {strides = array<i32>} : memref<128xi32, #tpu.memory_space<vmem>>, vector<16xi32>,
    %swap3A_557 = vector.shape_cast %swap3A_556 : vector<16xi32> to vector<16xi32>
    %swap3A_558 = vector.shape_cast %add3A_554 : vector<16xi32> to vector<16xi32>
    tpu.vector_store %arg13[%swap3A_555], %swap3A_558 {strides = array<i32>} : memref<128xi32, #tpu.memory_space<vmem>>, vector<16xi32>,
    %get3A_559 = arith.constant 3 : i32
    %get3A_560 = arith.index_cast %get3A_559 : i32 to index
    %get3A_561 = arith.constant 112 : index
    %get3A_562 = tpu.vector_load %arg7[%get3A_560, %get3A_561] {strides = array<i32>} : memref<4x128xi32, #tpu.memory_space<vmem>>, vector<1x16xi32>,
    %get3A_563 = vector.shape_cast %get3A_562 : vector<1x16xi32> to vector<16xi32>
    %get3A_564 = arith.constant 3 : i32
    %get3A_565 = arith.index_cast %get3A_564 : i32 to index
    %get3A_566 = arith.constant 112 : index
    %get3A_567 = tpu.vector_load %arg8[%get3A_565, %get3A_566] {strides = array<i32>} : memref<4x128xi32, #tpu.memory_space<vmem>>, vector<1x16xi32>,
    %get3A_568 = vector.shape_cast %get3A_567 : vector<1x16xi32> to vector<16xi32>
    %mul3A_569 = arith.constant 4096 : i32
    %mul3A_570 = vector.broadcast %mul3A_569 : i32 to vector<16xi32>
    %mul3A_571 = arith.muli %get3A_563, %mul3A_570 : vector<16xi32>
    %add3A_572 = arith.addi %mul3A_571, %get3A_568 : vector<16xi32>
    %swap3A_573 = arith.constant 112 : index
    %swap3A_574 = tpu.vector_load %arg13[%swap3A_573] {strides = array<i32>} : memref<128xi32, #tpu.memory_space<vmem>>, vector<16xi32>,
    %swap3A_575 = vector.shape_cast %swap3A_574 : vector<16xi32> to vector<16xi32>
    %swap3A_576 = vector.shape_cast %add3A_572 : vector<16xi32> to vector<16xi32>
    tpu.vector_store %arg13[%swap3A_573], %swap3A_576 {strides = array<i32>} : memref<128xi32, #tpu.memory_space<vmem>>, vector<16xi32>,
    %dma_start3A = arith.constant 0 : i32
    %dma_start3A_577 = arith.constant 0 : i32
    %dma_start3A_578 = tpu.memref_slice %arg9[%dma_start3A, %dma_start3A_577] : memref<4x128xf32, #tpu.memory_space<vmem>> -> memref<1x128xf32, #tpu.memory_space<vmem>>
    %dma_start3A_579 = tpu.memref_squeeze %dma_start3A_578 : memref<1x128xf32, #tpu.memory_space<vmem>> -> memref<128xf32, #tpu.memory_space<vmem>>
    %dma_start3A_580 = arith.constant 0 : i32
    %dma_start3A_581 = tpu.memref_slice %arg5[%dma_start3A_580] : memref<16777216xf32, #tpu.memory_space<hbm>> -> memref<16777216xf32, #tpu.memory_space<hbm>>
    tpu.enqueue_indirect_dma source(%dma_start3A_579 : memref<128xf32, #tpu.memory_space<vmem>>) target(%dma_start3A_581 : memref<16777216xf32, #tpu.memory_space<hbm>>) offsets(%arg10 : memref<128xi32, #tpu.memory_space<vmem>>) semaphore(%arg14 : memref<!tpu.dma_semaphore, #tpu.memory_space<semaphore_mem>>)
    %dma_start3A_582 = arith.constant 1 : i32
    %dma_start3A_583 = arith.constant 0 : i32
    %dma_start3A_584 = tpu.memref_slice %arg9[%dma_start3A_582, %dma_start3A_583] : memref<4x128xf32, #tpu.memory_space<vmem>> -> memref<1x128xf32, #tpu.memory_space<vmem>>
    %dma_start3A_585 = tpu.memref_squeeze %dma_start3A_584 : memref<1x128xf32, #tpu.memory_space<vmem>> -> memref<128xf32, #tpu.memory_space<vmem>>
    %dma_start3A_586 = arith.constant 0 : i32
    %dma_start3A_587 = tpu.memref_slice %arg5[%dma_start3A_586] : memref<16777216xf32, #tpu.memory_space<hbm>> -> memref<16777216xf32, #tpu.memory_space<hbm>>
    tpu.enqueue_indirect_dma source(%dma_start3A_585 : memref<128xf32, #tpu.memory_space<vmem>>) target(%dma_start3A_587 : memref<16777216xf32, #tpu.memory_space<hbm>>) offsets(%arg11 : memref<128xi32, #tpu.memory_space<vmem>>) semaphore(%arg14 : memref<!tpu.dma_semaphore, #tpu.memory_space<semaphore_mem>>)
    %dma_start3A_588 = arith.constant 2 : i32
    %dma_start3A_589 = arith.constant 0 : i32
    %dma_start3A_590 = tpu.memref_slice %arg9[%dma_start3A_588, %dma_start3A_589] : memref<4x128xf32, #tpu.memory_space<vmem>> -> memref<1x128xf32, #tpu.memory_space<vmem>>
    %dma_start3A_591 = tpu.memref_squeeze %dma_start3A_590 : memref<1x128xf32, #tpu.memory_space<vmem>> -> memref<128xf32, #tpu.memory_space<vmem>>
    %dma_start3A_592 = arith.constant 0 : i32
    %dma_start3A_593 = tpu.memref_slice %arg5[%dma_start3A_592] : memref<16777216xf32, #tpu.memory_space<hbm>> -> memref<16777216xf32, #tpu.memory_space<hbm>>
    tpu.enqueue_indirect_dma source(%dma_start3A_591 : memref<128xf32, #tpu.memory_space<vmem>>) target(%dma_start3A_593 : memref<16777216xf32, #tpu.memory_space<hbm>>) offsets(%arg12 : memref<128xi32, #tpu.memory_space<vmem>>) semaphore(%arg14 : memref<!tpu.dma_semaphore, #tpu.memory_space<semaphore_mem>>)
    %dma_start3A_594 = arith.constant 3 : i32
    %dma_start3A_595 = arith.constant 0 : i32
    %dma_start3A_596 = tpu.memref_slice %arg9[%dma_start3A_594, %dma_start3A_595] : memref<4x128xf32, #tpu.memory_space<vmem>> -> memref<1x128xf32, #tpu.memory_space<vmem>>
    %dma_start3A_597 = tpu.memref_squeeze %dma_start3A_596 : memref<1x128xf32, #tpu.memory_space<vmem>> -> memref<128xf32, #tpu.memory_space<vmem>>
    %dma_start3A_598 = arith.constant 0 : i32
    %dma_start3A_599 = tpu.memref_slice %arg5[%dma_start3A_598] : memref<16777216xf32, #tpu.memory_space<hbm>> -> memref<16777216xf32, #tpu.memory_space<hbm>>
    tpu.enqueue_indirect_dma source(%dma_start3A_597 : memref<128xf32, #tpu.memory_space<vmem>>) target(%dma_start3A_599 : memref<16777216xf32, #tpu.memory_space<hbm>>) offsets(%arg13 : memref<128xi32, #tpu.memory_space<vmem>>) semaphore(%arg14 : memref<!tpu.dma_semaphore, #tpu.memory_space<semaphore_mem>>)
    %dma_wait3A = arith.constant 0 : i32
    %dma_wait3A_600 = arith.constant 0 : i32
    %dma_wait3A_601 = tpu.memref_slice %arg9[%dma_wait3A, %dma_wait3A_600] : memref<4x128xf32, #tpu.memory_space<vmem>> -> memref<1x128xf32, #tpu.memory_space<vmem>>
    %dma_wait3A_602 = tpu.memref_squeeze %dma_wait3A_601 : memref<1x128xf32, #tpu.memory_space<vmem>> -> memref<128xf32, #tpu.memory_space<vmem>>
    %dma_wait3A_603 = arith.constant 0 : i32
    %dma_wait3A_604 = tpu.memref_slice %arg5[%dma_wait3A_603] : memref<16777216xf32, #tpu.memory_space<hbm>> -> memref<16777216xf32, #tpu.memory_space<hbm>>
    tpu.wait_indirect_dma semaphore(%arg14 : memref<!tpu.dma_semaphore, #tpu.memory_space<semaphore_mem>>) src(%dma_wait3A_602 : memref<128xf32, #tpu.memory_space<vmem>>) dst(%dma_wait3A_604 : memref<16777216xf32, #tpu.memory_space<hbm>>)
    %dma_wait3A_605 = arith.constant 1 : i32
    %dma_wait3A_606 = arith.constant 0 : i32
    %dma_wait3A_607 = tpu.memref_slice %arg9[%dma_wait3A_605, %dma_wait3A_606] : memref<4x128xf32, #tpu.memory_space<vmem>> -> memref<1x128xf32, #tpu.memory_space<vmem>>
    %dma_wait3A_608 = tpu.memref_squeeze %dma_wait3A_607 : memref<1x128xf32, #tpu.memory_space<vmem>> -> memref<128xf32, #tpu.memory_space<vmem>>
    %dma_wait3A_609 = arith.constant 0 : i32
    %dma_wait3A_610 = tpu.memref_slice %arg5[%dma_wait3A_609] : memref<16777216xf32, #tpu.memory_space<hbm>> -> memref<16777216xf32, #tpu.memory_space<hbm>>
    tpu.wait_indirect_dma semaphore(%arg14 : memref<!tpu.dma_semaphore, #tpu.memory_space<semaphore_mem>>) src(%dma_wait3A_608 : memref<128xf32, #tpu.memory_space<vmem>>) dst(%dma_wait3A_610 : memref<16777216xf32, #tpu.memory_space<hbm>>)
    %dma_wait3A_611 = arith.constant 2 : i32
    %dma_wait3A_612 = arith.constant 0 : i32
    %dma_wait3A_613 = tpu.memref_slice %arg9[%dma_wait3A_611, %dma_wait3A_612] : memref<4x128xf32, #tpu.memory_space<vmem>> -> memref<1x128xf32, #tpu.memory_space<vmem>>
    %dma_wait3A_614 = tpu.memref_squeeze %dma_wait3A_613 : memref<1x128xf32, #tpu.memory_space<vmem>> -> memref<128xf32, #tpu.memory_space<vmem>>
    %dma_wait3A_615 = arith.constant 0 : i32
    %dma_wait3A_616 = tpu.memref_slice %arg5[%dma_wait3A_615] : memref<16777216xf32, #tpu.memory_space<hbm>> -> memref<16777216xf32, #tpu.memory_space<hbm>>
    tpu.wait_indirect_dma semaphore(%arg14 : memref<!tpu.dma_semaphore, #tpu.memory_space<semaphore_mem>>) src(%dma_wait3A_614 : memref<128xf32, #tpu.memory_space<vmem>>) dst(%dma_wait3A_616 : memref<16777216xf32, #tpu.memory_space<hbm>>)
    %dma_wait3A_617 = arith.constant 3 : i32
    %dma_wait3A_618 = arith.constant 0 : i32
    %dma_wait3A_619 = tpu.memref_slice %arg9[%dma_wait3A_617, %dma_wait3A_618] : memref<4x128xf32, #tpu.memory_space<vmem>> -> memref<1x128xf32, #tpu.memory_space<vmem>>
    %dma_wait3A_620 = tpu.memref_squeeze %dma_wait3A_619 : memref<1x128xf32, #tpu.memory_space<vmem>> -> memref<128xf32, #tpu.memory_space<vmem>>
    %dma_wait3A_621 = arith.constant 0 : i32
    %dma_wait3A_622 = tpu.memref_slice %arg5[%dma_wait3A_621] : memref<16777216xf32, #tpu.memory_space<hbm>> -> memref<16777216xf32, #tpu.memory_space<hbm>>
    tpu.wait_indirect_dma semaphore(%arg14 : memref<!tpu.dma_semaphore, #tpu.memory_space<semaphore_mem>>) src(%dma_wait3A_620 : memref<128xf32, #tpu.memory_space<vmem>>) dst(%dma_wait3A_622 : memref<16777216xf32, #tpu.memory_space<hbm>>)
    return
  }
}

module attributes {stable_mosaic.version = 14 : i64} {
  func.func @_prep_body(%arg0: i32, %arg1: memref<1024x4xf32, #tpu.memory_space<vmem>>, %arg2: memref<1024x1xi32, #tpu.memory_space<vmem>>, %arg3: memref<150x300xf32, #tpu.memory_space<vmem>>, %arg4: memref<9x128xf32, #tpu.memory_space<vmem>>, %arg5: memref<1x128xf32, #tpu.memory_space<vmem>>, %arg6: memref<128x128xf32, #tpu.memory_space<vmem>>, %arg7: memref<1x128xf32, #tpu.memory_space<vmem>>, %arg8: memref<128x512xf32, #tpu.memory_space<vmem>>, %arg9: memref<300x512xf32, #tpu.memory_space<vmem>>, %arg10: memref<128x512xf32, #tpu.memory_space<vmem>>, %arg11: memref<300x512xf32, #tpu.memory_space<vmem>>, %arg12: memref<1024x256xi32, #tpu.memory_space<vmem>>, %arg13: memref<1024x256xi32, #tpu.memory_space<vmem>>) attributes {dimension_semantics = [#tpu.dimension_semantics<arbitrary>], iteration_bounds = array<i64: 4>, scalar_prefetch = 0 : i64, scratch_operands = 0 : i64, tpu.core_type = #tpu.core_type<tc>, window_params = [{transform_indices = @transform_0, window_bounds = array<i64: 1024, 4>}, {transform_indices = @transform_1, window_bounds = array<i64: 1024, 1>}, {pipeline_mode = #tpu.pipeline_mode<synchronous>, transform_indices = @transform_2, window_bounds = array<i64: 150, 300>}, {pipeline_mode = #tpu.pipeline_mode<synchronous>, transform_indices = @transform_3, window_bounds = array<i64: 9, 128>}, {pipeline_mode = #tpu.pipeline_mode<synchronous>, transform_indices = @transform_4, window_bounds = array<i64: 1, 128>}, {pipeline_mode = #tpu.pipeline_mode<synchronous>, transform_indices = @transform_5, window_bounds = array<i64: 128, 128>}, {pipeline_mode = #tpu.pipeline_mode<synchronous>, transform_indices = @transform_6, window_bounds = array<i64: 1, 128>}, {pipeline_mode = #tpu.pipeline_mode<synchronous>, transform_indices = @transform_7, window_bounds = array<i64: 128, 512>}, {pipeline_mode = #tpu.pipeline_mode<synchronous>, transform_indices = @transform_8, window_bounds = array<i64: 300, 512>}, {pipeline_mode = #tpu.pipeline_mode<synchronous>, transform_indices = @transform_9, window_bounds = array<i64: 128, 512>}, {pipeline_mode = #tpu.pipeline_mode<synchronous>, transform_indices = @transform_10, window_bounds = array<i64: 300, 512>}, {transform_indices = @transform_11, window_bounds = array<i64: 1024, 256>}, {transform_indices = @transform_12, window_bounds = array<i64: 1024, 256>}]} {
    %get3A = arith.constant 0 : index
    %get3A_0 = arith.constant 0 : index
    %get3A_1 = vector.load %arg1[%get3A, %get3A_0] : memref<1024x4xf32, #tpu.memory_space<vmem>>, vector<1024x4xf32>
    %slice3A = vector.extract_strided_slice %get3A_1 {offsets = [0, 0], sizes = [1024, 1], strides = [1, 1]} : vector<1024x4xf32> to vector<1024x1xf32>
    %slice3A_2 = vector.extract_strided_slice %get3A_1 {offsets = [0, 1], sizes = [1024, 1], strides = [1, 1]} : vector<1024x4xf32> to vector<1024x1xf32>
    %slice3A_3 = vector.extract_strided_slice %get3A_1 {offsets = [0, 2], sizes = [1024, 1], strides = [1, 1]} : vector<1024x4xf32> to vector<1024x1xf32>
    %slice3A_4 = vector.extract_strided_slice %get3A_1 {offsets = [0, 3], sizes = [1024, 1], strides = [1, 1]} : vector<1024x4xf32> to vector<1024x1xf32>
    %sub3A = arith.subf %slice3A_3, %slice3A : vector<1024x1xf32>
    %add3A = arith.constant 1.000000e+00 : f32
    %add3A_5 = vector.broadcast %add3A : f32 to vector<1024x1xf32>
    %add3A_6 = arith.addf %sub3A, %add3A_5 : vector<1024x1xf32>
    %sub3A_7 = arith.subf %slice3A_4, %slice3A_2 : vector<1024x1xf32>
    %add3A_8 = arith.constant 1.000000e+00 : f32
    %add3A_9 = vector.broadcast %add3A_8 : f32 to vector<1024x1xf32>
    %add3A_10 = arith.addf %sub3A_7, %add3A_9 : vector<1024x1xf32>
    %mul3A = arith.constant 5.000000e-01 : f32
    %mul3A_11 = vector.broadcast %mul3A : f32 to vector<1024x1xf32>
    %mul3A_12 = arith.mulf %mul3A_11, %add3A_6 : vector<1024x1xf32>
    %add3A_13 = arith.addf %slice3A, %mul3A_12 : vector<1024x1xf32>
    %mul3A_14 = arith.constant 5.000000e-01 : f32
    %mul3A_15 = vector.broadcast %mul3A_14 : f32 to vector<1024x1xf32>
    %mul3A_16 = arith.mulf %mul3A_15, %add3A_10 : vector<1024x1xf32>
    %add3A_17 = arith.addf %slice3A_2, %mul3A_16 : vector<1024x1xf32>
    %mul3A_18 = arith.mulf %add3A_6, %add3A_10 : vector<1024x1xf32>
    %get3A_19 = arith.constant 0 : index
    %get3A_20 = arith.constant 0 : index
    %get3A_21 = vector.load %arg5[%get3A_19, %get3A_20] : memref<1x128xf32, #tpu.memory_space<vmem>>, vector<1x128xf32>
    %get3A_22 = arith.constant 0 : index
    %get3A_23 = arith.constant 0 : index
    %get3A_24 = vector.load %arg4[%get3A_22, %get3A_23] : memref<9x128xf32, #tpu.memory_space<vmem>>, vector<1x128xf32>
    %mul3A_25 = vector.broadcast %add3A_6 : vector<1024x1xf32> to vector<1024x128xf32>
    %mul3A_26 = vector.broadcast %get3A_24 : vector<1x128xf32> to vector<1024x128xf32>
    %mul3A_27 = arith.mulf %mul3A_25, %mul3A_26 : vector<1024x128xf32>
    %add3A_28 = vector.broadcast %get3A_21 : vector<1x128xf32> to vector<1024x128xf32>
    %add3A_29 = arith.addf %add3A_28, %mul3A_27 : vector<1024x128xf32>
    %get3A_30 = arith.constant 1 : index
    %get3A_31 = arith.constant 0 : index
    %get3A_32 = vector.load %arg4[%get3A_30, %get3A_31] : memref<9x128xf32, #tpu.memory_space<vmem>>, vector<1x128xf32>
    %mul3A_33 = vector.broadcast %add3A_10 : vector<1024x1xf32> to vector<1024x128xf32>
    %mul3A_34 = vector.broadcast %get3A_32 : vector<1x128xf32> to vector<1024x128xf32>
    %mul3A_35 = arith.mulf %mul3A_33, %mul3A_34 : vector<1024x128xf32>
    %add3A_36 = arith.addf %add3A_29, %mul3A_35 : vector<1024x128xf32>
    %get3A_37 = arith.constant 2 : index
    %get3A_38 = arith.constant 0 : index
    %get3A_39 = vector.load %arg4[%get3A_37, %get3A_38] : memref<9x128xf32, #tpu.memory_space<vmem>>, vector<1x128xf32>
    %mul3A_40 = vector.broadcast %add3A_13 : vector<1024x1xf32> to vector<1024x128xf32>
    %mul3A_41 = vector.broadcast %get3A_39 : vector<1x128xf32> to vector<1024x128xf32>
    %mul3A_42 = arith.mulf %mul3A_40, %mul3A_41 : vector<1024x128xf32>
    %add3A_43 = arith.addf %add3A_36, %mul3A_42 : vector<1024x128xf32>
    %get3A_44 = arith.constant 3 : index
    %get3A_45 = arith.constant 0 : index
    %get3A_46 = vector.load %arg4[%get3A_44, %get3A_45] : memref<9x128xf32, #tpu.memory_space<vmem>>, vector<1x128xf32>
    %mul3A_47 = vector.broadcast %add3A_17 : vector<1024x1xf32> to vector<1024x128xf32>
    %mul3A_48 = vector.broadcast %get3A_46 : vector<1x128xf32> to vector<1024x128xf32>
    %mul3A_49 = arith.mulf %mul3A_47, %mul3A_48 : vector<1024x128xf32>
    %add3A_50 = arith.addf %add3A_43, %mul3A_49 : vector<1024x128xf32>
    %get3A_51 = arith.constant 4 : index
    %get3A_52 = arith.constant 0 : index
    %get3A_53 = vector.load %arg4[%get3A_51, %get3A_52] : memref<9x128xf32, #tpu.memory_space<vmem>>, vector<1x128xf32>
    %mul3A_54 = vector.broadcast %slice3A : vector<1024x1xf32> to vector<1024x128xf32>
    %mul3A_55 = vector.broadcast %get3A_53 : vector<1x128xf32> to vector<1024x128xf32>
    %mul3A_56 = arith.mulf %mul3A_54, %mul3A_55 : vector<1024x128xf32>
    %add3A_57 = arith.addf %add3A_50, %mul3A_56 : vector<1024x128xf32>
    %get3A_58 = arith.constant 5 : index
    %get3A_59 = arith.constant 0 : index
    %get3A_60 = vector.load %arg4[%get3A_58, %get3A_59] : memref<9x128xf32, #tpu.memory_space<vmem>>, vector<1x128xf32>
    %mul3A_61 = vector.broadcast %slice3A_2 : vector<1024x1xf32> to vector<1024x128xf32>
    %mul3A_62 = vector.broadcast %get3A_60 : vector<1x128xf32> to vector<1024x128xf32>
    %mul3A_63 = arith.mulf %mul3A_61, %mul3A_62 : vector<1024x128xf32>
    %add3A_64 = arith.addf %add3A_57, %mul3A_63 : vector<1024x128xf32>
    %get3A_65 = arith.constant 6 : index
    %get3A_66 = arith.constant 0 : index
    %get3A_67 = vector.load %arg4[%get3A_65, %get3A_66] : memref<9x128xf32, #tpu.memory_space<vmem>>, vector<1x128xf32>
    %mul3A_68 = vector.broadcast %slice3A_3 : vector<1024x1xf32> to vector<1024x128xf32>
    %mul3A_69 = vector.broadcast %get3A_67 : vector<1x128xf32> to vector<1024x128xf32>
    %mul3A_70 = arith.mulf %mul3A_68, %mul3A_69 : vector<1024x128xf32>
    %add3A_71 = arith.addf %add3A_64, %mul3A_70 : vector<1024x128xf32>
    %get3A_72 = arith.constant 7 : index
    %get3A_73 = arith.constant 0 : index
    %get3A_74 = vector.load %arg4[%get3A_72, %get3A_73] : memref<9x128xf32, #tpu.memory_space<vmem>>, vector<1x128xf32>
    %mul3A_75 = vector.broadcast %slice3A_4 : vector<1024x1xf32> to vector<1024x128xf32>
    %mul3A_76 = vector.broadcast %get3A_74 : vector<1x128xf32> to vector<1024x128xf32>
    %mul3A_77 = arith.mulf %mul3A_75, %mul3A_76 : vector<1024x128xf32>
    %add3A_78 = arith.addf %add3A_71, %mul3A_77 : vector<1024x128xf32>
    %get3A_79 = arith.constant 8 : index
    %get3A_80 = arith.constant 0 : index
    %get3A_81 = vector.load %arg4[%get3A_79, %get3A_80] : memref<9x128xf32, #tpu.memory_space<vmem>>, vector<1x128xf32>
    %mul3A_82 = vector.broadcast %mul3A_18 : vector<1024x1xf32> to vector<1024x128xf32>
    %mul3A_83 = vector.broadcast %get3A_81 : vector<1x128xf32> to vector<1024x128xf32>
    %mul3A_84 = arith.mulf %mul3A_82, %mul3A_83 : vector<1024x128xf32>
    %add3A_85 = arith.addf %add3A_78, %mul3A_84 : vector<1024x128xf32>
    %max3A = arith.constant 0.000000e+00 : f32
    %max3A_86 = vector.broadcast %max3A : f32 to vector<1024x128xf32>
    %max3A_87 = arith.maximumf %add3A_85, %max3A_86 : vector<1024x128xf32>
    %get3A_88 = arith.constant 0 : index
    %get3A_89 = arith.constant 0 : index
    %get3A_90 = vector.load %arg6[%get3A_88, %get3A_89] : memref<128x128xf32, #tpu.memory_space<vmem>>, vector<128x128xf32>
    %dot_general3A = arith.constant dense<0.000000e+00> : vector<1024x128xf32>
    %dot_general3A_91 = tpu.matmul %max3A_87, %get3A_90, %dot_general3A {dimension_numbers = #tpu.dot_dimension_numbers<[1], [0], [0], [1], [0, 0, 1, 1], [], []>, transpose_lhs_hint = false} : vector<1024x128xf32>, vector<128x128xf32>, vector<1024x128xf32> -> vector<1024x128xf32>
    %get3A_92 = arith.constant 0 : index
    %get3A_93 = arith.constant 0 : index
    %get3A_94 = vector.load %arg7[%get3A_92, %get3A_93] : memref<1x128xf32, #tpu.memory_space<vmem>>, vector<1x128xf32>
    %add3A_95 = vector.broadcast %get3A_94 : vector<1x128xf32> to vector<1024x128xf32>
    %add3A_96 = arith.addf %dot_general3A_91, %add3A_95 : vector<1024x128xf32>
    %get3A_97 = arith.constant 0 : index
    %get3A_98 = arith.constant 0 : index
    %get3A_99 = vector.load %arg2[%get3A_97, %get3A_98] : memref<1024x1xi32, #tpu.memory_space<vmem>>, vector<1024x1xi32>
    %iota3A = tpu.iota {dimensions = array<i32: 1>} : vector<1024x150xi32>
    %eq3A = vector.broadcast %get3A_99 : vector<1024x1xi32> to vector<1024x150xi32>
    %eq3A_100 = arith.cmpi eq, %eq3A, %iota3A : vector<1024x150xi32>
    %convert_element_type3A = arith.extui %eq3A_100 : vector<1024x150xi1> to vector<1024x150xi32>
    %convert_element_type3A_101 = arith.sitofp %convert_element_type3A : vector<1024x150xi32> to vector<1024x150xf32>
    %get3A_102 = arith.constant 0 : index
    %get3A_103 = arith.constant 0 : index
    %get3A_104 = vector.load %arg3[%get3A_102, %get3A_103] : memref<150x300xf32, #tpu.memory_space<vmem>>, vector<150x300xf32>
    %dot_general3A_105 = arith.constant dense<0.000000e+00> : vector<1024x300xf32>
    %dot_general3A_106 = tpu.matmul %convert_element_type3A_101, %get3A_104, %dot_general3A_105 {dimension_numbers = #tpu.dot_dimension_numbers<[1], [0], [0], [1], [0, 0, 1, 1], [], []>, transpose_lhs_hint = false} : vector<1024x150xf32>, vector<150x300xf32>, vector<1024x300xf32> -> vector<1024x300xf32>
    %max3A_107 = arith.constant 0.000000e+00 : f32
    %max3A_108 = vector.broadcast %max3A_107 : f32 to vector<1024x128xf32>
    %max3A_109 = arith.maximumf %add3A_96, %max3A_108 : vector<1024x128xf32>
    %max3A_110 = arith.constant 0.000000e+00 : f32
    %max3A_111 = vector.broadcast %max3A_110 : f32 to vector<1024x300xf32>
    %max3A_112 = arith.maximumf %dot_general3A_106, %max3A_111 : vector<1024x300xf32>
    %get3A_113 = arith.constant 0 : index
    %get3A_114 = arith.constant 0 : index
    %get3A_115 = vector.load %arg8[%get3A_113, %get3A_114] : memref<128x512xf32, #tpu.memory_space<vmem>>, vector<128x512xf32>
    %dot_general3A_116 = arith.constant dense<0.000000e+00> : vector<1024x512xf32>
    %dot_general3A_117 = tpu.matmul %max3A_109, %get3A_115, %dot_general3A_116 {dimension_numbers = #tpu.dot_dimension_numbers<[1], [0], [0], [1], [0, 0, 1, 1], [], []>, transpose_lhs_hint = false} : vector<1024x128xf32>, vector<128x512xf32>, vector<1024x512xf32> -> vector<1024x512xf32>
    %get3A_118 = arith.constant 0 : index
    %get3A_119 = arith.constant 0 : index
    %get3A_120 = vector.load %arg9[%get3A_118, %get3A_119] : memref<300x512xf32, #tpu.memory_space<vmem>>, vector<300x512xf32>
    %dot_general3A_121 = arith.constant dense<0.000000e+00> : vector<1024x512xf32>
    %dot_general3A_122 = tpu.matmul %max3A_112, %get3A_120, %dot_general3A_121 {dimension_numbers = #tpu.dot_dimension_numbers<[1], [0], [0], [1], [0, 0, 1, 1], [], []>, transpose_lhs_hint = false} : vector<1024x300xf32>, vector<300x512xf32>, vector<1024x512xf32> -> vector<1024x512xf32>
    %add3A_123 = arith.addf %dot_general3A_117, %dot_general3A_122 : vector<1024x512xf32>
    %get3A_124 = arith.constant 0 : index
    %get3A_125 = arith.constant 0 : index
    %get3A_126 = vector.load %arg10[%get3A_124, %get3A_125] : memref<128x512xf32, #tpu.memory_space<vmem>>, vector<128x512xf32>
    %dot_general3A_127 = arith.constant dense<0.000000e+00> : vector<1024x512xf32>
    %dot_general3A_128 = tpu.matmul %max3A_109, %get3A_126, %dot_general3A_127 {dimension_numbers = #tpu.dot_dimension_numbers<[1], [0], [0], [1], [0, 0, 1, 1], [], []>, transpose_lhs_hint = false} : vector<1024x128xf32>, vector<128x512xf32>, vector<1024x512xf32> -> vector<1024x512xf32>
    %get3A_129 = arith.constant 0 : index
    %get3A_130 = arith.constant 0 : index
    %get3A_131 = vector.load %arg11[%get3A_129, %get3A_130] : memref<300x512xf32, #tpu.memory_space<vmem>>, vector<300x512xf32>
    %dot_general3A_132 = arith.constant dense<0.000000e+00> : vector<1024x512xf32>
    %dot_general3A_133 = tpu.matmul %max3A_112, %get3A_131, %dot_general3A_132 {dimension_numbers = #tpu.dot_dimension_numbers<[1], [0], [0], [1], [0, 0, 1, 1], [], []>, transpose_lhs_hint = false} : vector<1024x300xf32>, vector<300x512xf32>, vector<1024x512xf32> -> vector<1024x512xf32>
    %add3A_134 = arith.addf %dot_general3A_128, %dot_general3A_133 : vector<1024x512xf32>
    %slice3A_135 = vector.extract_strided_slice %add3A_123 {offsets = [0, 0], sizes = [1024, 256], strides = [1, 1]} : vector<1024x512xf32> to vector<1024x256xf32>
    %convert_element_type3A_136 = arith.truncf %slice3A_135 : vector<1024x256xf32> to vector<1024x256xbf16>
    %bitcast_convert_type3A = tpu.bitcast %convert_element_type3A_136 : vector<1024x256xbf16> -> vector<1024x256xi16>
    %convert_element_type3A_137 = arith.extui %bitcast_convert_type3A : vector<1024x256xi16> to vector<1024x256xi32>
    %slice3A_138 = vector.extract_strided_slice %add3A_123 {offsets = [0, 256], sizes = [1024, 256], strides = [1, 1]} : vector<1024x512xf32> to vector<1024x256xf32>
    %convert_element_type3A_139 = arith.truncf %slice3A_138 : vector<1024x256xf32> to vector<1024x256xbf16>
    %bitcast_convert_type3A_140 = tpu.bitcast %convert_element_type3A_139 : vector<1024x256xbf16> -> vector<1024x256xi16>
    %convert_element_type3A_141 = arith.extui %bitcast_convert_type3A_140 : vector<1024x256xi16> to vector<1024x256xi32>
    %shift_left3A = arith.constant 16 : i32
    %shift_left3A_142 = vector.broadcast %shift_left3A : i32 to vector<1024x256xi32>
    %shift_left3A_143 = arith.shli %convert_element_type3A_141, %shift_left3A_142 : vector<1024x256xi32>
    %or3A = arith.ori %shift_left3A_143, %convert_element_type3A_137 : vector<1024x256xi32>
    %bitcast_convert_type3A_144 = tpu.bitcast %or3A : vector<1024x256xi32> -> vector<1024x256xi32>
    %swap3A = arith.constant 0 : index
    %swap3A_145 = arith.constant 0 : index
    %swap3A_146 = vector.load %arg12[%swap3A, %swap3A_145] : memref<1024x256xi32, #tpu.memory_space<vmem>>, vector<1024x256xi32>
    tpu.vector_store %arg12[%swap3A, %swap3A_145], %bitcast_convert_type3A_144 {strides = array<i32>} : memref<1024x256xi32, #tpu.memory_space<vmem>>, vector<1024x256xi32>,
    %slice3A_147 = vector.extract_strided_slice %add3A_134 {offsets = [0, 0], sizes = [1024, 256], strides = [1, 1]} : vector<1024x512xf32> to vector<1024x256xf32>
    %convert_element_type3A_148 = arith.truncf %slice3A_147 : vector<1024x256xf32> to vector<1024x256xbf16>
    %bitcast_convert_type3A_149 = tpu.bitcast %convert_element_type3A_148 : vector<1024x256xbf16> -> vector<1024x256xi16>
    %convert_element_type3A_150 = arith.extui %bitcast_convert_type3A_149 : vector<1024x256xi16> to vector<1024x256xi32>
    %slice3A_151 = vector.extract_strided_slice %add3A_134 {offsets = [0, 256], sizes = [1024, 256], strides = [1, 1]} : vector<1024x512xf32> to vector<1024x256xf32>
    %convert_element_type3A_152 = arith.truncf %slice3A_151 : vector<1024x256xf32> to vector<1024x256xbf16>
    %bitcast_convert_type3A_153 = tpu.bitcast %convert_element_type3A_152 : vector<1024x256xbf16> -> vector<1024x256xi16>
    %convert_element_type3A_154 = arith.extui %bitcast_convert_type3A_153 : vector<1024x256xi16> to vector<1024x256xi32>
    %shift_left3A_155 = arith.constant 16 : i32
    %shift_left3A_156 = vector.broadcast %shift_left3A_155 : i32 to vector<1024x256xi32>
    %shift_left3A_157 = arith.shli %convert_element_type3A_154, %shift_left3A_156 : vector<1024x256xi32>
    %or3A_158 = arith.ori %shift_left3A_157, %convert_element_type3A_150 : vector<1024x256xi32>
    %bitcast_convert_type3A_159 = tpu.bitcast %or3A_158 : vector<1024x256xi32> -> vector<1024x256xi32>
    %swap3A_160 = arith.constant 0 : index
    %swap3A_161 = arith.constant 0 : index
    %swap3A_162 = vector.load %arg13[%swap3A_160, %swap3A_161] : memref<1024x256xi32, #tpu.memory_space<vmem>>, vector<1024x256xi32>
    tpu.vector_store %arg13[%swap3A_160, %swap3A_161], %bitcast_convert_type3A_159 {strides = array<i32>} : memref<1024x256xi32, #tpu.memory_space<vmem>>, vector<1024x256xi32>,
    return
  }
  func.func @transform_0(%arg0: i32) -> (i32, i32) {
    %c0_i32 = arith.constant 0 : i32
    %c0_i32_0 = arith.constant 0 : i32
    return %arg0, %c0_i32 : i32, i32
  }
  func.func @transform_1(%arg0: i32) -> (i32, i32) {
    %c0_i32 = arith.constant 0 : i32
    %c0_i32_0 = arith.constant 0 : i32
    return %arg0, %c0_i32 : i32, i32
  }
  func.func @transform_2(%arg0: i32) -> (i32, i32) {
    %c0_i32 = arith.constant 0 : i32
    %c0_i32_0 = arith.constant 0 : i32
    %c0_i32_1 = arith.constant 0 : i32
    return %c0_i32, %c0_i32_0 : i32, i32
  }
  func.func @transform_3(%arg0: i32) -> (i32, i32) {
    %c0_i32 = arith.constant 0 : i32
    %c0_i32_0 = arith.constant 0 : i32
    %c0_i32_1 = arith.constant 0 : i32
    return %c0_i32, %c0_i32_0 : i32, i32
  }
  func.func @transform_4(%arg0: i32) -> (i32, i32) {
    %c0_i32 = arith.constant 0 : i32
    %c0_i32_0 = arith.constant 0 : i32
    %c0_i32_1 = arith.constant 0 : i32
    return %c0_i32, %c0_i32_0 : i32, i32
  }
  func.func @transform_5(%arg0: i32) -> (i32, i32) {
    %c0_i32 = arith.constant 0 : i32
    %c0_i32_0 = arith.constant 0 : i32
    %c0_i32_1 = arith.constant 0 : i32
    return %c0_i32, %c0_i32_0 : i32, i32
  }
  func.func @transform_6(%arg0: i32) -> (i32, i32) {
    %c0_i32 = arith.constant 0 : i32
    %c0_i32_0 = arith.constant 0 : i32
    %c0_i32_1 = arith.constant 0 : i32
    return %c0_i32, %c0_i32_0 : i32, i32
  }
  func.func @transform_7(%arg0: i32) -> (i32, i32) {
    %c0_i32 = arith.constant 0 : i32
    %c0_i32_0 = arith.constant 0 : i32
    %c0_i32_1 = arith.constant 0 : i32
    return %c0_i32, %c0_i32_0 : i32, i32
  }
  func.func @transform_8(%arg0: i32) -> (i32, i32) {
    %c0_i32 = arith.constant 0 : i32
    %c0_i32_0 = arith.constant 0 : i32
    %c0_i32_1 = arith.constant 0 : i32
    return %c0_i32, %c0_i32_0 : i32, i32
  }
  func.func @transform_9(%arg0: i32) -> (i32, i32) {
    %c0_i32 = arith.constant 0 : i32
    %c0_i32_0 = arith.constant 0 : i32
    %c0_i32_1 = arith.constant 0 : i32
    return %c0_i32, %c0_i32_0 : i32, i32
  }
  func.func @transform_10(%arg0: i32) -> (i32, i32) {
    %c0_i32 = arith.constant 0 : i32
    %c0_i32_0 = arith.constant 0 : i32
    %c0_i32_1 = arith.constant 0 : i32
    return %c0_i32, %c0_i32_0 : i32, i32
  }
  func.func @transform_11(%arg0: i32) -> (i32, i32) {
    %c0_i32 = arith.constant 0 : i32
    %c0_i32_0 = arith.constant 0 : i32
    return %arg0, %c0_i32 : i32, i32
  }
  func.func @transform_12(%arg0: i32) -> (i32, i32) {
    %c0_i32 = arith.constant 0 : i32
    %c0_i32_0 = arith.constant 0 : i32
    return %arg0, %c0_i32 : i32, i32
  }
}

module attributes {stable_mosaic.version = 14 : i64} {
  func.func @_main_body(%arg0: i32, %arg1: memref<2048x512xf32, #tpu.memory_space<vmem>>, %arg2: memref<2048x256xi32, #tpu.memory_space<vmem>>, %arg3: memref<2048x256xi32, #tpu.memory_space<vmem>>, %arg4: memref<512x512xbf16, #tpu.memory_space<vmem>>, %arg5: memref<1x512xf32, #tpu.memory_space<vmem>>, %arg6: memref<1x512xf32, #tpu.memory_space<vmem>>, %arg7: memref<1x512xf32, #tpu.memory_space<vmem>>, %arg8: memref<1x512xf32, #tpu.memory_space<vmem>>, %arg9: memref<1x512xf32, #tpu.memory_space<vmem>>, %arg10: memref<1x512xf32, #tpu.memory_space<vmem>>, %arg11: memref<512x512xbf16, #tpu.memory_space<vmem>>, %arg12: memref<512x512xbf16, #tpu.memory_space<vmem>>, %arg13: memref<1x512xf32, #tpu.memory_space<vmem>>, %arg14: memref<1x512xf32, #tpu.memory_space<vmem>>, %arg15: memref<1x512xf32, #tpu.memory_space<vmem>>, %arg16: memref<512x50xf32, #tpu.memory_space<vmem>>, %arg17: memref<1x50xf32, #tpu.memory_space<vmem>>, %arg18: memref<50x1xf32, #tpu.memory_space<vmem>>, %arg19: memref<1x1xf32, #tpu.memory_space<vmem>>, %arg20: memref<2048x51xf32, #tpu.memory_space<vmem>>, %arg21: memref<2048x1xf32, #tpu.memory_space<vmem>>) attributes {dimension_semantics = [#tpu.dimension_semantics<arbitrary>], iteration_bounds = array<i64: 8>, scalar_prefetch = 0 : i64, scratch_operands = 0 : i64, tpu.core_type = #tpu.core_type<tc>, window_params = [{transform_indices = @transform_0, window_bounds = array<i64: 2048, 512>}, {transform_indices = @transform_1, window_bounds = array<i64: 2048, 256>}, {transform_indices = @transform_2, window_bounds = array<i64: 2048, 256>}, {pipeline_mode = #tpu.pipeline_mode<synchronous>, transform_indices = @transform_3, window_bounds = array<i64: 512, 512>}, {pipeline_mode = #tpu.pipeline_mode<synchronous>, transform_indices = @transform_4, window_bounds = array<i64: 1, 512>}, {pipeline_mode = #tpu.pipeline_mode<synchronous>, transform_indices = @transform_5, window_bounds = array<i64: 1, 512>}, {pipeline_mode = #tpu.pipeline_mode<synchronous>, transform_indices = @transform_6, window_bounds = array<i64: 1, 512>}, {pipeline_mode = #tpu.pipeline_mode<synchronous>, transform_indices = @transform_7, window_bounds = array<i64: 1, 512>}, {pipeline_mode = #tpu.pipeline_mode<synchronous>, transform_indices = @transform_8, window_bounds = array<i64: 1, 512>}, {pipeline_mode = #tpu.pipeline_mode<synchronous>, transform_indices = @transform_9, window_bounds = array<i64: 1, 512>}, {pipeline_mode = #tpu.pipeline_mode<synchronous>, transform_indices = @transform_10, window_bounds = array<i64: 512, 512>}, {pipeline_mode = #tpu.pipeline_mode<synchronous>, transform_indices = @transform_11, window_bounds = array<i64: 512, 512>}, {pipeline_mode = #tpu.pipeline_mode<synchronous>, transform_indices = @transform_12, window_bounds = array<i64: 1, 512>}, {pipeline_mode = #tpu.pipeline_mode<synchronous>, transform_indices = @transform_13, window_bounds = array<i64: 1, 512>}, {pipeline_mode = #tpu.pipeline_mode<synchronous>, transform_indices = @transform_14, window_bounds = array<i64: 1, 512>}, {pipeline_mode = #tpu.pipeline_mode<synchronous>, transform_indices = @transform_15, window_bounds = array<i64: 512, 50>}, {pipeline_mode = #tpu.pipeline_mode<synchronous>, transform_indices = @transform_16, window_bounds = array<i64: 1, 50>}, {pipeline_mode = #tpu.pipeline_mode<synchronous>, transform_indices = @transform_17, window_bounds = array<i64: 50, 1>}, {pipeline_mode = #tpu.pipeline_mode<synchronous>, transform_indices = @transform_18, window_bounds = array<i64: 1, 1>}, {transform_indices = @transform_19, window_bounds = array<i64: 2048, 51>}, {transform_indices = @transform_20, window_bounds = array<i64: 2048, 1>}]} {
    %get3A = arith.constant 0 : index
    %get3A_0 = arith.constant 0 : index
    %get3A_1 = vector.load %arg1[%get3A, %get3A_0] : memref<2048x512xf32, #tpu.memory_space<vmem>>, vector<2048x512xf32>
    %max3A = arith.constant 0.000000e+00 : f32
    %max3A_2 = vector.broadcast %max3A : f32 to vector<2048x512xf32>
    %max3A_3 = arith.maximumf %get3A_1, %max3A_2 : vector<2048x512xf32>
    %convert_element_type3A = arith.truncf %max3A_3 : vector<2048x512xf32> to vector<2048x512xbf16>
    %get3A_4 = arith.constant 0 : index
    %get3A_5 = arith.constant 0 : index
    %get3A_6 = vector.load %arg4[%get3A_4, %get3A_5] : memref<512x512xbf16, #tpu.memory_space<vmem>>, vector<512x512xbf16>
    %dot_general3A = arith.constant dense<0.000000e+00> : vector<2048x512xf32>
    %dot_general3A_7 = tpu.matmul %convert_element_type3A, %get3A_6, %dot_general3A {dimension_numbers = #tpu.dot_dimension_numbers<[1], [0], [0], [1], [0, 0, 1, 1], [], []>, transpose_lhs_hint = false} : vector<2048x512xbf16>, vector<512x512xbf16>, vector<2048x512xf32> -> vector<2048x512xf32>
    %get3A_8 = arith.constant 0 : index
    %get3A_9 = arith.constant 0 : index
    %get3A_10 = vector.load %arg5[%get3A_8, %get3A_9] : memref<1x512xf32, #tpu.memory_space<vmem>>, vector<1x512xf32>
    %add3A = vector.broadcast %get3A_10 : vector<1x512xf32> to vector<2048x512xf32>
    %add3A_11 = arith.addf %dot_general3A_7, %add3A : vector<2048x512xf32>
    %get3A_12 = arith.constant 0 : index
    %get3A_13 = arith.constant 0 : index
    %get3A_14 = vector.load %arg2[%get3A_12, %get3A_13] : memref<2048x256xi32, #tpu.memory_space<vmem>>, vector<2048x256xi32>
    %bitcast_convert_type3A = tpu.bitcast %get3A_14 : vector<2048x256xi32> -> vector<2048x256xi32>
    %and3A = arith.constant 65535 : i32
    %and3A_15 = vector.broadcast %and3A : i32 to vector<2048x256xi32>
    %and3A_16 = arith.andi %bitcast_convert_type3A, %and3A_15 : vector<2048x256xi32>
    %convert_element_type3A_17 = arith.trunci %and3A_16 : vector<2048x256xi32> to vector<2048x256xi16>
    %bitcast_convert_type3A_18 = tpu.bitcast %convert_element_type3A_17 : vector<2048x256xi16> -> vector<2048x256xbf16>
    %convert_element_type3A_19 = arith.extf %bitcast_convert_type3A_18 : vector<2048x256xbf16> to vector<2048x256xf32>
    %shift_right_logical3A = arith.constant 16 : i32
    %shift_right_logical3A_20 = vector.broadcast %shift_right_logical3A : i32 to vector<2048x256xi32>
    %shift_right_logical3A_21 = arith.shrui %bitcast_convert_type3A, %shift_right_logical3A_20 : vector<2048x256xi32>
    %convert_element_type3A_22 = arith.trunci %shift_right_logical3A_21 : vector<2048x256xi32> to vector<2048x256xi16>
    %bitcast_convert_type3A_23 = tpu.bitcast %convert_element_type3A_22 : vector<2048x256xi16> -> vector<2048x256xbf16>
    %convert_element_type3A_24 = arith.extf %bitcast_convert_type3A_23 : vector<2048x256xbf16> to vector<2048x256xf32>
    %concatenate3A = tpu.concatenate %convert_element_type3A_19, %convert_element_type3A_24 in 1 : vector<2048x256xf32>, vector<2048x256xf32> -> vector<2048x512xf32>
    %get3A_25 = arith.constant 0 : index
    %get3A_26 = arith.constant 0 : index
    %get3A_27 = vector.load %arg3[%get3A_25, %get3A_26] : memref<2048x256xi32, #tpu.memory_space<vmem>>, vector<2048x256xi32>
    %bitcast_convert_type3A_28 = tpu.bitcast %get3A_27 : vector<2048x256xi32> -> vector<2048x256xi32>
    %and3A_29 = arith.constant 65535 : i32
    %and3A_30 = vector.broadcast %and3A_29 : i32 to vector<2048x256xi32>
    %and3A_31 = arith.andi %bitcast_convert_type3A_28, %and3A_30 : vector<2048x256xi32>
    %convert_element_type3A_32 = arith.trunci %and3A_31 : vector<2048x256xi32> to vector<2048x256xi16>
    %bitcast_convert_type3A_33 = tpu.bitcast %convert_element_type3A_32 : vector<2048x256xi16> -> vector<2048x256xbf16>
    %convert_element_type3A_34 = arith.extf %bitcast_convert_type3A_33 : vector<2048x256xbf16> to vector<2048x256xf32>
    %shift_right_logical3A_35 = arith.constant 16 : i32
    %shift_right_logical3A_36 = vector.broadcast %shift_right_logical3A_35 : i32 to vector<2048x256xi32>
    %shift_right_logical3A_37 = arith.shrui %bitcast_convert_type3A_28, %shift_right_logical3A_36 : vector<2048x256xi32>
    %convert_element_type3A_38 = arith.trunci %shift_right_logical3A_37 : vector<2048x256xi32> to vector<2048x256xi16>
    %bitcast_convert_type3A_39 = tpu.bitcast %convert_element_type3A_38 : vector<2048x256xi16> -> vector<2048x256xbf16>
    %convert_element_type3A_40 = arith.extf %bitcast_convert_type3A_39 : vector<2048x256xbf16> to vector<2048x256xf32>
    %concatenate3A_41 = tpu.concatenate %convert_element_type3A_34, %convert_element_type3A_40 in 1 : vector<2048x256xf32>, vector<2048x256xf32> -> vector<2048x512xf32>
    %add3A_42 = arith.addf %concatenate3A, %concatenate3A_41 : vector<2048x512xf32>
    %get3A_43 = arith.constant 0 : index
    %get3A_44 = arith.constant 0 : index
    %get3A_45 = vector.load %arg6[%get3A_43, %get3A_44] : memref<1x512xf32, #tpu.memory_space<vmem>>, vector<1x512xf32>
    %add3A_46 = vector.broadcast %get3A_45 : vector<1x512xf32> to vector<2048x512xf32>
    %add3A_47 = arith.addf %add3A_42, %add3A_46 : vector<2048x512xf32>
    %reduce_sum3A = arith.constant dense<0.000000e+00> : vector<2048xf32>
    %reduce_sum3A_48 = vector.multi_reduction <add>, %add3A_11, %reduce_sum3A [1] : vector<2048x512xf32> to vector<2048xf32>
    %broadcast_in_dim3A = vector.shape_cast %reduce_sum3A_48 : vector<2048xf32> to vector<2048x1xf32>
    %reduce_sum3A_49 = arith.constant dense<0.000000e+00> : vector<2048xf32>
    %reduce_sum3A_50 = vector.multi_reduction <add>, %add3A_47, %reduce_sum3A_49 [1] : vector<2048x512xf32> to vector<2048xf32>
    %broadcast_in_dim3A_51 = vector.shape_cast %reduce_sum3A_50 : vector<2048xf32> to vector<2048x1xf32>
    %add3A_52 = arith.addf %broadcast_in_dim3A, %broadcast_in_dim3A_51 : vector<2048x1xf32>
    %div3A = arith.constant 1.024000e+03 : f32
    %div3A_53 = vector.broadcast %div3A : f32 to vector<2048x1xf32>
    %div3A_54 = arith.divf %add3A_52, %div3A_53 : vector<2048x1xf32>
    %sub3A = vector.broadcast %div3A_54 : vector<2048x1xf32> to vector<2048x512xf32>
    %sub3A_55 = arith.subf %add3A_11, %sub3A : vector<2048x512xf32>
    %sub3A_56 = vector.broadcast %div3A_54 : vector<2048x1xf32> to vector<2048x512xf32>
    %sub3A_57 = arith.subf %add3A_47, %sub3A_56 : vector<2048x512xf32>
    %mul3A = arith.mulf %sub3A_55, %sub3A_55 : vector<2048x512xf32>
    %reduce_sum3A_58 = arith.constant dense<0.000000e+00> : vector<2048xf32>
    %reduce_sum3A_59 = vector.multi_reduction <add>, %mul3A, %reduce_sum3A_58 [1] : vector<2048x512xf32> to vector<2048xf32>
    %broadcast_in_dim3A_60 = vector.shape_cast %reduce_sum3A_59 : vector<2048xf32> to vector<2048x1xf32>
    %mul3A_61 = arith.mulf %sub3A_57, %sub3A_57 : vector<2048x512xf32>
    %reduce_sum3A_62 = arith.constant dense<0.000000e+00> : vector<2048xf32>
    %reduce_sum3A_63 = vector.multi_reduction <add>, %mul3A_61, %reduce_sum3A_62 [1] : vector<2048x512xf32> to vector<2048xf32>
    %broadcast_in_dim3A_64 = vector.shape_cast %reduce_sum3A_63 : vector<2048xf32> to vector<2048x1xf32>
    %add3A_65 = arith.addf %broadcast_in_dim3A_60, %broadcast_in_dim3A_64 : vector<2048x1xf32>
    %div3A_66 = arith.constant 1.024000e+03 : f32
    %div3A_67 = vector.broadcast %div3A_66 : f32 to vector<2048x1xf32>
    %div3A_68 = arith.divf %add3A_65, %div3A_67 : vector<2048x1xf32>
    %add3A_69 = arith.constant 9.99999974E-6 : f32
    %add3A_70 = vector.broadcast %add3A_69 : f32 to vector<2048x1xf32>
    %add3A_71 = arith.addf %div3A_68, %add3A_70 : vector<2048x1xf32>
    %rsqrt3A = math.rsqrt %add3A_71 : vector<2048x1xf32>
    %mul3A_72 = vector.broadcast %rsqrt3A : vector<2048x1xf32> to vector<2048x512xf32>
    %mul3A_73 = arith.mulf %sub3A_55, %mul3A_72 : vector<2048x512xf32>
    %get3A_74 = arith.constant 0 : index
    %get3A_75 = arith.constant 0 : index
    %get3A_76 = vector.load %arg7[%get3A_74, %get3A_75] : memref<1x512xf32, #tpu.memory_space<vmem>>, vector<1x512xf32>
    %mul3A_77 = vector.broadcast %get3A_76 : vector<1x512xf32> to vector<2048x512xf32>
    %mul3A_78 = arith.mulf %mul3A_73, %mul3A_77 : vector<2048x512xf32>
    %get3A_79 = arith.constant 0 : index
    %get3A_80 = arith.constant 0 : index
    %get3A_81 = vector.load %arg9[%get3A_79, %get3A_80] : memref<1x512xf32, #tpu.memory_space<vmem>>, vector<1x512xf32>
    %add3A_82 = vector.broadcast %get3A_81 : vector<1x512xf32> to vector<2048x512xf32>
    %add3A_83 = arith.addf %mul3A_78, %add3A_82 : vector<2048x512xf32>
    %max3A_84 = arith.constant 0.000000e+00 : f32
    %max3A_85 = vector.broadcast %max3A_84 : f32 to vector<2048x512xf32>
    %max3A_86 = arith.maximumf %add3A_83, %max3A_85 : vector<2048x512xf32>
    %convert_element_type3A_87 = arith.truncf %max3A_86 : vector<2048x512xf32> to vector<2048x512xbf16>
    %mul3A_88 = vector.broadcast %rsqrt3A : vector<2048x1xf32> to vector<2048x512xf32>
    %mul3A_89 = arith.mulf %sub3A_57, %mul3A_88 : vector<2048x512xf32>
    %get3A_90 = arith.constant 0 : index
    %get3A_91 = arith.constant 0 : index
    %get3A_92 = vector.load %arg8[%get3A_90, %get3A_91] : memref<1x512xf32, #tpu.memory_space<vmem>>, vector<1x512xf32>
    %mul3A_93 = vector.broadcast %get3A_92 : vector<1x512xf32> to vector<2048x512xf32>
    %mul3A_94 = arith.mulf %mul3A_89, %mul3A_93 : vector<2048x512xf32>
    %get3A_95 = arith.constant 0 : index
    %get3A_96 = arith.constant 0 : index
    %get3A_97 = vector.load %arg10[%get3A_95, %get3A_96] : memref<1x512xf32, #tpu.memory_space<vmem>>, vector<1x512xf32>
    %add3A_98 = vector.broadcast %get3A_97 : vector<1x512xf32> to vector<2048x512xf32>
    %add3A_99 = arith.addf %mul3A_94, %add3A_98 : vector<2048x512xf32>
    %max3A_100 = arith.constant 0.000000e+00 : f32
    %max3A_101 = vector.broadcast %max3A_100 : f32 to vector<2048x512xf32>
    %max3A_102 = arith.maximumf %add3A_99, %max3A_101 : vector<2048x512xf32>
    %convert_element_type3A_103 = arith.truncf %max3A_102 : vector<2048x512xf32> to vector<2048x512xbf16>
    %get3A_104 = arith.constant 0 : index
    %get3A_105 = arith.constant 0 : index
    %get3A_106 = vector.load %arg11[%get3A_104, %get3A_105] : memref<512x512xbf16, #tpu.memory_space<vmem>>, vector<512x512xbf16>
    %dot_general3A_107 = arith.constant dense<0.000000e+00> : vector<2048x512xf32>
    %dot_general3A_108 = tpu.matmul %convert_element_type3A_87, %get3A_106, %dot_general3A_107 {dimension_numbers = #tpu.dot_dimension_numbers<[1], [0], [0], [1], [0, 0, 1, 1], [], []>, transpose_lhs_hint = false} : vector<2048x512xbf16>, vector<512x512xbf16>, vector<2048x512xf32> -> vector<2048x512xf32>
    %get3A_109 = arith.constant 0 : index
    %get3A_110 = arith.constant 0 : index
    %get3A_111 = vector.load %arg12[%get3A_109, %get3A_110] : memref<512x512xbf16, #tpu.memory_space<vmem>>, vector<512x512xbf16>
    %dot_general3A_112 = arith.constant dense<0.000000e+00> : vector<2048x512xf32>
    %dot_general3A_113 = tpu.matmul %convert_element_type3A_103, %get3A_111, %dot_general3A_112 {dimension_numbers = #tpu.dot_dimension_numbers<[1], [0], [0], [1], [0, 0, 1, 1], [], []>, transpose_lhs_hint = false} : vector<2048x512xbf16>, vector<512x512xbf16>, vector<2048x512xf32> -> vector<2048x512xf32>
    %add3A_114 = arith.addf %dot_general3A_108, %dot_general3A_113 : vector<2048x512xf32>
    %get3A_115 = arith.constant 0 : index
    %get3A_116 = arith.constant 0 : index
    %get3A_117 = vector.load %arg13[%get3A_115, %get3A_116] : memref<1x512xf32, #tpu.memory_space<vmem>>, vector<1x512xf32>
    %add3A_118 = vector.broadcast %get3A_117 : vector<1x512xf32> to vector<2048x512xf32>
    %add3A_119 = arith.addf %add3A_114, %add3A_118 : vector<2048x512xf32>
    %reduce_sum3A_120 = arith.constant dense<0.000000e+00> : vector<2048xf32>
    %reduce_sum3A_121 = vector.multi_reduction <add>, %add3A_119, %reduce_sum3A_120 [1] : vector<2048x512xf32> to vector<2048xf32>
    %broadcast_in_dim3A_122 = vector.shape_cast %reduce_sum3A_121 : vector<2048xf32> to vector<2048x1xf32>
    %div3A_123 = arith.constant 5.120000e+02 : f32
    %div3A_124 = vector.broadcast %div3A_123 : f32 to vector<2048x1xf32>
    %div3A_125 = arith.divf %broadcast_in_dim3A_122, %div3A_124 : vector<2048x1xf32>
    %sub3A_126 = vector.broadcast %div3A_125 : vector<2048x1xf32> to vector<2048x512xf32>
    %sub3A_127 = arith.subf %add3A_119, %sub3A_126 : vector<2048x512xf32>
    %mul3A_128 = arith.mulf %sub3A_127, %sub3A_127 : vector<2048x512xf32>
    %reduce_sum3A_129 = arith.constant dense<0.000000e+00> : vector<2048xf32>
    %reduce_sum3A_130 = vector.multi_reduction <add>, %mul3A_128, %reduce_sum3A_129 [1] : vector<2048x512xf32> to vector<2048xf32>
    %broadcast_in_dim3A_131 = vector.shape_cast %reduce_sum3A_130 : vector<2048xf32> to vector<2048x1xf32>
    %div3A_132 = arith.constant 5.120000e+02 : f32
    %div3A_133 = vector.broadcast %div3A_132 : f32 to vector<2048x1xf32>
    %div3A_134 = arith.divf %broadcast_in_dim3A_131, %div3A_133 : vector<2048x1xf32>
    %add3A_135 = arith.constant 9.99999974E-6 : f32
    %add3A_136 = vector.broadcast %add3A_135 : f32 to vector<2048x1xf32>
    %add3A_137 = arith.addf %div3A_134, %add3A_136 : vector<2048x1xf32>
    %rsqrt3A_138 = math.rsqrt %add3A_137 : vector<2048x1xf32>
    %mul3A_139 = vector.broadcast %rsqrt3A_138 : vector<2048x1xf32> to vector<2048x512xf32>
    %mul3A_140 = arith.mulf %sub3A_127, %mul3A_139 : vector<2048x512xf32>
    %get3A_141 = arith.constant 0 : index
    %get3A_142 = arith.constant 0 : index
    %get3A_143 = vector.load %arg14[%get3A_141, %get3A_142] : memref<1x512xf32, #tpu.memory_space<vmem>>, vector<1x512xf32>
    %mul3A_144 = vector.broadcast %get3A_143 : vector<1x512xf32> to vector<2048x512xf32>
    %mul3A_145 = arith.mulf %mul3A_140, %mul3A_144 : vector<2048x512xf32>
    %get3A_146 = arith.constant 0 : index
    %get3A_147 = arith.constant 0 : index
    %get3A_148 = vector.load %arg15[%get3A_146, %get3A_147] : memref<1x512xf32, #tpu.memory_space<vmem>>, vector<1x512xf32>
    %add3A_149 = vector.broadcast %get3A_148 : vector<1x512xf32> to vector<2048x512xf32>
    %add3A_150 = arith.addf %mul3A_145, %add3A_149 : vector<2048x512xf32>
    %max3A_151 = arith.constant 0.000000e+00 : f32
    %max3A_152 = vector.broadcast %max3A_151 : f32 to vector<2048x512xf32>
    %max3A_153 = arith.maximumf %add3A_150, %max3A_152 : vector<2048x512xf32>
    %get3A_154 = arith.constant 0 : index
    %get3A_155 = arith.constant 0 : index
    %get3A_156 = vector.load %arg16[%get3A_154, %get3A_155] : memref<512x50xf32, #tpu.memory_space<vmem>>, vector<512x50xf32>
    %dot_general3A_157 = arith.constant dense<0.000000e+00> : vector<2048x50xf32>
    %dot_general3A_158 = tpu.matmul %max3A_153, %get3A_156, %dot_general3A_157 {dimension_numbers = #tpu.dot_dimension_numbers<[1], [0], [0], [1], [0, 0, 1, 1], [], []>, transpose_lhs_hint = false} : vector<2048x512xf32>, vector<512x50xf32>, vector<2048x50xf32> -> vector<2048x50xf32>
    %get3A_159 = arith.constant 0 : index
    %get3A_160 = arith.constant 0 : index
    %get3A_161 = vector.load %arg17[%get3A_159, %get3A_160] : memref<1x50xf32, #tpu.memory_space<vmem>>, vector<1x50xf32>
    %add3A_162 = vector.broadcast %get3A_161 : vector<1x50xf32> to vector<2048x50xf32>
    %add3A_163 = arith.addf %dot_general3A_158, %add3A_162 : vector<2048x50xf32>
    %get3A_164 = arith.constant 0 : index
    %get3A_165 = arith.constant 0 : index
    %get3A_166 = vector.load %arg18[%get3A_164, %get3A_165] : memref<50x1xf32, #tpu.memory_space<vmem>>, vector<50x1xf32>
    %dot_general3A_167 = arith.constant dense<0.000000e+00> : vector<2048x1xf32>
    %dot_general3A_168 = tpu.matmul %add3A_163, %get3A_166, %dot_general3A_167 {dimension_numbers = #tpu.dot_dimension_numbers<[1], [0], [0], [1], [0, 0, 1, 1], [], []>, transpose_lhs_hint = false} : vector<2048x50xf32>, vector<50x1xf32>, vector<2048x1xf32> -> vector<2048x1xf32>
    %get3A_169 = arith.constant 0 : index
    %get3A_170 = arith.constant 0 : index
    %get3A_171 = vector.load %arg19[%get3A_169, %get3A_170] : memref<1x1xf32, #tpu.memory_space<vmem>>, vector<1x1xf32>
    %add3A_172 = vector.broadcast %get3A_171 : vector<1x1xf32> to vector<2048x1xf32>
    %add3A_173 = arith.addf %dot_general3A_168, %add3A_172 : vector<2048x1xf32>
    %concatenate3A_174 = tpu.concatenate %add3A_163, %add3A_173 in 1 : vector<2048x50xf32>, vector<2048x1xf32> -> vector<2048x51xf32>
    %swap3A = arith.constant 0 : index
    %swap3A_175 = arith.constant 0 : index
    %swap3A_176 = vector.load %arg20[%swap3A, %swap3A_175] : memref<2048x51xf32, #tpu.memory_space<vmem>>, vector<2048x51xf32>
    tpu.vector_store %arg20[%swap3A, %swap3A_175], %concatenate3A_174 {strides = array<i32>} : memref<2048x51xf32, #tpu.memory_space<vmem>>, vector<2048x51xf32>,
    %logistic3A = arith.negf %add3A_173 : vector<2048x1xf32>
    %logistic3A_177 = math.exp %logistic3A : vector<2048x1xf32>
    %logistic3A_178 = arith.constant 1.000000e+00 : f32
    %logistic3A_179 = vector.broadcast %logistic3A_178 : f32 to vector<2048x1xf32>
    %logistic3A_180 = arith.addf %logistic3A_179, %logistic3A_177 : vector<2048x1xf32>
    %logistic3A_181 = arith.divf %logistic3A_179, %logistic3A_180 : vector<2048x1xf32>
    %swap3A_182 = arith.constant 0 : index
    %swap3A_183 = arith.constant 0 : index
    %swap3A_184 = vector.load %arg21[%swap3A_182, %swap3A_183] : memref<2048x1xf32, #tpu.memory_space<vmem>>, vector<2048x1xf32>
    tpu.vector_store %arg21[%swap3A_182, %swap3A_183], %logistic3A_181 {strides = array<i32>} : memref<2048x1xf32, #tpu.memory_space<vmem>>, vector<2048x1xf32>,
    return
  }
  func.func @transform_0(%arg0: i32) -> (i32, i32) {
    %c0_i32 = arith.constant 0 : i32
    %c0_i32_0 = arith.constant 0 : i32
    return %arg0, %c0_i32 : i32, i32
  }
  func.func @transform_1(%arg0: i32) -> (i32, i32) {
    %c0_i32 = arith.constant 0 : i32
    %c0_i32_0 = arith.constant 0 : i32
    return %arg0, %c0_i32 : i32, i32
  }
  func.func @transform_2(%arg0: i32) -> (i32, i32) {
    %c0_i32 = arith.constant 0 : i32
    %c0_i32_0 = arith.constant 0 : i32
    return %arg0, %c0_i32 : i32, i32
  }
  func.func @transform_3(%arg0: i32) -> (i32, i32) {
    %c0_i32 = arith.constant 0 : i32
    %c0_i32_0 = arith.constant 0 : i32
    %c0_i32_1 = arith.constant 0 : i32
    return %c0_i32, %c0_i32_0 : i32, i32
  }
  func.func @transform_4(%arg0: i32) -> (i32, i32) {
    %c0_i32 = arith.constant 0 : i32
    %c0_i32_0 = arith.constant 0 : i32
    %c0_i32_1 = arith.constant 0 : i32
    return %c0_i32, %c0_i32_0 : i32, i32
  }
  func.func @transform_5(%arg0: i32) -> (i32, i32) {
    %c0_i32 = arith.constant 0 : i32
    %c0_i32_0 = arith.constant 0 : i32
    %c0_i32_1 = arith.constant 0 : i32
    return %c0_i32, %c0_i32_0 : i32, i32
  }
  func.func @transform_6(%arg0: i32) -> (i32, i32) {
    %c0_i32 = arith.constant 0 : i32
    %c0_i32_0 = arith.constant 0 : i32
    %c0_i32_1 = arith.constant 0 : i32
    return %c0_i32, %c0_i32_0 : i32, i32
  }
  func.func @transform_7(%arg0: i32) -> (i32, i32) {
    %c0_i32 = arith.constant 0 : i32
    %c0_i32_0 = arith.constant 0 : i32
    %c0_i32_1 = arith.constant 0 : i32
    return %c0_i32, %c0_i32_0 : i32, i32
  }
  func.func @transform_8(%arg0: i32) -> (i32, i32) {
    %c0_i32 = arith.constant 0 : i32
    %c0_i32_0 = arith.constant 0 : i32
    %c0_i32_1 = arith.constant 0 : i32
    return %c0_i32, %c0_i32_0 : i32, i32
  }
  func.func @transform_9(%arg0: i32) -> (i32, i32) {
    %c0_i32 = arith.constant 0 : i32
    %c0_i32_0 = arith.constant 0 : i32
    %c0_i32_1 = arith.constant 0 : i32
    return %c0_i32, %c0_i32_0 : i32, i32
  }
  func.func @transform_10(%arg0: i32) -> (i32, i32) {
    %c0_i32 = arith.constant 0 : i32
    %c0_i32_0 = arith.constant 0 : i32
    %c0_i32_1 = arith.constant 0 : i32
    return %c0_i32, %c0_i32_0 : i32, i32
  }
  func.func @transform_11(%arg0: i32) -> (i32, i32) {
    %c0_i32 = arith.constant 0 : i32
    %c0_i32_0 = arith.constant 0 : i32
    %c0_i32_1 = arith.constant 0 : i32
    return %c0_i32, %c0_i32_0 : i32, i32
  }
  func.func @transform_12(%arg0: i32) -> (i32, i32) {
    %c0_i32 = arith.constant 0 : i32
    %c0_i32_0 = arith.constant 0 : i32
    %c0_i32_1 = arith.constant 0 : i32
    return %c0_i32, %c0_i32_0 : i32, i32
  }
  func.func @transform_13(%arg0: i32) -> (i32, i32) {
    %c0_i32 = arith.constant 0 : i32
    %c0_i32_0 = arith.constant 0 : i32
    %c0_i32_1 = arith.constant 0 : i32
    return %c0_i32, %c0_i32_0 : i32, i32
  }
  func.func @transform_14(%arg0: i32) -> (i32, i32) {
    %c0_i32 = arith.constant 0 : i32
    %c0_i32_0 = arith.constant 0 : i32
    %c0_i32_1 = arith.constant 0 : i32
    return %c0_i32, %c0_i32_0 : i32, i32
  }
  func.func @transform_15(%arg0: i32) -> (i32, i32) {
    %c0_i32 = arith.constant 0 : i32
    %c0_i32_0 = arith.constant 0 : i32
    %c0_i32_1 = arith.constant 0 : i32
    return %c0_i32, %c0_i32_0 : i32, i32
  }
  func.func @transform_16(%arg0: i32) -> (i32, i32) {
    %c0_i32 = arith.constant 0 : i32
    %c0_i32_0 = arith.constant 0 : i32
    %c0_i32_1 = arith.constant 0 : i32
    return %c0_i32, %c0_i32_0 : i32, i32
  }
  func.func @transform_17(%arg0: i32) -> (i32, i32) {
    %c0_i32 = arith.constant 0 : i32
    %c0_i32_0 = arith.constant 0 : i32
    %c0_i32_1 = arith.constant 0 : i32
    return %c0_i32, %c0_i32_0 : i32, i32
  }
  func.func @transform_18(%arg0: i32) -> (i32, i32) {
    %c0_i32 = arith.constant 0 : i32
    %c0_i32_0 = arith.constant 0 : i32
    %c0_i32_1 = arith.constant 0 : i32
    return %c0_i32, %c0_i32_0 : i32, i32
  }
  func.func @transform_19(%arg0: i32) -> (i32, i32) {
    %c0_i32 = arith.constant 0 : i32
    %c0_i32_0 = arith.constant 0 : i32
    return %arg0, %c0_i32 : i32, i32
  }
  func.func @transform_20(%arg0: i32) -> (i32, i32) {
    %c0_i32 = arith.constant 0 : i32
    %c0_i32_0 = arith.constant 0 : i32
    return %arg0, %c0_i32 : i32, i32
  }
}

</mosaic_0001>

<sc_bundles>
// kernel: kernel.10.cloned.1.call-start
scs
__scs_entry_jumppad:
0x0: {  	(pc) =	sbr.rel $0x88, $3  }
0x1: {  	(tag) =	ssettag $0x0;
	lr =	simm.s32 $0x1  }
0x2: {  	[smem:$0x3F8A] =	sst lr;
	_ =	strace $0xD0000000  }
0x3: {  	_ = 	snop  }
0x4: {  	_ = 	snop  }
0x5: {  	_ = 	snop  }
0x6: {  	_ = 	snop  }
0x7: {  	_ = 	snop  }
__scs_overlays_trampoline_lowered:
0x8: {  	[smem:$0x3F99] =	sst s0  }
0x9: {  	[smem:$0x3F9A] =	sst s1  }
0xa: {  	[smem:$0x3F9B] =	sst s2  }
0xb: {  	[smem:$0x3F9C] =	sst s3  }
0xc: {  	[smem:$0x3F9D] =	sst s4  }
0xd: {  	[smem:$0x3F9E] =	sst s5  }
0xe: {  	[smem:$0x3F9F] =	sst s6  }
0xf: {  	[smem:$0x3FA0] =	sst s7  }
0x10: {  	[smem:$0x3FA1] =	sst s8  }
0x11: {  	[smem:$0x3FA2] =	sst s9;
	s0 =	simm.s32 @!p0 $0x0  }
0x12: {  	s1 =	sld [smem:$0x3F88];
	s0 =	simm.s32 @p0 $0x1  }
0x13: {  	[smem:$0x3FA3] =	sst s0;
	s0 =	simm.s32 @!p1 $0x0  }
0x14: {  	s2 =	sld [smem:$0x3F87];
	s0 =	simm.s32 @p1 $0x1  }
0x15: {  	[smem:$0x3FA4] =	sst s0;
	s0 =	simm.s32 @!p2 $0x0  }
0x16: {  	s3 =	sld [smem:$0x3FDB];
	s0 =	simm.s32 @p2 $0x1  }
0x17: {  	s4 =	simm.s32 $0x1BF5;
	[smem:$0x3FA6] =	sst s0  }
0x18: {  	s0 =	sld [smem:$0x3F89];
	_ =	swait.ge [sflag:s4], $0x0  }
0x19: {  	s7 =	sld [smem:$0x3F8A]  }
0x1a: {  	s8 =	sadd.s32 $0xFFFFE003, lr  }
0x1b: {  	s9 =	sadd.s32 $0xFFFFFEF7, lr;
	s5 =	simm.s32 $0xFFFFFFFF;
	p2 =	slt.u32 s8, $0xFFFFF086  }
0x1c: {  	p1 =	slt.u32 s9, $0xF7A;
	s5 =	simm.s32 @!p2 $0x0  }
0x1d: {  	s5 =	simm.s32 @p1 $0x1;
	p0 =	seq.s32 s7, s2  }
0x1e: {  	s7 =	smul.u32 @!p0 $0xF7A, s2;
	p2 =	seq.s32 @!p0 s5, $0x0  }
0x1f: {  	s9 =	smul.u32 $0xF7A, s1;
	s8 =	simm.s32 @!p0 $0x1BF5;
	p2 =	por !p2, p0  }
0x20: {  	[sflag:s8] =	ssyncset.s32 @!p0 $0xFFFFF086;
	s6 =	sadd.s32 @!p0 s3, s7;
	s7 =	simm.s32 @!p0 $0x108  }
0x21: {  	s3 =	sadd.s32 s3, s9;
	s6 =	sadd.s32 @!p0 $0x88, s6;
	s7 =	simm.s32 @p2 $0x1082  }
0x22: {  	[simem:s7], [sflag:s8] =	dma.local @!p0 [hbm:s6], $0xF7A  }
0x23: {  	s9 =	sor.u32 $0xD0000000, s2;
	s6 =	simm.s32 $0x108;
	_ =	swait.ge @!p0 [sflag:s8], $0x0  }
0x24: {  	s3 =	sadd.s32 $0x88, s3;
	s6 =	simm.s32 @!p1 $0x1082;
	[sflag:s4] =	ssyncset.s32 $0xFFFFF086  }
0x25: {  	[simem:s6], [sflag:s4] =	dma.local [hbm:s3], $0xF7A  }
0x26: {  	[smem:$0x3F8A] =	sst s1;
	(tag) =	ssettag s2;
	_ =	strace s9  }
0x27: {  	s1 =	sld [smem:$0x3F9A]  }
0x28: {  	s2 =	sld [smem:$0x3F9B]  }
0x29: {  	s4 =	sld [smem:$0x3F9D]  }
0x2a: {  	p0 =	seq.s32 s5, $0x0;
	s5 =	sld [smem:$0x3F9E]  }
0x2b: {  	s6 =	sld [smem:$0x3F9F]  }
0x2c: {  	s7 =	sld [smem:$0x3FA0]  }
0x2d: {  	s3 =	simm.s32 $0x108;
	s8 =	sld [smem:$0x3FA1]  }
0x2e: {  	s3 =	simm.s32 @!p0 $0x1082;
	s9 =	sld [smem:$0x3FA2]  }
0x2f: {  	lr =	sadd.s32 s0, s3;
	s0 =	sld [smem:$0x3F99]  }
0x30: {  	s3 =	sld [smem:$0x3F9C]  }
0x31: {  	[smem:$0x3FA5] =	sst s10  }
0x32: {  	s10 =	sld [smem:$0x3FA3];
	_ =	sdelay $0x3  }
0x33: {  	p0 =	seq.s32 s10, $0x1;
	s10 =	sld [smem:$0x3FA5];
	_ =	sdelay $0x3  }
0x34: {  	[smem:$0x3FA5] =	sst s10  }
0x35: {  	s10 =	sld [smem:$0x3FA4];
	_ =	sdelay $0x3  }
0x36: {  	p1 =	seq.s32 s10, $0x1;
	s10 =	sld [smem:$0x3FA5];
	_ =	sdelay $0x3  }
0x37: {  	[smem:$0x3FA5] =	sst s10  }
0x38: {  	s10 =	sld [smem:$0x3FA6]  }
0x39: {  	_ = 	snop;
	(pc) =	sbr.ind lr, $3  }
0x3a: {  	_ = 	snop  }
0x3b: {  	_ = 	snop  }
0x3c: {  	p2 =	seq.s32 s10, $0x1;
	s10 =	sld [smem:$0x3FA5]  }
0x3d: {  	_ =	shalt  }
0x3e: {  	_ =	shalt  }
0x3f: {  	_ =	shalt  }
0x40: {  	_ =	shalt  }
0x41: {  	_ =	shalt  }
0x42: {  	_ =	shalt  }
0x43: {  	_ =	shalt  }
0x44: {  	_ =	shalt  }
0x45: {  	_ =	shalt  }
0x46: {  	_ =	shalt  }
0x47: {  	_ =	shalt  }
0x48: {  	_ =	shalt  }
0x49: {  	_ =	shalt  }
0x4a: {  	_ =	shalt  }
0x4b: {  	_ =	shalt  }
0x4c: {  	_ =	shalt  }
0x4d: {  	_ =	shalt  }
0x4e: {  	_ =	shalt  }
0x4f: {  	_ =	shalt  }
0x50: {  	_ =	shalt  }
0x51: {  	_ =	shalt  }
0x52: {  	_ =	shalt  }
0x53: {  	_ =	shalt  }
0x54: {  	_ =	shalt  }
0x55: {  	_ =	shalt  }
0x56: {  	_ =	shalt  }
0x57: {  	_ =	shalt  }
0x58: {  	_ =	shalt  }
0x59: {  	_ =	shalt  }
0x5a: {  	_ =	shalt  }
0x5b: {  	_ =	shalt  }
0x5c: {  	_ =	shalt  }
0x5d: {  	_ =	shalt  }
0x5e: {  	_ =	shalt  }
0x5f: {  	_ =	shalt  }
0x60: {  	_ =	shalt  }
0x61: {  	_ =	shalt  }
0x62: {  	_ =	shalt  }
0x63: {  	_ =	shalt  }
0x64: {  	_ =	shalt  }
0x65: {  	_ =	shalt  }
0x66: {  	_ =	shalt  }
0x67: {  	_ =	shalt  }
0x68: {  	_ =	shalt  }
0x69: {  	_ =	shalt  }
0x6a: {  	_ =	shalt  }
0x6b: {  	_ =	shalt  }
0x6c: {  	_ =	shalt  }
0x6d: {  	_ =	shalt  }
0x6e: {  	_ =	shalt  }
0x6f: {  	_ =	shalt  }
0x70: {  	_ =	shalt  }
0x71: {  	_ =	shalt  }
0x72: {  	_ =	shalt  }
0x73: {  	_ =	shalt  }
0x74: {  	_ =	shalt  }
0x75: {  	_ =	shalt  }
0x76: {  	_ =	shalt  }
0x77: {  	_ =	shalt  }
0x78: {  	_ =	shalt  }
0x79: {  	_ =	shalt  }
0x7a: {  	_ =	shalt  }
0x7b: {  	_ =	shalt  }
0x7c: {  	_ =	shalt  }
0x7d: {  	_ =	shalt  }
0x7e: {  	_ =	shalt  }
0x7f: {  	_ =	shalt  }
0x80: {  	_ =	shalt  }
0x81: {  	_ =	shalt  }
0x82: {  	_ =	shalt  }
0x83: {  	_ =	shalt  }
0x84: {  	_ =	shalt  }
0x85: {  	_ =	shalt  }
0x86: {  	_ =	shalt  }
0x87: {  	_ =	shalt  }
.Lfunc_end0:
.L_simem_size_0:
called_computation.1_lowered:
.L_overlay_start_0:
0x88: {  	s2 =	sld [smem:$0x3FD9]  }
0x89: {  	s3 =	sld [smem:$0x3FFE];
	_ =	sdelay $0x1  }
0x8a: {  	s1 =	srdreg.scid  }
0x8b: {  	s0 =	sand.u32 $0x1, s1  }
0x8c: {  	s17 =	sshll.u32 s0, $0xA;
	s2 =	sadd.s32 s3, s2  }
0x8d: {  	s2 =	sadd.s32 s2, s17  }
0x8e: {  	[smem:$0x3FB1] =	sst s2  }
0x8f: {  	_ = 	snop  }
0x90: {  	(tm) =	ssettm $0x1  }
0x91: {  	s18 =	sld [smem:$0x3FFB];
	_ =	sdelay $0x3  }
0x92: {  	_ =	strace s18  }
0x93: {  	s2 =	sld [smem:$0x3FFC];
	_ =	sdelay $0x3  }
0x94: {  	_ =	strace s2  }
0x95: {  	s2 =	sld [smem:$0x3FFD];
	_ =	sdelay $0x3  }
0x96: {  	_ =	strace s2  }
0x97: {  	_ =	strace $0x8FFFFFFF  }
0x98: {  	s19 =	sld [smem:$0x3FDB];
	_ =	sdelay $0x1  }
0x99: {  	s20 =	simm.s32 $_scs_section_size  }
0x9a: {  	s4 =	simm.s32 $_size__tile_overlayer_lowered;
	s5 =	simm.s32 $_tile_overlayer_lowered  }
0x9b: {  	s6 =	simm.s32 $0x1BFF;
	s21 =	sshll.u32 s5, $0x1;
	s3 =	sadd.s32 s20, s19  }
0x9c: {  	s22 =	simm.s32 $0x0;
	s4 =	sshll.u32 s4, $0x1;
	s5 =	sadd.s32 s21, s3  }
0x9d: {  	[timem:s22], [sflag:s6] =	dma.local [hbm:s5], s4  }
0x9e: {  	_ =	swait.ge [sflag:s6], s4  }
0x9f: {  	s4 =	ssub.s32 $0x0, s4;
	[sflag:s6] =	ssyncset.done $0x0  }
0xa0: {  	[sflag:s6] =	ssyncadd.s32 s4;
	_ =	sdelay $0x1  }
0xa1: {  	s23 =	simm.s32 $0x1B8B  }
0xa2: {  	_ =	swait.ge [sflag:s23], $0x1  }
0xa3: {  	[sflag:s23] =	ssyncset.done $0x0  }
0xa4: {  	[sflag:s23] =	ssyncadd.s32 $0xFFFFFFFF  }
0xa5: {  	s4 =	sld [smem:$0x0]  }
0xa6: {  	s5 =	sand.u32 $0xFFFFFFFE, s1  }
0xa7: {  	p0 =	sne.s32 s1, s5  }
0xa8: {  	s5 =	sshll.u32 @p0 s5, $0xE  }
0xa9: {  	s5 =	sadd.s32 @p0 $0x11B8D, s5;
	s6 =	sshll.u32 @p0 s4, $0x11  }
0xaa: {  	s5 =	sor.u32 @p0 s6, s5  }
0xab: {  	[sflag:s5] =	ssyncadd.remote.s32 @p0 $0x1;
	_ =	sdelay $0x1  }
0xac: {  	s5 =	simm.s32 @p0 $0x1B8D  }
0xad: {  	_ =	swait.eq @p0 [sflag:s5], $0x1  }
0xae: {  	[sflag:s5] =	ssyncadd.s32 @p0 $0xFFFFFFFF  }
0xaf: {  	s6 =	sshll.u32 @!p0 s1, $0xE  }
0xb0: {  	s6 =	sor.u32 @!p0 $0x4000, s6;
	s5 =	simm.s32 @!p0 $0x1B8D  }
0xb1: {  	s4 =	sshll.u32 @!p0 s4, $0x11;
	s6 =	sadd.s32 @!p0 $0x11B8D, s6;
	_ =	swait.eq @!p0 [sflag:s5], $0x1  }
0xb2: {  	s4 =	sor.u32 @!p0 s4, s6;
	[sflag:s5] =	ssyncadd.s32 @!p0 $0xFFFFFFFF  }
0xb3: {  	s25 =	simm.s32 $0x1B8E;
	s24 =	sld [smem:$0x3FFE];
	[sflag:s4] =	ssyncadd.remote.s32 @!p0 $0x1  }
0xb4: {  	s26 =	simm.s32 $execute0_lowered;
	[smem:$0x3FD2] =	sst s25  }
0xb5: {  	s5 =	sshll.u32 s26, $0x1;
	_ =	strace $0x80000049;
	[dreg:$0x1] =	wrdreg $0xFFFFFFFF  }
0xb6: {  	s28 =	simm.s32 $_size_execute0_lowered;
	s3 =	sadd.s32 s3, s5;
	[dreg:$0x0] =	wrdreg $0x0  }
0xb7: {  	s5 =	sshll.u32 s28, $0x1;
	[dreg:$0x2] =	wrdreg s3  }
0xb8: {  	[dreg:$0x3] =	wrdreg s5  }
0xb9: {  	[dreg:$0x4] =	wrdreg $0xC0  }
0xba: {  	_ =	task [dreg:s22], $0x5FFFF  }
0xbb: {  	[dreg:$0x1] =	wrdreg $0xFFFFFFFF  }
0xbc: {  	[dreg:$0x0] =	wrdreg $0x60  }
0xbd: {  	[dreg:$0x2] =	wrdreg s24  }
0xbe: {  	[dreg:$0x3] =	wrdreg $0xA  }
0xbf: {  	_ =	task.clear_ibuf [dreg:s22], $0x4FFFF;
	_ =	strace $0x90000049  }
0xc0: {  	s29 =	simm.s32 $0xA;
	_ =	strace $0x8000004B  }
0xc1: {  	_ =	swait.ge [sflag:s29], $0x1  }
0xc2: {  	[sflag:s29] =	ssyncadd.s32 $0xFFFFFFFF  }
0xc3: {  	_ =	strace $0x9000004B  }
0xc4: {  	_ =	sfence  }
0xc5: {  	s30 =	sld [smem:$0x0];
	_ =	sdelay $0x2  }
0xc6: {  	s31 =	sshll.u32 s1, $0xD;
	s1 =	sshrl.u32 s1, $0x2  }
0xc7: {  	s4 =	sand.u32 $0x4000, s31;
	s1 =	sadd.s32 s1, s30  }
0xc8: {  	s0 =	sor.u32 s4, s0;
	s1 =	sshll.u32 s1, $0x11  }
0xc9: {  	s0 =	sor.u32 s1, s0  }
0xca: {  	s0 =	sadd.s32 $0x8F2B, s0  }
0xcb: {  	[sflag:s0] =	ssyncadd.remote.s32 $0x1  }
0xcc: {  	_ =	sfence.sel $0xFFFF  }
0xcd: {  	[dreg:$0x0] =	wrdreg $0xFFFFFFFF;
	(pc) =	sbr.abs _section_cstart, $3  }
0xce: {  	[dreg:$0x1] =	wrdreg $0xFFFFFFFF  }
0xcf: {  	_ =	task.clear_ibuf [dreg:s22], $0x2FFFF;
	_ =	strace $0x9FFFFFFF  }
0xd0: {  	(tm) =	ssettm $0x7FFFFFFF  }
0xd1: {  	_ =	shalt  }
tec
execute0_lowered:
.L_overlay_start_1:
0x0: {  	(tag) =	ssettag $0x1  }
0x1: {  	s0 =	srdreg.scid  }
0x2: {  	s3 =	rddreg [dreg:$0x0];
	s1 =	stileid.u32;
	s2 =	simm.s32 $0x0  }
0x3: {  	s20 =	simm.s32 $0x1;
	s21 =	simm.s32 $0x0;
	s4 =	sand.u32 $0x1, s0  }
0x4: {  	s0 =	rddreg [dreg:$0x1];
	s5 =	sshll.u32 s1, $0x11;
	s6 =	sshll.u32 s4, $0x10  }
0x5: {  	[smem:$0x7FF] =	sst s2;
	s4 =	ssub.s32 $0x2, s4;
	s5 =	sor.u32 s6, s5  }
0x6: {  	_ =	strace $0x8000004A;
	s31 =	sshrl.u32 s4, $0x1;
	s18 =	sadd.s32 s5, s3  }
0x7: {  	s19 =	ssub.s32 s4, s31;
	s3 =	sadd.s32 $0xC5400, s18;
	s4 =	sadd.s32 $0xC6400, s18  }
0x8: {  	s5 =	sadd.s32 $0xC7400, s18;
	s6 =	sadd.s32 $0xC8400, s18;
	s7 =	sadd.s32 $0xC9400, s18  }
0x9: {  	s8 =	sadd.s32 $0xCA400, s18;
	s9 =	sadd.s32 $0xCB400, s18;
	s10 =	sadd.s32 $0xCC400, s18  }
0xa: {  	s11 =	sadd.s32 $0xCD400, s18;
	s12 =	sadd.s32 $0xCE400, s18;
	s13 =	sadd.s32 $0xCF400, s18  }
0xb: {  	s14 =	sadd.s32 $0xD0400, s18;
	s15 =	sadd.s32 $0xD1400, s18;
	s16 =	sadd.s32 $0xD2400, s18  }
0xc: {  	v0 =	vimm.f32 $0.0e+00;
	s17 =	sadd.s32 $0xD3400, s18;
	s18 =	sadd.s32 $0xD4400, s18;
	s19 =	smax.u32 s19, $0x1  }
.LBB2_1:
0xd: {  	s22 =	simm.s32 $0x40;
	s23 =	simm.s32 $0x0  }
.LBB2_2:
0xe: {  	p0 =	sne.s32 s22, $0x1FFC0;
	[tilespmem:s23+$0x0] =	vst v0;
	s23 =	smov.u32 s22;
	s22 =	sadd.s32 $0x40, s22  }
.Ltmp0:
0xf: {  	(pc) =	sbr.rel @p0 .LBB2_2-.Ltmp0, $2  }
0x10: {  	_ =	sdelay $0x2  }
0x11: {  	s23 =	sshra.s32 s23, $0x2  }
0x12: {  	[tilespmem:s23+$0x0] =	vst v0  }
0x13: {  	[hbm4b:s3+s2] =	stream.linear.scatter [tilespmem:s2], [sflag:$0x1], $0x8000, $0x38;
	[tilespmem:$0x8000] =	vst v63  }
0x14: {  	_ = 	snop  }
0x15: {  	[hbm4b:s4+s2] =	stream.linear.scatter [tilespmem:s2], [sflag:$0x1], $0x8000, $0x38;
	[tilespmem:$0x8000] =	vst v63  }
0x16: {  	_ = 	snop  }
0x17: {  	[hbm4b:s5+s2] =	stream.linear.scatter [tilespmem:s2], [sflag:$0x1], $0x8000, $0x38;
	[tilespmem:$0x8000] =	vst v63  }
0x18: {  	_ = 	snop  }
0x19: {  	[hbm4b:s6+s2] =	stream.linear.scatter [tilespmem:s2], [sflag:$0x1], $0x8000, $0x38;
	[tilespmem:$0x8000] =	vst v63  }
0x1a: {  	_ = 	snop  }
0x1b: {  	[hbm4b:s7+s2] =	stream.linear.scatter [tilespmem:s2], [sflag:$0x1], $0x8000, $0x38;
	[tilespmem:$0x8000] =	vst v63  }
0x1c: {  	_ = 	snop  }
0x1d: {  	[hbm4b:s8+s2] =	stream.linear.scatter [tilespmem:s2], [sflag:$0x1], $0x8000, $0x38;
	[tilespmem:$0x8000] =	vst v63  }
0x1e: {  	_ = 	snop  }
0x1f: {  	[hbm4b:s9+s2] =	stream.linear.scatter [tilespmem:s2], [sflag:$0x1], $0x8000, $0x38;
	[tilespmem:$0x8000] =	vst v63  }
0x20: {  	_ = 	snop  }
0x21: {  	[hbm4b:s10+s2] =	stream.linear.scatter [tilespmem:s2], [sflag:$0x1], $0x8000, $0x38;
	[tilespmem:$0x8000] =	vst v63  }
0x22: {  	_ = 	snop  }
0x23: {  	[hbm4b:s11+s2] =	stream.linear.scatter [tilespmem:s2], [sflag:$0x1], $0x8000, $0x38;
	[tilespmem:$0x8000] =	vst v63  }
0x24: {  	_ = 	snop  }
0x25: {  	[hbm4b:s12+s2] =	stream.linear.scatter [tilespmem:s2], [sflag:$0x1], $0x8000, $0x38;
	[tilespmem:$0x8000] =	vst v63  }
0x26: {  	_ = 	snop  }
0x27: {  	[hbm4b:s13+s2] =	stream.linear.scatter [tilespmem:s2], [sflag:$0x1], $0x8000, $0x38;
	[tilespmem:$0x8000] =	vst v63  }
0x28: {  	_ = 	snop  }
0x29: {  	[hbm4b:s14+s2] =	stream.linear.scatter [tilespmem:s2], [sflag:$0x1], $0x8000, $0x38;
	[tilespmem:$0x8000] =	vst v63  }
0x2a: {  	_ = 	snop  }
0x2b: {  	[hbm4b:s15+s2] =	stream.linear.scatter [tilespmem:s2], [sflag:$0x1], $0x8000, $0x38;
	[tilespmem:$0x8000] =	vst v63  }
0x2c: {  	_ = 	snop  }
0x2d: {  	[hbm4b:s16+s2] =	stream.linear.scatter [tilespmem:s2], [sflag:$0x1], $0x8000, $0x38;
	[tilespmem:$0x8000] =	vst v63  }
0x2e: {  	_ = 	snop  }
0x2f: {  	[hbm4b:s17+s2] =	stream.linear.scatter [tilespmem:s2], [sflag:$0x1], $0x8000, $0x38;
	[tilespmem:$0x8000] =	vst v63  }
0x30: {  	_ = 	snop  }
0x31: {  	[hbm4b:s18+s2] =	stream.linear.scatter [tilespmem:s2], [sflag:$0x1], $0x8000, $0x38;
	[tilespmem:$0x8000] =	vst v63  }
0x32: {  	_ =	swait.ge [sflag:s20], $0x8000  }
0x33: {  	[sflag:s20] =	ssyncset.done $0x0  }
0x34: {  	[sflag:s20] =	ssyncadd.s32 $0xFFFF8000  }
0x35: {  	_ =	swait.ge [sflag:s20], $0x8000  }
0x36: {  	[sflag:s20] =	ssyncset.done $0x0  }
0x37: {  	[sflag:s20] =	ssyncadd.s32 $0xFFFF8000  }
0x38: {  	_ =	swait.ge [sflag:s20], $0x8000  }
0x39: {  	[sflag:s20] =	ssyncset.done $0x0  }
0x3a: {  	[sflag:s20] =	ssyncadd.s32 $0xFFFF8000  }
0x3b: {  	_ =	swait.ge [sflag:s20], $0x8000  }
0x3c: {  	[sflag:s20] =	ssyncset.done $0x0  }
0x3d: {  	[sflag:s20] =	ssyncadd.s32 $0xFFFF8000  }
0x3e: {  	_ =	swait.ge [sflag:s20], $0x8000  }
0x3f: {  	[sflag:s20] =	ssyncset.done $0x0  }
0x40: {  	[sflag:s20] =	ssyncadd.s32 $0xFFFF8000  }
0x41: {  	_ =	swait.ge [sflag:s20], $0x8000  }
0x42: {  	[sflag:s20] =	ssyncset.done $0x0  }
0x43: {  	[sflag:s20] =	ssyncadd.s32 $0xFFFF8000  }
0x44: {  	_ =	swait.ge [sflag:s20], $0x8000  }
0x45: {  	[sflag:s20] =	ssyncset.done $0x0  }
0x46: {  	[sflag:s20] =	ssyncadd.s32 $0xFFFF8000  }
0x47: {  	_ =	swait.ge [sflag:s20], $0x8000  }
0x48: {  	[sflag:s20] =	ssyncset.done $0x0  }
0x49: {  	[sflag:s20] =	ssyncadd.s32 $0xFFFF8000  }
0x4a: {  	_ =	swait.ge [sflag:s20], $0x8000  }
0x4b: {  	[sflag:s20] =	ssyncset.done $0x0  }
0x4c: {  	[sflag:s20] =	ssyncadd.s32 $0xFFFF8000  }
0x4d: {  	_ =	swait.ge [sflag:s20], $0x8000  }
0x4e: {  	[sflag:s20] =	ssyncset.done $0x0  }
0x4f: {  	[sflag:s20] =	ssyncadd.s32 $0xFFFF8000  }
0x50: {  	_ =	swait.ge [sflag:s20], $0x8000  }
0x51: {  	[sflag:s20] =	ssyncset.done $0x0  }
0x52: {  	[sflag:s20] =	ssyncadd.s32 $0xFFFF8000  }
0x53: {  	_ =	swait.ge [sflag:s20], $0x8000  }
0x54: {  	[sflag:s20] =	ssyncset.done $0x0  }
0x55: {  	[sflag:s20] =	ssyncadd.s32 $0xFFFF8000  }
0x56: {  	_ =	swait.ge [sflag:s20], $0x8000  }
0x57: {  	[sflag:s20] =	ssyncset.done $0x0  }
0x58: {  	[sflag:s20] =	ssyncadd.s32 $0xFFFF8000  }
0x59: {  	_ =	swait.ge [sflag:s20], $0x8000  }
0x5a: {  	[sflag:s20] =	ssyncset.done $0x0  }
0x5b: {  	s21 =	sadd.s32 $0x1, s21;
	[sflag:s20] =	ssyncadd.s32 $0xFFFF8000  }
0x5c: {  	p0 =	sne.s32 s21, s19;
	_ =	swait.ge [sflag:s20], $0x8000  }
.Ltmp1:
0x5d: {  	[sflag:s20] =	ssyncset.done $0x0;
	(pc) =	sbr.rel @p0 .LBB2_1-.Ltmp1, $4  }
0x5e: {  	[sflag:s20] =	ssyncadd.s32 $0xFFFF8000  }
0x5f: {  	_ =	swait.ge [sflag:s20], $0x8000  }
0x60: {  	[sflag:s20] =	ssyncset.done $0x0  }
0x61: {  	[sflag:s20] =	ssyncadd.s32 $0xFFFF8000  }
0x62: {  	_ =	sfence.sel $0x180000  }
0x63: {  	[bflag:$0x0] =	sbarrier.arrive $0xFFFF  }
0x64: {  	p0 =	sne.s32 s1, $0x0;
	_ =	strace $0x9000004A  }
0x65: {  	s0 =	sadd.s32 @!p0 $0x100000, s0;
	[bflag:$0x2] =	sbarrier.arrive $0xFFFF  }
0x66: {  	[sflag:s0] =	ssyncadd.tile.s32 @!p0 $0x1;
	_ =	shalt  }
.Lfunc_end2:
_tile_overlayer_lowered:
.L_overlay_start_2:
0x67: {  	(tag) =	ssettag $0x2  }
0x68: {  	s0 =	rddreg [dreg:$0x0];
	s2 =	stileid.u32  }
0x69: {  	s1 =	rddreg [dreg:$0x1];
	p0 =	sne.s32 s2, $0x0  }
0x6a: {  	s3 =	rddreg [dreg:$0x2];
	[bflag:$0x3] =	sbarrier.arrive $0xFFFF;
	s2 =	simm.s32 @!p0 $0x1C02  }
0x6b: {  	[timem:s3], [sflag:s2] =	dma.local @!p0 [hbm:s0], s1  }
0x6c: {  	s0 =	simm.s32 @!p0 $0x2  }
0x6d: {  	_ =	swait.ge @!p0 [sflag:s0], s1  }
0x6e: {  	s1 =	ssub.s32 @!p0 $0x0, s1;
	[sflag:s0] =	ssyncset.done @!p0 $0x0  }
0x6f: {  	[sflag:s0] =	ssyncadd.s32 @!p0 s1  }
0x70: {  	[bflag:$0x3] =	sbarrier.arrive $0xFFFF  }
0x71: {  	_ =	shalt  }

// kernel: kernel.13.cloned.1.call-start
scs
__scs_entry_jumppad:
0x0: {  	(pc) =	sbr.rel $0x88, $3  }
0x1: {  	(tag) =	ssettag $0x0;
	lr =	simm.s32 $0x1  }
0x2: {  	[smem:$0x3F8A] =	sst lr;
	_ =	strace $0xD0000000  }
0x3: {  	_ = 	snop  }
0x4: {  	_ = 	snop  }
0x5: {  	_ = 	snop  }
0x6: {  	_ = 	snop  }
0x7: {  	_ = 	snop  }
__scs_overlays_trampoline_lowered:
0x8: {  	[smem:$0x3F99] =	sst s0  }
0x9: {  	[smem:$0x3F9A] =	sst s1  }
0xa: {  	[smem:$0x3F9B] =	sst s2  }
0xb: {  	[smem:$0x3F9C] =	sst s3  }
0xc: {  	[smem:$0x3F9D] =	sst s4  }
0xd: {  	[smem:$0x3F9E] =	sst s5  }
0xe: {  	[smem:$0x3F9F] =	sst s6  }
0xf: {  	[smem:$0x3FA0] =	sst s7  }
0x10: {  	[smem:$0x3FA1] =	sst s8  }
0x11: {  	[smem:$0x3FA2] =	sst s9;
	s0 =	simm.s32 @!p0 $0x0  }
0x12: {  	s1 =	sld [smem:$0x3F88];
	s0 =	simm.s32 @p0 $0x1  }
0x13: {  	[smem:$0x3FA3] =	sst s0;
	s0 =	simm.s32 @!p1 $0x0  }
0x14: {  	s2 =	sld [smem:$0x3F87];
	s0 =	simm.s32 @p1 $0x1  }
0x15: {  	[smem:$0x3FA4] =	sst s0;
	s0 =	simm.s32 @!p2 $0x0  }
0x16: {  	s3 =	sld [smem:$0x3FDB];
	s0 =	simm.s32 @p2 $0x1  }
0x17: {  	s4 =	simm.s32 $0x1BF5;
	[smem:$0x3FA6] =	sst s0  }
0x18: {  	s0 =	sld [smem:$0x3F89];
	_ =	swait.ge [sflag:s4], $0x0  }
0x19: {  	s7 =	sld [smem:$0x3F8A]  }
0x1a: {  	s8 =	sadd.s32 $0xFFFFE003, lr  }
0x1b: {  	s9 =	sadd.s32 $0xFFFFFEF7, lr;
	s5 =	simm.s32 $0xFFFFFFFF;
	p2 =	slt.u32 s8, $0xFFFFF086  }
0x1c: {  	p1 =	slt.u32 s9, $0xF7A;
	s5 =	simm.s32 @!p2 $0x0  }
0x1d: {  	s5 =	simm.s32 @p1 $0x1;
	p0 =	seq.s32 s7, s2  }
0x1e: {  	s7 =	smul.u32 @!p0 $0xF7A, s2;
	p2 =	seq.s32 @!p0 s5, $0x0  }
0x1f: {  	s9 =	smul.u32 $0xF7A, s1;
	s8 =	simm.s32 @!p0 $0x1BF5;
	p2 =	por !p2, p0  }
0x20: {  	[sflag:s8] =	ssyncset.s32 @!p0 $0xFFFFF086;
	s6 =	sadd.s32 @!p0 s3, s7;
	s7 =	simm.s32 @!p0 $0x108  }
0x21: {  	s3 =	sadd.s32 s3, s9;
	s6 =	sadd.s32 @!p0 $0x88, s6;
	s7 =	simm.s32 @p2 $0x1082  }
0x22: {  	[simem:s7], [sflag:s8] =	dma.local @!p0 [hbm:s6], $0xF7A  }
0x23: {  	s9 =	sor.u32 $0xD0000000, s2;
	s6 =	simm.s32 $0x108;
	_ =	swait.ge @!p0 [sflag:s8], $0x0  }
0x24: {  	s3 =	sadd.s32 $0x88, s3;
	s6 =	simm.s32 @!p1 $0x1082;
	[sflag:s4] =	ssyncset.s32 $0xFFFFF086  }
0x25: {  	[simem:s6], [sflag:s4] =	dma.local [hbm:s3], $0xF7A  }
0x26: {  	[smem:$0x3F8A] =	sst s1;
	(tag) =	ssettag s2;
	_ =	strace s9  }
0x27: {  	s1 =	sld [smem:$0x3F9A]  }
0x28: {  	s2 =	sld [smem:$0x3F9B]  }
0x29: {  	s4 =	sld [smem:$0x3F9D]  }
0x2a: {  	p0 =	seq.s32 s5, $0x0;
	s5 =	sld [smem:$0x3F9E]  }
0x2b: {  	s6 =	sld [smem:$0x3F9F]  }
0x2c: {  	s7 =	sld [smem:$0x3FA0]  }
0x2d: {  	s3 =	simm.s32 $0x108;
	s8 =	sld [smem:$0x3FA1]  }
0x2e: {  	s3 =	simm.s32 @!p0 $0x1082;
	s9 =	sld [smem:$0x3FA2]  }
0x2f: {  	lr =	sadd.s32 s0, s3;
	s0 =	sld [smem:$0x3F99]  }
0x30: {  	s3 =	sld [smem:$0x3F9C]  }
0x31: {  	[smem:$0x3FA5] =	sst s10  }
0x32: {  	s10 =	sld [smem:$0x3FA3];
	_ =	sdelay $0x3  }
0x33: {  	p0 =	seq.s32 s10, $0x1;
	s10 =	sld [smem:$0x3FA5];
	_ =	sdelay $0x3  }
0x34: {  	[smem:$0x3FA5] =	sst s10  }
0x35: {  	s10 =	sld [smem:$0x3FA4];
	_ =	sdelay $0x3  }
0x36: {  	p1 =	seq.s32 s10, $0x1;
	s10 =	sld [smem:$0x3FA5];
	_ =	sdelay $0x3  }
0x37: {  	[smem:$0x3FA5] =	sst s10  }
0x38: {  	s10 =	sld [smem:$0x3FA6]  }
0x39: {  	_ = 	snop;
	(pc) =	sbr.ind lr, $3  }
0x3a: {  	_ = 	snop  }
0x3b: {  	_ = 	snop  }
0x3c: {  	p2 =	seq.s32 s10, $0x1;
	s10 =	sld [smem:$0x3FA5]  }
0x3d: {  	_ =	shalt  }
0x3e: {  	_ =	shalt  }
0x3f: {  	_ =	shalt  }
0x40: {  	_ =	shalt  }
0x41: {  	_ =	shalt  }
0x42: {  	_ =	shalt  }
0x43: {  	_ =	shalt  }
0x44: {  	_ =	shalt  }
0x45: {  	_ =	shalt  }
0x46: {  	_ =	shalt  }
0x47: {  	_ =	shalt  }
0x48: {  	_ =	shalt  }
0x49: {  	_ =	shalt  }
0x4a: {  	_ =	shalt  }
0x4b: {  	_ =	shalt  }
0x4c: {  	_ =	shalt  }
0x4d: {  	_ =	shalt  }
0x4e: {  	_ =	shalt  }
0x4f: {  	_ =	shalt  }
0x50: {  	_ =	shalt  }
0x51: {  	_ =	shalt  }
0x52: {  	_ =	shalt  }
0x53: {  	_ =	shalt  }
0x54: {  	_ =	shalt  }
0x55: {  	_ =	shalt  }
0x56: {  	_ =	shalt  }
0x57: {  	_ =	shalt  }
0x58: {  	_ =	shalt  }
0x59: {  	_ =	shalt  }
0x5a: {  	_ =	shalt  }
0x5b: {  	_ =	shalt  }
0x5c: {  	_ =	shalt  }
0x5d: {  	_ =	shalt  }
0x5e: {  	_ =	shalt  }
0x5f: {  	_ =	shalt  }
0x60: {  	_ =	shalt  }
0x61: {  	_ =	shalt  }
0x62: {  	_ =	shalt  }
0x63: {  	_ =	shalt  }
0x64: {  	_ =	shalt  }
0x65: {  	_ =	shalt  }
0x66: {  	_ =	shalt  }
0x67: {  	_ =	shalt  }
0x68: {  	_ =	shalt  }
0x69: {  	_ =	shalt  }
0x6a: {  	_ =	shalt  }
0x6b: {  	_ =	shalt  }
0x6c: {  	_ =	shalt  }
0x6d: {  	_ =	shalt  }
0x6e: {  	_ =	shalt  }
0x6f: {  	_ =	shalt  }
0x70: {  	_ =	shalt  }
0x71: {  	_ =	shalt  }
0x72: {  	_ =	shalt  }
0x73: {  	_ =	shalt  }
0x74: {  	_ =	shalt  }
0x75: {  	_ =	shalt  }
0x76: {  	_ =	shalt  }
0x77: {  	_ =	shalt  }
0x78: {  	_ =	shalt  }
0x79: {  	_ =	shalt  }
0x7a: {  	_ =	shalt  }
0x7b: {  	_ =	shalt  }
0x7c: {  	_ =	shalt  }
0x7d: {  	_ =	shalt  }
0x7e: {  	_ =	shalt  }
0x7f: {  	_ =	shalt  }
0x80: {  	_ =	shalt  }
0x81: {  	_ =	shalt  }
0x82: {  	_ =	shalt  }
0x83: {  	_ =	shalt  }
0x84: {  	_ =	shalt  }
0x85: {  	_ =	shalt  }
0x86: {  	_ =	shalt  }
0x87: {  	_ =	shalt  }
.Lfunc_end0:
.L_simem_size_0:
called_computation.2_lowered:
.L_overlay_start_0:
0x88: {  	s2 =	sld [smem:$0x3FD9]  }
0x89: {  	s3 =	sld [smem:$0x3FFE];
	_ =	sdelay $0x1  }
0x8a: {  	s1 =	srdreg.scid  }
0x8b: {  	s0 =	sand.u32 $0x1, s1  }
0x8c: {  	s14 =	sshll.u32 s0, $0xA;
	s2 =	sadd.s32 s3, s2  }
0x8d: {  	s2 =	sadd.s32 s2, s14  }
0x8e: {  	[smem:$0x3FB1] =	sst s2  }
0x8f: {  	_ = 	snop  }
0x90: {  	s2 =	sld [smem:$0x3FD0];
	_ =	sdelay $0x2  }
0x91: {  	s15 =	simm.s32 $0xB;
	s4 =	simm.s32 $0x10  }
0x92: {  	[smem:s4], [sflag:s15] =	dma.local [hbm:s2], $0x1  }
0x93: {  	_ =	swait.eq [sflag:s15], $0x1  }
0x94: {  	[sflag:s15] =	ssyncset.done $0x0  }
0x95: {  	[sflag:s15] =	ssyncadd.s32 $0xFFFFFFFF  }
0x96: {  	s16 =	sld [smem:$0x11];
	(tm) =	ssettm $0x1  }
0x97: {  	s17 =	sld [smem:$0x3FFB];
	_ =	sdelay $0x3  }
0x98: {  	_ =	strace s17  }
0x99: {  	s3 =	sld [smem:$0x3FFC];
	_ =	sdelay $0x3  }
0x9a: {  	_ =	strace s3  }
0x9b: {  	s3 =	sld [smem:$0x3FFD];
	_ =	sdelay $0x3  }
0x9c: {  	_ =	strace s3  }
0x9d: {  	_ =	strace $0x8FFFFFFF  }
0x9e: {  	s18 =	sld [smem:$0x3FDB];
	_ =	sdelay $0x1  }
0x9f: {  	s19 =	simm.s32 $_scs_section_size  }
0xa0: {  	s5 =	simm.s32 $_size__tile_overlayer_lowered;
	s6 =	simm.s32 $_tile_overlayer_lowered  }
0xa1: {  	s22 =	simm.s32 $0x1BFF;
	s21 =	sshll.u32 s6, $0x1;
	s3 =	sadd.s32 s19, s18  }
0xa2: {  	s7 =	simm.s32 $0x0;
	s20 =	sshll.u32 s5, $0x1;
	s5 =	sadd.s32 s21, s3  }
0xa3: {  	[timem:s7], [sflag:s22] =	dma.local [hbm:s5], s20  }
0xa4: {  	_ =	swait.ge [sflag:s22], s20  }
0xa5: {  	s4 =	ssub.s32 $0x0, s20;
	[sflag:s22] =	ssyncset.done $0x0  }
0xa6: {  	[sflag:s22] =	ssyncadd.s32 s4;
	_ =	sdelay $0x1  }
0xa7: {  	s23 =	simm.s32 $0x1B8B  }
0xa8: {  	_ =	swait.ge [sflag:s23], $0x1  }
0xa9: {  	[sflag:s23] =	ssyncset.done $0x0  }
0xaa: {  	s25 =	simm.s32 $0x1B8E;
	s24 =	sld [smem:$0x3FFE];
	[sflag:s23] =	ssyncadd.s32 $0xFFFFFFFF  }
0xab: {  	s26 =	simm.s32 $execute0_lowered;
	[smem:$0x3FD2] =	sst s25  }
0xac: {  	s5 =	sshll.u32 s26, $0x1;
	_ =	strace $0x8000004C;
	[dreg:$0x1] =	wrdreg $0xFFFFFFFF  }
0xad: {  	s28 =	simm.s32 $_size_execute0_lowered;
	s3 =	sadd.s32 s3, s5;
	[dreg:$0x0] =	wrdreg $0x0  }
0xae: {  	s5 =	sshll.u32 s28, $0x1;
	[dreg:$0x2] =	wrdreg s3  }
0xaf: {  	[dreg:$0x3] =	wrdreg s5  }
0xb0: {  	[dreg:$0x4] =	wrdreg $0xC0  }
0xb1: {  	_ =	task [dreg:s7], $0x5FFFF  }
0xb2: {  	[dreg:$0x1] =	wrdreg $0xFFFFFFFF  }
0xb3: {  	[dreg:$0x0] =	wrdreg $0x60  }
0xb4: {  	[dreg:$0x2] =	wrdreg s24  }
0xb5: {  	[dreg:$0x3] =	wrdreg s16  }
0xb6: {  	[dreg:$0x4] =	wrdreg $0x9  }
0xb7: {  	_ =	task.clear_ibuf [dreg:s7], $0x5FFFF;
	_ =	strace $0x9000004C  }
0xb8: {  	s29 =	simm.s32 $0x9;
	_ =	strace $0x8000004E  }
0xb9: {  	_ =	swait.ge [sflag:s29], $0x1  }
0xba: {  	[sflag:s29] =	ssyncadd.s32 $0xFFFFFFFF  }
0xbb: {  	_ =	strace $0x9000004E  }
0xbc: {  	_ =	sfence  }
0xbd: {  	s30 =	sld [smem:$0x0];
	_ =	sdelay $0x2  }
0xbe: {  	s31 =	sshll.u32 s1, $0xD;
	s1 =	sshrl.u32 s1, $0x2  }
0xbf: {  	s3 =	sand.u32 $0x4000, s31;
	s1 =	sadd.s32 s1, s30  }
0xc0: {  	s0 =	sor.u32 s3, s0;
	s1 =	sshll.u32 s1, $0x11  }
0xc1: {  	s0 =	sor.u32 s1, s0  }
0xc2: {  	s0 =	sadd.s32 $0x8F2B, s0  }
0xc3: {  	[sflag:s0] =	ssyncadd.remote.s32 $0x1  }
0xc4: {  	_ =	sfence.sel $0xFFFF  }
0xc5: {  	[dreg:$0x0] =	wrdreg $0xFFFFFFFF;
	(pc) =	sbr.abs _section_cstart, $3  }
0xc6: {  	[dreg:$0x1] =	wrdreg $0xFFFFFFFF  }
0xc7: {  	_ =	task.clear_ibuf [dreg:s7], $0x2FFFF;
	_ =	strace $0x9FFFFFFF  }
0xc8: {  	(tm) =	ssettm $0x7FFFFFFF  }
0xc9: {  	_ =	shalt  }
tec
execute0_lowered:
.L_overlay_start_1:
0x0: {  	(tag) =	ssettag $0x1  }
0x1: {  	s3 =	rddreg [dreg:$0x0]  }
0x2: {  	s6 =	rddreg [dreg:$0x1];
	s2 =	srdreg.scid  }
0x3: {  	s0 =	rddreg [dreg:$0x2];
	s1 =	stileid.u32;
	s9 =	simm.s32 $0x200  }
0x4: {  	s10 =	simm.s32 $0x400;
	s11 =	simm.s32 $0x80;
	s12 =	simm.s32 $0x600  }
0x5: {  	s13 =	simm.s32 $0x680;
	s14 =	simm.s32 $0x480;
	s15 =	simm.s32 $0x700  }
0x6: {  	s16 =	simm.s32 $0x500;
	s17 =	simm.s32 $0x780;
	s18 =	simm.s32 $0x580  }
0x7: {  	s19 =	simm.s32 $0x1;
	s4 =	sand.u32 $0x1, s2;
	s2 =	simm.s32 $0x0  }
0x8: {  	s5 =	sshll.u32 s1, $0x7;
	s7 =	sshll.u32 s4, $0x6;
	[smem:$0x7FF] =	sst s2  }
0x9: {  	s4 =	ssub.s32 $0x2, s4;
	s7 =	sor.u32 s7, s5;
	_ =	strace $0x8000004D  }
0xa: {  	s8 =	sshrl.u32 s4, $0x1;
	s5 =	sadd.s32 s7, s3;
	s3 =	sadd.s32 $0xC5400, s3  }
0xb: {  	s8 =	ssub.s32 s4, s8;
	s6 =	sadd.s32 s6, s7;
	s4 =	sadd.s32 $0x4C00, s5  }
0xc: {  	s5 =	sadd.s32 $0x4400, s5;
	s7 =	smax.u32 s8, $0x1;
	s8 =	simm.s32 $0x2  }
.LBB2_1:
0xd: {  	[tilespmem:s2], [sflag:$0x2] =	stream.linear.gather [hbm4b:s4+s2], $0x200, $0x38;
	[tilespmem:$0x800] =	vst v63  }
0xe: {  	_ =	swait.ge [sflag:s8], $0x200  }
0xf: {  	[sflag:s8] =	ssyncset.done $0x0  }
0x10: {  	[sflag:s8] =	ssyncadd.s32 $0xFFFFFE00  }
0x11: {  	[tilespmem:s9], [sflag:$0x2] =	stream.linear.gather [hbm4b:s5+s2], $0x200, $0x38;
	[tilespmem:$0x800] =	vst v63  }
0x12: {  	_ =	swait.ge [sflag:s8], $0x200  }
0x13: {  	[sflag:s8] =	ssyncset.done $0x0  }
0x14: {  	[sflag:s8] =	ssyncadd.s32 $0xFFFFFE00  }
0x15: {  	[tilespmem:s10], [sflag:$0x2] =	stream.linear.gather [hbm4b:s6+s2], $0x200, $0x38;
	[tilespmem:$0x800] =	vst v63  }
0x16: {  	_ =	swait.ge [sflag:s8], $0x200  }
0x17: {  	[sflag:s8] =	ssyncset.done $0x0  }
0x18: {  	[sflag:s8] =	ssyncadd.s32 $0xFFFFFE00  }
0x19: {  	v0 =	vld [tilespmem:$0x0]  }
0x1a: {  	v1 =	vld [tilespmem:$0x200]  }
0x1b: {  	v2 =	vld [tilespmem:$0x10]  }
0x1c: {  	v3 =	vld [tilespmem:$0x210]  }
0x1d: {  	v4 =	vld [tilespmem:$0x20]  }
0x1e: {  	v5 =	vld [tilespmem:$0x220]  }
0x1f: {  	v6 =	vld [tilespmem:$0x30]  }
0x20: {  	v7 =	vld [tilespmem:$0x230]  }
0x21: {  	v8 =	vld [tilespmem:$0x40]  }
0x22: {  	v9 =	vld [tilespmem:$0x240]  }
0x23: {  	v10 =	vld [tilespmem:$0x50]  }
0x24: {  	v11 =	vld [tilespmem:$0x250]  }
0x25: {  	v12 =	vld [tilespmem:$0x60]  }
0x26: {  	v13 =	vld [tilespmem:$0x260]  }
0x27: {  	v14 =	vld [tilespmem:$0x70]  }
0x28: {  	v15 =	vld [tilespmem:$0x270]  }
0x29: {  	v16 =	vld [tilespmem:$0x80]  }
0x2a: {  	v17 =	vld [tilespmem:$0x280]  }
0x2b: {  	v18 =	vld [tilespmem:$0x90]  }
0x2c: {  	v19 =	vld [tilespmem:$0x290]  }
0x2d: {  	v20 =	vld [tilespmem:$0xA0]  }
0x2e: {  	v21 =	vld [tilespmem:$0x2A0]  }
0x2f: {  	v22 =	vld [tilespmem:$0xB0]  }
0x30: {  	v23 =	vld [tilespmem:$0x2B0]  }
0x31: {  	v24 =	vld [tilespmem:$0xC0]  }
0x32: {  	v25 =	vld [tilespmem:$0x2C0]  }
0x33: {  	v26 =	vld [tilespmem:$0xD0]  }
0x34: {  	v27 =	vld [tilespmem:$0x2D0]  }
0x35: {  	v28 =	vld [tilespmem:$0xE0]  }
0x36: {  	v29 =	vld [tilespmem:$0x2E0]  }
0x37: {  	v30 =	vld [tilespmem:$0xF0]  }
0x38: {  	v31 =	vld [tilespmem:$0x2F0]  }
0x39: {  	v32 =	vld [tilespmem:$0x100]  }
0x3a: {  	v33 =	vld [tilespmem:$0x300]  }
0x3b: {  	v34 =	vld [tilespmem:$0x110]  }
0x3c: {  	v35 =	vld [tilespmem:$0x310]  }
0x3d: {  	v36 =	vld [tilespmem:$0x120];
	v0 =	vshll.u32 v0, $0xC  }
0x3e: {  	v38 =	vld [tilespmem:$0x350];
	v58 =	vshll.u32 v2, $0xC;
	v0 =	vadd.s32 v1, v0  }
0x3f: {  	v41 =	vld [tilespmem:$0x160];
	v60 =	vshll.u32 v4, $0xC;
	v59 =	vadd.s32 v3, v58;
	[tilespmem:$0x600] =	vst v0  }
0x40: {  	v44 =	vld [tilespmem:$0x360];
	v62 =	vshll.u32 v6, $0xC;
	v61 =	vadd.s32 v5, v60;
	[tilespmem:$0x610] =	vst v59  }
0x41: {  	v47 =	vld [tilespmem:$0x170];
	v8 =	vshll.u32 v8, $0xC;
	v63 =	vadd.s32 v7, v62;
	[tilespmem:$0x620] =	vst v61  }
0x42: {  	v50 =	vld [tilespmem:$0x370];
	v10 =	vshll.u32 v10, $0xC;
	v9 =	vadd.s32 v9, v8;
	[tilespmem:$0x630] =	vst v63  }
0x43: {  	v53 =	vld [tilespmem:$0x180];
	v12 =	vshll.u32 v12, $0xC;
	v11 =	vadd.s32 v11, v10;
	[tilespmem:$0x640] =	vst v9  }
0x44: {  	v56 =	vld [tilespmem:$0x380];
	v37 =	vshll.u32 v14, $0xC;
	v13 =	vadd.s32 v13, v12;
	[tilespmem:$0x650] =	vst v11  }
0x45: {  	v2 =	vld [tilespmem:$0x320];
	v40 =	vshll.u32 v16, $0xC;
	v39 =	vadd.s32 v15, v37;
	[tilespmem:$0x660] =	vst v13  }
0x46: {  	v4 =	vld [tilespmem:$0x330];
	v43 =	vshll.u32 v18, $0xC;
	v42 =	vadd.s32 v17, v40;
	[tilespmem:$0x670] =	vst v39  }
0x47: {  	v6 =	vld [tilespmem:$0x340];
	v46 =	vshll.u32 v20, $0xC;
	v45 =	vadd.s32 v19, v43;
	[tilespmem:$0x680] =	vst v42  }
0x48: {  	v49 =	vshll.u32 v22, $0xC;
	v52 =	vshll.u32 v24, $0xC;
	v24 =	vld [tilespmem:$0x3A0];
	v48 =	vadd.s32 v21, v46;
	[tilespmem:$0x690] =	vst v45  }
0x49: {  	v3 =	vld [tilespmem:$0x130];
	v51 =	vadd.s32 v23, v49;
	[tilespmem:$0x6A0] =	vst v48  }
0x4a: {  	v55 =	vshll.u32 v26, $0xC;
	v5 =	vld [tilespmem:$0x140];
	v54 =	vadd.s32 v25, v52;
	[tilespmem:$0x6B0] =	vst v51  }
0x4b: {  	v20 =	vshll.u32 v32, $0xC;
	v7 =	vld [tilespmem:$0x150];
	v57 =	vadd.s32 v27, v55;
	[tilespmem:$0x6C0] =	vst v54  }
0x4c: {  	v58 =	vshll.u32 v28, $0xC;
	v62 =	vld [tilespmem:$0x390];
	v22 =	vadd.s32 v33, v20;
	[tilespmem:$0x6D0] =	vst v57  }
0x4d: {  	v21 =	vld [tilespmem:$0x1A0];
	v23 =	vshll.u32 v34, $0xC;
	v60 =	vadd.s32 v29, v58;
	[tilespmem:$0x700] =	vst v22  }
0x4e: {  	v27 =	vld [tilespmem:$0x1B0];
	v61 =	vshll.u32 v30, $0xC;
	v25 =	vadd.s32 v35, v23;
	[tilespmem:$0x6E0] =	vst v60  }
0x4f: {  	v26 =	vshll.u32 v36, $0xC;
	v59 =	vld [tilespmem:$0x190];
	v63 =	vadd.s32 v31, v61;
	[tilespmem:$0x710] =	vst v25  }
0x50: {  	v39 =	vld [tilespmem:$0x1D0];
	[tilespmem:$0x6F0] =	vst v63;
	v28 =	vadd.s32 v2, v26;
	v29 =	vshll.u32 v3, $0xC  }
0x51: {  	v42 =	vld [tilespmem:$0x3D0];
	[tilespmem:$0x720] =	vst v28;
	v32 =	vshll.u32 v5, $0xC;
	v31 =	vadd.s32 v4, v29  }
0x52: {  	v45 =	vld [tilespmem:$0x1E0];
	v35 =	vshll.u32 v7, $0xC;
	v34 =	vadd.s32 v6, v32;
	[tilespmem:$0x730] =	vst v31  }
0x53: {  	v48 =	vld [tilespmem:$0x3E0];
	v37 =	vadd.s32 v38, v35;
	v38 =	vshll.u32 v41, $0xC;
	[tilespmem:$0x740] =	vst v34  }
0x54: {  	v33 =	vld [tilespmem:$0x1C0];
	v41 =	vshll.u32 v47, $0xC;
	[tilespmem:$0x750] =	vst v37;
	v40 =	vadd.s32 v44, v38  }
0x55: {  	v30 =	vld [tilespmem:$0x3B0];
	v47 =	vshll.u32 v59, $0xC;
	v43 =	vadd.s32 v50, v41;
	[tilespmem:$0x760] =	vst v40  }
0x56: {  	v51 =	vld [tilespmem:$0x1F0];
	v58 =	vshll.u32 v39, $0xC;
	v49 =	vadd.s32 v62, v47;
	[tilespmem:$0x770] =	vst v43  }
0x57: {  	v54 =	vld [tilespmem:$0x3F0];
	v60 =	vshll.u32 v45, $0xC;
	v59 =	vadd.s32 v42, v58;
	[tilespmem:$0x790] =	vst v49  }
0x58: {  	v36 =	vld [tilespmem:$0x3C0];
	v44 =	vshll.u32 v53, $0xC;
	v61 =	vadd.s32 v48, v60;
	[tilespmem:$0x7D0] =	vst v59  }
0x59: {  	v50 =	vshll.u32 v21, $0xC;
	v46 =	vadd.s32 v56, v44;
	[tilespmem:$0x7E0] =	vst v61  }
0x5a: {  	v53 =	vshll.u32 v27, $0xC;
	v52 =	vadd.s32 v24, v50;
	[tilespmem:$0x780] =	vst v46  }
0x5b: {  	v62 =	vshll.u32 v51, $0xC;
	v55 =	vadd.s32 v30, v53;
	[tilespmem:$0x7A0] =	vst v52  }
0x5c: {  	v56 =	vshll.u32 v33, $0xC;
	v63 =	vadd.s32 v54, v62;
	[tilespmem:$0x7B0] =	vst v55  }
0x5d: {  	v57 =	vadd.s32 v36, v56;
	[tilespmem:$0x7F0] =	vst v63  }
0x5e: {  	[tilespmem:$0x7C0] =	vst v57  }
0x5f: {  	[hbm4b:s3+s11] =	stream.indirect.scatter [tilespmem:s10], [sflag:$0x1], $0x1, s12, s11, $0xb8;
	[tilespmem:$0x800] =	vst v63  }
0x60: {  	_ = 	snop  }
0x61: {  	[hbm4b:s3+s11] =	stream.indirect.scatter [tilespmem:s14], [sflag:$0x1], $0x1, s13, s11, $0xb8;
	[tilespmem:$0x800] =	vst v63  }
0x62: {  	_ = 	snop  }
0x63: {  	[hbm4b:s3+s11] =	stream.indirect.scatter [tilespmem:s16], [sflag:$0x1], $0x1, s15, s11, $0xb8;
	[tilespmem:$0x800] =	vst v63  }
0x64: {  	_ = 	snop  }
0x65: {  	[hbm4b:s3+s11] =	stream.indirect.scatter [tilespmem:s18], [sflag:$0x1], $0x1, s17, s11, $0xb8;
	[tilespmem:$0x800] =	vst v63  }
0x66: {  	_ =	swait.ge [sflag:s19], $0x80  }
0x67: {  	[sflag:s19] =	ssyncset.done $0x0  }
0x68: {  	[sflag:s19] =	ssyncadd.s32 $0xFFFFFF80  }
0x69: {  	_ =	swait.ge [sflag:s19], $0x80  }
0x6a: {  	[sflag:s19] =	ssyncset.done $0x0  }
0x6b: {  	[sflag:s19] =	ssyncadd.s32 $0xFFFFFF80  }
0x6c: {  	p0 =	sne.s32 s7, $0x1;
	_ =	swait.ge [sflag:s19], $0x80  }
.Ltmp0:
0x6d: {  	[sflag:s19] =	ssyncset.done $0x0;
	(pc) =	sbr.rel @p0 .LBB2_1-.Ltmp0, $4  }
0x6e: {  	[sflag:s19] =	ssyncadd.s32 $0xFFFFFF80  }
0x6f: {  	_ =	swait.ge [sflag:s19], $0x80  }
0x70: {  	[sflag:s19] =	ssyncset.done $0x0  }
0x71: {  	s7 =	sadd.s32 $0xFFFFFFFF, s7;
	[sflag:s19] =	ssyncadd.s32 $0xFFFFFF80  }
0x72: {  	_ =	sfence.sel $0x180000  }
0x73: {  	[bflag:$0x0] =	sbarrier.arrive $0xFFFF  }
0x74: {  	p0 =	sne.s32 s1, $0x0;
	_ =	strace $0x9000004D  }
0x75: {  	s0 =	sadd.s32 @!p0 $0x100000, s0;
	[bflag:$0x2] =	sbarrier.arrive $0xFFFF  }
0x76: {  	[sflag:s0] =	ssyncadd.tile.s32 @!p0 $0x1;
	_ =	shalt  }
.Lfunc_end2:
_tile_overlayer_lowered:
.L_overlay_start_2:
0x77: {  	(tag) =	ssettag $0x2  }
0x78: {  	s0 =	rddreg [dreg:$0x0];
	s2 =	stileid.u32  }
0x79: {  	s1 =	rddreg [dreg:$0x1];
	p0 =	sne.s32 s2, $0x0  }
0x7a: {  	s3 =	rddreg [dreg:$0x2];
	[bflag:$0x3] =	sbarrier.arrive $0xFFFF;
	s2 =	simm.s32 @!p0 $0x1C02  }
0x7b: {  	[timem:s3], [sflag:s2] =	dma.local @!p0 [hbm:s0], s1  }
0x7c: {  	s0 =	simm.s32 @!p0 $0x2  }
0x7d: {  	_ =	swait.ge @!p0 [sflag:s0], s1  }
0x7e: {  	s1 =	ssub.s32 @!p0 $0x0, s1;
	[sflag:s0] =	ssyncset.done @!p0 $0x0  }
0x7f: {  	[sflag:s0] =	ssyncadd.s32 @!p0 s1  }
0x80: {  	[bflag:$0x3] =	sbarrier.arrive $0xFFFF  }
0x81: {  	_ =	shalt  }

// kernel: kernel.7.cloned.1.call-start
scs
__scs_entry_jumppad:
0x0: {  	(pc) =	sbr.rel $0x88, $3  }
0x1: {  	(tag) =	ssettag $0x0;
	lr =	simm.s32 $0x1  }
0x2: {  	[smem:$0x3F8A] =	sst lr;
	_ =	strace $0xD0000000  }
0x3: {  	_ = 	snop  }
0x4: {  	_ = 	snop  }
0x5: {  	_ = 	snop  }
0x6: {  	_ = 	snop  }
0x7: {  	_ = 	snop  }
__scs_overlays_trampoline_lowered:
0x8: {  	[smem:$0x3F99] =	sst s0  }
0x9: {  	[smem:$0x3F9A] =	sst s1  }
0xa: {  	[smem:$0x3F9B] =	sst s2  }
0xb: {  	[smem:$0x3F9C] =	sst s3  }
0xc: {  	[smem:$0x3F9D] =	sst s4  }
0xd: {  	[smem:$0x3F9E] =	sst s5  }
0xe: {  	[smem:$0x3F9F] =	sst s6  }
0xf: {  	[smem:$0x3FA0] =	sst s7  }
0x10: {  	[smem:$0x3FA1] =	sst s8  }
0x11: {  	[smem:$0x3FA2] =	sst s9;
	s0 =	simm.s32 @!p0 $0x0  }
0x12: {  	s1 =	sld [smem:$0x3F88];
	s0 =	simm.s32 @p0 $0x1  }
0x13: {  	[smem:$0x3FA3] =	sst s0;
	s0 =	simm.s32 @!p1 $0x0  }
0x14: {  	s2 =	sld [smem:$0x3F87];
	s0 =	simm.s32 @p1 $0x1  }
0x15: {  	[smem:$0x3FA4] =	sst s0;
	s0 =	simm.s32 @!p2 $0x0  }
0x16: {  	s3 =	sld [smem:$0x3FDB];
	s0 =	simm.s32 @p2 $0x1  }
0x17: {  	s4 =	simm.s32 $0x1BF5;
	[smem:$0x3FA6] =	sst s0  }
0x18: {  	s0 =	sld [smem:$0x3F89];
	_ =	swait.ge [sflag:s4], $0x0  }
0x19: {  	s7 =	sld [smem:$0x3F8A]  }
0x1a: {  	s8 =	sadd.s32 $0xFFFFE003, lr  }
0x1b: {  	s9 =	sadd.s32 $0xFFFFFEF7, lr;
	s5 =	simm.s32 $0xFFFFFFFF;
	p2 =	slt.u32 s8, $0xFFFFF086  }
0x1c: {  	p1 =	slt.u32 s9, $0xF7A;
	s5 =	simm.s32 @!p2 $0x0  }
0x1d: {  	s5 =	simm.s32 @p1 $0x1;
	p0 =	seq.s32 s7, s2  }
0x1e: {  	s7 =	smul.u32 @!p0 $0xF7A, s2;
	p2 =	seq.s32 @!p0 s5, $0x0  }
0x1f: {  	s9 =	smul.u32 $0xF7A, s1;
	s8 =	simm.s32 @!p0 $0x1BF5;
	p2 =	por !p2, p0  }
0x20: {  	[sflag:s8] =	ssyncset.s32 @!p0 $0xFFFFF086;
	s6 =	sadd.s32 @!p0 s3, s7;
	s7 =	simm.s32 @!p0 $0x108  }
0x21: {  	s3 =	sadd.s32 s3, s9;
	s6 =	sadd.s32 @!p0 $0x88, s6;
	s7 =	simm.s32 @p2 $0x1082  }
0x22: {  	[simem:s7], [sflag:s8] =	dma.local @!p0 [hbm:s6], $0xF7A  }
0x23: {  	s9 =	sor.u32 $0xD0000000, s2;
	s6 =	simm.s32 $0x108;
	_ =	swait.ge @!p0 [sflag:s8], $0x0  }
0x24: {  	s3 =	sadd.s32 $0x88, s3;
	s6 =	simm.s32 @!p1 $0x1082;
	[sflag:s4] =	ssyncset.s32 $0xFFFFF086  }
0x25: {  	[simem:s6], [sflag:s4] =	dma.local [hbm:s3], $0xF7A  }
0x26: {  	[smem:$0x3F8A] =	sst s1;
	(tag) =	ssettag s2;
	_ =	strace s9  }
0x27: {  	s1 =	sld [smem:$0x3F9A]  }
0x28: {  	s2 =	sld [smem:$0x3F9B]  }
0x29: {  	s4 =	sld [smem:$0x3F9D]  }
0x2a: {  	p0 =	seq.s32 s5, $0x0;
	s5 =	sld [smem:$0x3F9E]  }
0x2b: {  	s6 =	sld [smem:$0x3F9F]  }
0x2c: {  	s7 =	sld [smem:$0x3FA0]  }
0x2d: {  	s3 =	simm.s32 $0x108;
	s8 =	sld [smem:$0x3FA1]  }
0x2e: {  	s3 =	simm.s32 @!p0 $0x1082;
	s9 =	sld [smem:$0x3FA2]  }
0x2f: {  	lr =	sadd.s32 s0, s3;
	s0 =	sld [smem:$0x3F99]  }
0x30: {  	s3 =	sld [smem:$0x3F9C]  }
0x31: {  	[smem:$0x3FA5] =	sst s10  }
0x32: {  	s10 =	sld [smem:$0x3FA3];
	_ =	sdelay $0x3  }
0x33: {  	p0 =	seq.s32 s10, $0x1;
	s10 =	sld [smem:$0x3FA5];
	_ =	sdelay $0x3  }
0x34: {  	[smem:$0x3FA5] =	sst s10  }
0x35: {  	s10 =	sld [smem:$0x3FA4];
	_ =	sdelay $0x3  }
0x36: {  	p1 =	seq.s32 s10, $0x1;
	s10 =	sld [smem:$0x3FA5];
	_ =	sdelay $0x3  }
0x37: {  	[smem:$0x3FA5] =	sst s10  }
0x38: {  	s10 =	sld [smem:$0x3FA6]  }
0x39: {  	_ = 	snop;
	(pc) =	sbr.ind lr, $3  }
0x3a: {  	_ = 	snop  }
0x3b: {  	_ = 	snop  }
0x3c: {  	p2 =	seq.s32 s10, $0x1;
	s10 =	sld [smem:$0x3FA5]  }
0x3d: {  	_ =	shalt  }
0x3e: {  	_ =	shalt  }
0x3f: {  	_ =	shalt  }
0x40: {  	_ =	shalt  }
0x41: {  	_ =	shalt  }
0x42: {  	_ =	shalt  }
0x43: {  	_ =	shalt  }
0x44: {  	_ =	shalt  }
0x45: {  	_ =	shalt  }
0x46: {  	_ =	shalt  }
0x47: {  	_ =	shalt  }
0x48: {  	_ =	shalt  }
0x49: {  	_ =	shalt  }
0x4a: {  	_ =	shalt  }
0x4b: {  	_ =	shalt  }
0x4c: {  	_ =	shalt  }
0x4d: {  	_ =	shalt  }
0x4e: {  	_ =	shalt  }
0x4f: {  	_ =	shalt  }
0x50: {  	_ =	shalt  }
0x51: {  	_ =	shalt  }
0x52: {  	_ =	shalt  }
0x53: {  	_ =	shalt  }
0x54: {  	_ =	shalt  }
0x55: {  	_ =	shalt  }
0x56: {  	_ =	shalt  }
0x57: {  	_ =	shalt  }
0x58: {  	_ =	shalt  }
0x59: {  	_ =	shalt  }
0x5a: {  	_ =	shalt  }
0x5b: {  	_ =	shalt  }
0x5c: {  	_ =	shalt  }
0x5d: {  	_ =	shalt  }
0x5e: {  	_ =	shalt  }
0x5f: {  	_ =	shalt  }
0x60: {  	_ =	shalt  }
0x61: {  	_ =	shalt  }
0x62: {  	_ =	shalt  }
0x63: {  	_ =	shalt  }
0x64: {  	_ =	shalt  }
0x65: {  	_ =	shalt  }
0x66: {  	_ =	shalt  }
0x67: {  	_ =	shalt  }
0x68: {  	_ =	shalt  }
0x69: {  	_ =	shalt  }
0x6a: {  	_ =	shalt  }
0x6b: {  	_ =	shalt  }
0x6c: {  	_ =	shalt  }
0x6d: {  	_ =	shalt  }
0x6e: {  	_ =	shalt  }
0x6f: {  	_ =	shalt  }
0x70: {  	_ =	shalt  }
0x71: {  	_ =	shalt  }
0x72: {  	_ =	shalt  }
0x73: {  	_ =	shalt  }
0x74: {  	_ =	shalt  }
0x75: {  	_ =	shalt  }
0x76: {  	_ =	shalt  }
0x77: {  	_ =	shalt  }
0x78: {  	_ =	shalt  }
0x79: {  	_ =	shalt  }
0x7a: {  	_ =	shalt  }
0x7b: {  	_ =	shalt  }
0x7c: {  	_ =	shalt  }
0x7d: {  	_ =	shalt  }
0x7e: {  	_ =	shalt  }
0x7f: {  	_ =	shalt  }
0x80: {  	_ =	shalt  }
0x81: {  	_ =	shalt  }
0x82: {  	_ =	shalt  }
0x83: {  	_ =	shalt  }
0x84: {  	_ =	shalt  }
0x85: {  	_ =	shalt  }
0x86: {  	_ =	shalt  }
0x87: {  	_ =	shalt  }
.Lfunc_end0:
.L_simem_size_0:
called_computation_lowered:
.L_overlay_start_0:
0x88: {  	s2 =	sld [smem:$0x3FD9]  }
0x89: {  	s3 =	sld [smem:$0x3FFE];
	_ =	sdelay $0x1  }
0x8a: {  	s1 =	srdreg.scid  }
0x8b: {  	s0 =	sand.u32 $0x1, s1  }
0x8c: {  	s14 =	sshll.u32 s0, $0xA;
	s2 =	sadd.s32 s3, s2  }
0x8d: {  	s2 =	sadd.s32 s2, s14  }
0x8e: {  	[smem:$0x3FB1] =	sst s2  }
0x8f: {  	_ = 	snop  }
0x90: {  	s2 =	sld [smem:$0x3FD0];
	_ =	sdelay $0x2  }
0x91: {  	s15 =	simm.s32 $0xB;
	s4 =	simm.s32 $0x10  }
0x92: {  	[smem:s4], [sflag:s15] =	dma.local [hbm:s2], $0x1  }
0x93: {  	_ =	swait.eq [sflag:s15], $0x1  }
0x94: {  	[sflag:s15] =	ssyncset.done $0x0  }
0x95: {  	[sflag:s15] =	ssyncadd.s32 $0xFFFFFFFF  }
0x96: {  	s16 =	sld [smem:$0x11];
	(tm) =	ssettm $0x1  }
0x97: {  	s17 =	sld [smem:$0x3FFB];
	_ =	sdelay $0x3  }
0x98: {  	_ =	strace s17  }
0x99: {  	s3 =	sld [smem:$0x3FFC];
	_ =	sdelay $0x3  }
0x9a: {  	_ =	strace s3  }
0x9b: {  	s3 =	sld [smem:$0x3FFD];
	_ =	sdelay $0x3  }
0x9c: {  	_ =	strace s3  }
0x9d: {  	_ =	strace $0x8FFFFFFF  }
0x9e: {  	s18 =	sld [smem:$0x3FDB];
	_ =	sdelay $0x1  }
0x9f: {  	s19 =	simm.s32 $_scs_section_size  }
0xa0: {  	s5 =	simm.s32 $_size__tile_overlayer_lowered;
	s6 =	simm.s32 $_tile_overlayer_lowered  }
0xa1: {  	s22 =	simm.s32 $0x1BFF;
	s21 =	sshll.u32 s6, $0x1;
	s3 =	sadd.s32 s19, s18  }
0xa2: {  	s7 =	simm.s32 $0x0;
	s20 =	sshll.u32 s5, $0x1;
	s5 =	sadd.s32 s21, s3  }
0xa3: {  	[timem:s7], [sflag:s22] =	dma.local [hbm:s5], s20  }
0xa4: {  	_ =	swait.ge [sflag:s22], s20  }
0xa5: {  	s4 =	ssub.s32 $0x0, s20;
	[sflag:s22] =	ssyncset.done $0x0  }
0xa6: {  	[sflag:s22] =	ssyncadd.s32 s4;
	_ =	sdelay $0x1  }
0xa7: {  	s23 =	simm.s32 $0x1B8B  }
0xa8: {  	_ =	swait.ge [sflag:s23], $0x1  }
0xa9: {  	[sflag:s23] =	ssyncset.done $0x0  }
0xaa: {  	s25 =	simm.s32 $0x1B8E;
	s24 =	sld [smem:$0x3FFE];
	[sflag:s23] =	ssyncadd.s32 $0xFFFFFFFF  }
0xab: {  	s26 =	simm.s32 $execute0_lowered;
	[smem:$0x3FD2] =	sst s25  }
0xac: {  	s5 =	sshll.u32 s26, $0x1;
	_ =	strace $0x80000046;
	[dreg:$0x1] =	wrdreg $0xFFFFFFFF  }
0xad: {  	s28 =	simm.s32 $_size_execute0_lowered;
	s3 =	sadd.s32 s3, s5;
	[dreg:$0x0] =	wrdreg $0x0  }
0xae: {  	s5 =	sshll.u32 s28, $0x1;
	[dreg:$0x2] =	wrdreg s3  }
0xaf: {  	[dreg:$0x3] =	wrdreg s5  }
0xb0: {  	[dreg:$0x4] =	wrdreg $0xC0  }
0xb1: {  	_ =	task [dreg:s7], $0x5FFFF  }
0xb2: {  	[dreg:$0x1] =	wrdreg $0xFFFFFFFF  }
0xb3: {  	[dreg:$0x0] =	wrdreg $0x60  }
0xb4: {  	[dreg:$0x2] =	wrdreg s24  }
0xb5: {  	[dreg:$0x3] =	wrdreg s16  }
0xb6: {  	[dreg:$0x4] =	wrdreg $0x9  }
0xb7: {  	_ =	task.clear_ibuf [dreg:s7], $0x5FFFF;
	_ =	strace $0x90000046  }
0xb8: {  	s29 =	simm.s32 $0x9;
	_ =	strace $0x80000048  }
0xb9: {  	_ =	swait.ge [sflag:s29], $0x1  }
0xba: {  	[sflag:s29] =	ssyncadd.s32 $0xFFFFFFFF  }
0xbb: {  	_ =	strace $0x90000048  }
0xbc: {  	_ =	sfence  }
0xbd: {  	s30 =	sld [smem:$0x0];
	_ =	sdelay $0x2  }
0xbe: {  	s31 =	sshll.u32 s1, $0xD;
	s1 =	sshrl.u32 s1, $0x2  }
0xbf: {  	s3 =	sand.u32 $0x4000, s31;
	s1 =	sadd.s32 s1, s30  }
0xc0: {  	s0 =	sor.u32 s3, s0;
	s1 =	sshll.u32 s1, $0x11  }
0xc1: {  	s0 =	sor.u32 s1, s0  }
0xc2: {  	s0 =	sadd.s32 $0x8F2B, s0  }
0xc3: {  	[sflag:s0] =	ssyncadd.remote.s32 $0x1  }
0xc4: {  	_ =	sfence.sel $0xFFFF  }
0xc5: {  	[dreg:$0x0] =	wrdreg $0xFFFFFFFF;
	(pc) =	sbr.abs _section_cstart, $3  }
0xc6: {  	[dreg:$0x1] =	wrdreg $0xFFFFFFFF  }
0xc7: {  	_ =	task.clear_ibuf [dreg:s7], $0x2FFFF;
	_ =	strace $0x9FFFFFFF  }
0xc8: {  	(tm) =	ssettm $0x7FFFFFFF  }
0xc9: {  	_ =	shalt  }
tec
execute0_lowered:
.L_overlay_start_1:
0x0: {  	(tag) =	ssettag $0x1  }
0x1: {  	s0 =	rddreg [dreg:$0x0]  }
0x2: {  	s1 =	rddreg [dreg:$0x1]  }
0x3: {  	s2 =	srdreg.scid;
	s3 =	stileid.u32  }
0x4: {  	s4 =	sand.u32 $0x1, s2;
	s2 =	simm.s32 $0x0;
	s3 =	sshll.u32 s3, $0xA  }
0x5: {  	s31 =	sadd.s32 $0x4C00, s0;
	s16 =	sadd.s32 $0x4400, s0;
	s20 =	sadd.s32 $0x45400, s0  }
0x6: {  	s5 =	sshll.u32 s4, $0x9;
	[smem:$0x7FF] =	sst s2;
	s26 =	ssub.s32 $0x2, s4  }
0x7: {  	s4 =	sadd.s32 $0x25400, s0;
	s3 =	sor.u32 s5, s3;
	_ =	strace $0x80000047  }
0x8: {  	s29 =	sshrl.u32 s26, $0x1;
	s6 =	sshrl.u32 s3, $0x3;
	s7 =	sor.u32 $0x80, s3  }
0x9: {  	s10 =	sshll.u32 s3, $0x5;
	s11 =	sor.u32 $0x100, s3;
	s8 =	sadd.s32 s31, s6  }
0xa: {  	s3 =	sor.u32 $0x180, s3;
	s13 =	sadd.s32 s1, s10;
	[dreg:$0x3] =	wrdreg s8  }
0xb: {  	s9 =	sshrl.u32 s7, $0x3;
	s18 =	sadd.s32 s16, s6;
	[dreg:$0x5] =	wrdreg s13  }
0xc: {  	s14 =	sshrl.u32 s11, $0x3;
	s22 =	sadd.s32 s20, s10;
	[dreg:$0xa] =	wrdreg s18  }
0xd: {  	s7 =	sshll.u32 s7, $0x5;
	s12 =	sadd.s32 s31, s9;
	[dreg:$0xd] =	wrdreg s22  }
0xe: {  	s11 =	sshll.u32 s11, $0x5;
	s15 =	sadd.s32 s1, s7;
	[dreg:$0x4] =	wrdreg s12  }
0xf: {  	s19 =	sshll.u32 s3, $0x5;
	s17 =	sadd.s32 s1, s11;
	[dreg:$0x7] =	wrdreg s15  }
0x10: {  	s6 =	simm.s32 $0x5;
	s1 =	sadd.s32 s1, s19;
	[dreg:$0x9] =	wrdreg s17  }
0x11: {  	s13 =	sshrl.u32 s3, $0x3;
	s21 =	sadd.s32 s16, s9;
	[dreg:$0xb] =	wrdreg s1  }
0x12: {  	s23 =	sadd.s32 s16, s14;
	s24 =	sadd.s32 s20, s7;
	[dreg:$0xc] =	wrdreg s21  }
0x13: {  	s3 =	sadd.s32 $0x5400, s0;
	s28 =	sadd.s32 s20, s11;
	[dreg:$0xe] =	wrdreg s23  }
0x14: {  	s30 =	sadd.s32 s20, s19;
	s18 =	simm.s32 $0x4;
	[dreg:$0xf] =	wrdreg s24  }
0x15: {  	s12 =	sadd.s32 s31, s14;
	s5 =	sadd.s32 s31, s13;
	[dreg:$0x11] =	wrdreg s28  }
0x16: {  	s25 =	sadd.s32 s16, s13;
	s31 =	ssub.s32 s26, s29;
	[dreg:$0x12] =	wrdreg s30  }
0x17: {  	v2 =	vlaneseq.u32;
	s26 =	simm.s32 $0x100;
	s24 =	simm.s32 $0x8100;
	[dreg:$0x6] =	wrdreg s12  }
0x18: {  	vm0 =	vmmov $0xffff;
	v1 =	vshrl.u32 v2, $0x3;
	s15 =	simm.s32 $0x1;
	s16 =	simm.s32 $0x3;
	[dreg:$0x8] =	wrdreg s5  }
0x19: {  	v0 =	vand.u32 $0x7, v2;
	v2 =	vor.u32 $0x8, v2;
	v1 =	vmul.u32 $0x8, v1;
	s17 =	simm.s32 $0x2;
	[dreg:$0x10] =	wrdreg s25;
	s5 =	smax.u32 s31, $0x1  }
.LBB2_1:
0x1a: {  	s19 =	rddreg [dreg:$0x3]  }
0x1b: {  	[tilespmem:s2], [sflag:$0x5] =	stream.linear.gather [hbm4b:s19+s2], $0x80, $0x38;
	[tilespmem:$0x10100] =	vst v63  }
0x1c: {  	_ =	swait.ge [sflag:s6], $0x80  }
0x1d: {  	[sflag:s6] =	ssyncset.done $0x0  }
0x1e: {  	[sflag:s6] =	ssyncadd.s32 $0xFFFFFF80  }
0x1f: {  	v3 =	vld [tilespmem:$0x0];
	_ =	sdelay $0x4  }
0x20: {  	v4 =	vshll.u32 v3, $0x1  }
0x21: {  	v3 =	vand.u32 $0x7, v3;
	v4 =	vand.u32 $0xFFFFFFF0, v4  }
0x22: {  	v3 =	vor.u32 v3, v4  }
0x23: {  	v4 =	vperm.xlane v3, v0;
	_ =	sdelay $0x1  }
0x24: {  	v3 =	vperm.xlane v3, v2;
	v4 =	vadd.s32 v1, v4;
	_ =	sdelay $0x1  }
0x25: {  	v3 =	vadd.s32 v1, v3;
	_ =	sdelay $0x2  }
0x26: {  	[tilespmem:s26], [sflag:$0x1] =	stream.indirect_vreg.gather [hbm4b:s3+s2], $0x80, v4, vm0, $0xb8;
	[tilespmem:$0x10100] =	vst v63  }
0x27: {  	s0 =	simm.s32 $0x900  }
0x28: {  	[tilespmem:s0], [sflag:$0x1] =	stream.indirect_vreg.gather [hbm4b:s3+s2], $0x80, v3, vm0, $0xb8;
	[tilespmem:$0x10100] =	vst v63  }
0x29: {  	v3 =	vld [tilespmem:$0x10];
	_ =	sdelay $0x4  }
0x2a: {  	v57 =	vshll.u32 v3, $0x1  }
0x2b: {  	v3 =	vand.u32 $0x7, v3;
	v4 =	vand.u32 $0xFFFFFFF0, v57  }
0x2c: {  	v3 =	vor.u32 v3, v4  }
0x2d: {  	v4 =	vperm.xlane v3, v0;
	_ =	sdelay $0x1  }
0x2e: {  	v3 =	vperm.xlane v3, v2;
	v4 =	vadd.s32 v1, v4;
	_ =	sdelay $0x1  }
0x2f: {  	v3 =	vadd.s32 v1, v3;
	_ =	sdelay $0x1  }
0x30: {  	s10 =	simm.s32 $0x1100  }
0x31: {  	[tilespmem:s10], [sflag:$0x1] =	stream.indirect_vreg.gather [hbm4b:s3+s2], $0x80, v4, vm0, $0xb8;
	[tilespmem:$0x10100] =	vst v63  }
0x32: {  	s11 =	simm.s32 $0x1900  }
0x33: {  	[tilespmem:s11], [sflag:$0x1] =	stream.indirect_vreg.gather [hbm4b:s3+s2], $0x80, v3, vm0, $0xb8;
	[tilespmem:$0x10100] =	vst v63  }
0x34: {  	v3 =	vld [tilespmem:$0x20];
	_ =	sdelay $0x4  }
0x35: {  	v58 =	vshll.u32 v3, $0x1  }
0x36: {  	v3 =	vand.u32 $0x7, v3;
	v4 =	vand.u32 $0xFFFFFFF0, v58  }
0x37: {  	v3 =	vor.u32 v3, v4  }
0x38: {  	v4 =	vperm.xlane v3, v0;
	_ =	sdelay $0x1  }
0x39: {  	v3 =	vperm.xlane v3, v2;
	v4 =	vadd.s32 v1, v4;
	_ =	sdelay $0x1  }
0x3a: {  	v3 =	vadd.s32 v1, v3;
	_ =	sdelay $0x1  }
0x3b: {  	s12 =	simm.s32 $0x2100  }
0x3c: {  	[tilespmem:s12], [sflag:$0x1] =	stream.indirect_vreg.gather [hbm4b:s3+s2], $0x80, v4, vm0, $0xb8;
	[tilespmem:$0x10100] =	vst v63  }
0x3d: {  	s13 =	simm.s32 $0x2900  }
0x3e: {  	[tilespmem:s13], [sflag:$0x1] =	stream.indirect_vreg.gather [hbm4b:s3+s2], $0x80, v3, vm0, $0xb8;
	[tilespmem:$0x10100] =	vst v63  }
0x3f: {  	v3 =	vld [tilespmem:$0x30];
	_ =	sdelay $0x4  }
0x40: {  	v59 =	vshll.u32 v3, $0x1  }
0x41: {  	v3 =	vand.u32 $0x7, v3;
	v4 =	vand.u32 $0xFFFFFFF0, v59  }
0x42: {  	v3 =	vor.u32 v3, v4  }
0x43: {  	v4 =	vperm.xlane v3, v0;
	_ =	sdelay $0x1  }
0x44: {  	v3 =	vperm.xlane v3, v2;
	v4 =	vadd.s32 v1, v4;
	_ =	sdelay $0x1  }
0x45: {  	v3 =	vadd.s32 v1, v3;
	_ =	sdelay $0x1  }
0x46: {  	s14 =	simm.s32 $0x3100  }
0x47: {  	[tilespmem:s14], [sflag:$0x1] =	stream.indirect_vreg.gather [hbm4b:s3+s2], $0x80, v4, vm0, $0xb8;
	[tilespmem:$0x10100] =	vst v63  }
0x48: {  	s19 =	simm.s32 $0x3900  }
0x49: {  	[tilespmem:s19], [sflag:$0x1] =	stream.indirect_vreg.gather [hbm4b:s3+s2], $0x80, v3, vm0, $0xb8;
	[tilespmem:$0x10100] =	vst v63  }
0x4a: {  	v3 =	vld [tilespmem:$0x40];
	_ =	sdelay $0x4  }
0x4b: {  	v60 =	vshll.u32 v3, $0x1  }
0x4c: {  	v3 =	vand.u32 $0x7, v3;
	v4 =	vand.u32 $0xFFFFFFF0, v60  }
0x4d: {  	v3 =	vor.u32 v3, v4  }
0x4e: {  	v4 =	vperm.xlane v3, v0;
	_ =	sdelay $0x1  }
0x4f: {  	v3 =	vperm.xlane v3, v2;
	v4 =	vadd.s32 v1, v4;
	_ =	sdelay $0x1  }
0x50: {  	v3 =	vadd.s32 v1, v3;
	_ =	sdelay $0x1  }
0x51: {  	s20 =	simm.s32 $0x4100  }
0x52: {  	[tilespmem:s20], [sflag:$0x1] =	stream.indirect_vreg.gather [hbm4b:s3+s2], $0x80, v4, vm0, $0xb8;
	[tilespmem:$0x10100] =	vst v63  }
0x53: {  	s21 =	simm.s32 $0x4900  }
0x54: {  	[tilespmem:s21], [sflag:$0x1] =	stream.indirect_vreg.gather [hbm4b:s3+s2], $0x80, v3, vm0, $0xb8;
	[tilespmem:$0x10100] =	vst v63  }
0x55: {  	v3 =	vld [tilespmem:$0x50];
	_ =	sdelay $0x4  }
0x56: {  	v61 =	vshll.u32 v3, $0x1  }
0x57: {  	v3 =	vand.u32 $0x7, v3;
	v4 =	vand.u32 $0xFFFFFFF0, v61  }
0x58: {  	v3 =	vor.u32 v3, v4  }
0x59: {  	v4 =	vperm.xlane v3, v0;
	_ =	sdelay $0x1  }
0x5a: {  	v3 =	vperm.xlane v3, v2;
	v4 =	vadd.s32 v1, v4;
	_ =	sdelay $0x1  }
0x5b: {  	v3 =	vadd.s32 v1, v3;
	_ =	sdelay $0x1  }
0x5c: {  	s22 =	simm.s32 $0x5100  }
0x5d: {  	[tilespmem:s22], [sflag:$0x1] =	stream.indirect_vreg.gather [hbm4b:s3+s2], $0x80, v4, vm0, $0xb8;
	[tilespmem:$0x10100] =	vst v63  }
0x5e: {  	s23 =	simm.s32 $0x5900  }
0x5f: {  	[tilespmem:s23], [sflag:$0x1] =	stream.indirect_vreg.gather [hbm4b:s3+s2], $0x80, v3, vm0, $0xb8;
	[tilespmem:$0x10100] =	vst v63  }
0x60: {  	v3 =	vld [tilespmem:$0x60];
	_ =	sdelay $0x4  }
0x61: {  	v62 =	vshll.u32 v3, $0x1  }
0x62: {  	v3 =	vand.u32 $0x7, v3;
	v4 =	vand.u32 $0xFFFFFFF0, v62  }
0x63: {  	v3 =	vor.u32 v3, v4  }
0x64: {  	v4 =	vperm.xlane v3, v0;
	_ =	sdelay $0x1  }
0x65: {  	v3 =	vperm.xlane v3, v2;
	v4 =	vadd.s32 v1, v4;
	_ =	sdelay $0x1  }
0x66: {  	v3 =	vadd.s32 v1, v3;
	_ =	sdelay $0x1  }
0x67: {  	s25 =	simm.s32 $0x6100  }
0x68: {  	[tilespmem:s25], [sflag:$0x1] =	stream.indirect_vreg.gather [hbm4b:s3+s2], $0x80, v4, vm0, $0xb8;
	[tilespmem:$0x10100] =	vst v63  }
0x69: {  	s28 =	simm.s32 $0x6900  }
0x6a: {  	[tilespmem:s28], [sflag:$0x1] =	stream.indirect_vreg.gather [hbm4b:s3+s2], $0x80, v3, vm0, $0xb8;
	[tilespmem:$0x10100] =	vst v63  }
0x6b: {  	v3 =	vld [tilespmem:$0x70];
	_ =	sdelay $0x4  }
0x6c: {  	v63 =	vshll.u32 v3, $0x1  }
0x6d: {  	v3 =	vand.u32 $0x7, v3;
	v4 =	vand.u32 $0xFFFFFFF0, v63  }
0x6e: {  	v3 =	vor.u32 v3, v4  }
0x6f: {  	v4 =	vperm.xlane v3, v0;
	_ =	sdelay $0x1  }
0x70: {  	v3 =	vperm.xlane v3, v2;
	v4 =	vadd.s32 v1, v4;
	_ =	sdelay $0x1  }
0x71: {  	v3 =	vadd.s32 v1, v3;
	_ =	sdelay $0x1  }
0x72: {  	s29 =	simm.s32 $0x7100  }
0x73: {  	[tilespmem:s29], [sflag:$0x1] =	stream.indirect_vreg.gather [hbm4b:s3+s2], $0x80, v4, vm0, $0xb8;
	[tilespmem:$0x10100] =	vst v63  }
0x74: {  	s31 =	simm.s32 $0x7900  }
0x75: {  	[tilespmem:s31], [sflag:$0x1] =	stream.indirect_vreg.gather [hbm4b:s3+s2], $0x80, v3, vm0, $0xb8;
	[tilespmem:$0x10100] =	vst v63  }
0x76: {  	s30 =	rddreg [dreg:$0x4];
	s11 =	simm.s32 $0x80  }
0x77: {  	[tilespmem:s11], [sflag:$0x5] =	stream.linear.gather [hbm4b:s30+s2], $0x80, $0x38;
	[tilespmem:$0x10100] =	vst v63  }
0x78: {  	_ =	swait.ge [sflag:s6], $0x80  }
0x79: {  	[sflag:s6] =	ssyncset.done $0x0  }
0x7a: {  	[sflag:s6] =	ssyncadd.s32 $0xFFFFFF80  }
0x7b: {  	v3 =	vld [tilespmem:$0x80];
	_ =	sdelay $0x4  }
0x7c: {  	v8 =	vshll.u32 v3, $0x1  }
0x7d: {  	v3 =	vand.u32 $0x7, v3;
	v4 =	vand.u32 $0xFFFFFFF0, v8  }
0x7e: {  	v3 =	vor.u32 v3, v4  }
0x7f: {  	v4 =	vperm.xlane v3, v0;
	_ =	sdelay $0x1  }
0x80: {  	v3 =	vperm.xlane v3, v2;
	v4 =	vadd.s32 v1, v4;
	_ =	sdelay $0x1  }
0x81: {  	v3 =	vadd.s32 v1, v3;
	_ =	sdelay $0x2  }
0x82: {  	[tilespmem:s24], [sflag:$0x2] =	stream.indirect_vreg.gather [hbm4b:s3+s2], $0x80, v4, vm0, $0xb8;
	[tilespmem:$0x10100] =	vst v63  }
0x83: {  	s13 =	simm.s32 $0x8900  }
0x84: {  	[tilespmem:s13], [sflag:$0x2] =	stream.indirect_vreg.gather [hbm4b:s3+s2], $0x80, v3, vm0, $0xb8;
	[tilespmem:$0x10100] =	vst v63  }
0x85: {  	v3 =	vld [tilespmem:$0x90];
	_ =	sdelay $0x4  }
0x86: {  	v9 =	vshll.u32 v3, $0x1  }
0x87: {  	v3 =	vand.u32 $0x7, v3;
	v4 =	vand.u32 $0xFFFFFFF0, v9  }
0x88: {  	v3 =	vor.u32 v3, v4  }
0x89: {  	v4 =	vperm.xlane v3, v0;
	_ =	sdelay $0x1  }
0x8a: {  	v3 =	vperm.xlane v3, v2;
	v4 =	vadd.s32 v1, v4;
	_ =	sdelay $0x1  }
0x8b: {  	v3 =	vadd.s32 v1, v3;
	_ =	sdelay $0x1  }
0x8c: {  	s14 =	simm.s32 $0x9100  }
0x8d: {  	[tilespmem:s14], [sflag:$0x2] =	stream.indirect_vreg.gather [hbm4b:s3+s2], $0x80, v4, vm0, $0xb8;
	[tilespmem:$0x10100] =	vst v63  }
0x8e: {  	s19 =	simm.s32 $0x9900  }
0x8f: {  	[tilespmem:s19], [sflag:$0x2] =	stream.indirect_vreg.gather [hbm4b:s3+s2], $0x80, v3, vm0, $0xb8;
	[tilespmem:$0x10100] =	vst v63  }
0x90: {  	v3 =	vld [tilespmem:$0xA0];
	_ =	sdelay $0x4  }
0x91: {  	v10 =	vshll.u32 v3, $0x1  }
0x92: {  	v3 =	vand.u32 $0x7, v3;
	v4 =	vand.u32 $0xFFFFFFF0, v10  }
0x93: {  	v3 =	vor.u32 v3, v4  }
0x94: {  	v4 =	vperm.xlane v3, v0;
	_ =	sdelay $0x1  }
0x95: {  	v3 =	vperm.xlane v3, v2;
	v4 =	vadd.s32 v1, v4;
	_ =	sdelay $0x1  }
0x96: {  	v3 =	vadd.s32 v1, v3;
	_ =	sdelay $0x1  }
0x97: {  	s20 =	simm.s32 $0xA100  }
0x98: {  	[tilespmem:s20], [sflag:$0x2] =	stream.indirect_vreg.gather [hbm4b:s3+s2], $0x80, v4, vm0, $0xb8;
	[tilespmem:$0x10100] =	vst v63  }
0x99: {  	s21 =	simm.s32 $0xA900  }
0x9a: {  	[tilespmem:s21], [sflag:$0x2] =	stream.indirect_vreg.gather [hbm4b:s3+s2], $0x80, v3, vm0, $0xb8;
	[tilespmem:$0x10100] =	vst v63  }
0x9b: {  	v3 =	vld [tilespmem:$0xB0];
	_ =	sdelay $0x4  }
0x9c: {  	v11 =	vshll.u32 v3, $0x1  }
0x9d: {  	v3 =	vand.u32 $0x7, v3;
	v4 =	vand.u32 $0xFFFFFFF0, v11  }
0x9e: {  	v3 =	vor.u32 v3, v4  }
0x9f: {  	v4 =	vperm.xlane v3, v0;
	_ =	sdelay $0x1  }
0xa0: {  	v3 =	vperm.xlane v3, v2;
	v4 =	vadd.s32 v1, v4;
	_ =	sdelay $0x1  }
0xa1: {  	v3 =	vadd.s32 v1, v3;
	_ =	sdelay $0x1  }
0xa2: {  	s22 =	simm.s32 $0xB100  }
0xa3: {  	[tilespmem:s22], [sflag:$0x2] =	stream.indirect_vreg.gather [hbm4b:s3+s2], $0x80, v4, vm0, $0xb8;
	[tilespmem:$0x10100] =	vst v63  }
0xa4: {  	s23 =	simm.s32 $0xB900  }
0xa5: {  	[tilespmem:s23], [sflag:$0x2] =	stream.indirect_vreg.gather [hbm4b:s3+s2], $0x80, v3, vm0, $0xb8;
	[tilespmem:$0x10100] =	vst v63  }
0xa6: {  	v3 =	vld [tilespmem:$0xC0];
	_ =	sdelay $0x4  }
0xa7: {  	v12 =	vshll.u32 v3, $0x1  }
0xa8: {  	v3 =	vand.u32 $0x7, v3;
	v4 =	vand.u32 $0xFFFFFFF0, v12  }
0xa9: {  	v3 =	vor.u32 v3, v4  }
0xaa: {  	v4 =	vperm.xlane v3, v0;
	_ =	sdelay $0x1  }
0xab: {  	v3 =	vperm.xlane v3, v2;
	v4 =	vadd.s32 v1, v4;
	_ =	sdelay $0x1  }
0xac: {  	v3 =	vadd.s32 v1, v3;
	_ =	sdelay $0x1  }
0xad: {  	s25 =	simm.s32 $0xC100  }
0xae: {  	[tilespmem:s25], [sflag:$0x2] =	stream.indirect_vreg.gather [hbm4b:s3+s2], $0x80, v4, vm0, $0xb8;
	[tilespmem:$0x10100] =	vst v63  }
0xaf: {  	s28 =	simm.s32 $0xC900  }
0xb0: {  	[tilespmem:s28], [sflag:$0x2] =	stream.indirect_vreg.gather [hbm4b:s3+s2], $0x80, v3, vm0, $0xb8;
	[tilespmem:$0x10100] =	vst v63  }
0xb1: {  	v3 =	vld [tilespmem:$0xD0];
	_ =	sdelay $0x4  }
0xb2: {  	v13 =	vshll.u32 v3, $0x1  }
0xb3: {  	v3 =	vand.u32 $0x7, v3;
	v4 =	vand.u32 $0xFFFFFFF0, v13  }
0xb4: {  	v3 =	vor.u32 v3, v4  }
0xb5: {  	v4 =	vperm.xlane v3, v0;
	_ =	sdelay $0x1  }
0xb6: {  	v3 =	vperm.xlane v3, v2;
	v4 =	vadd.s32 v1, v4;
	_ =	sdelay $0x1  }
0xb7: {  	v3 =	vadd.s32 v1, v3;
	_ =	sdelay $0x1  }
0xb8: {  	s29 =	simm.s32 $0xD100  }
0xb9: {  	[tilespmem:s29], [sflag:$0x2] =	stream.indirect_vreg.gather [hbm4b:s3+s2], $0x80, v4, vm0, $0xb8;
	[tilespmem:$0x10100] =	vst v63  }
0xba: {  	s0 =	simm.s32 $0xD900  }
0xbb: {  	[tilespmem:s0], [sflag:$0x2] =	stream.indirect_vreg.gather [hbm4b:s3+s2], $0x80, v3, vm0, $0xb8;
	[tilespmem:$0x10100] =	vst v63  }
0xbc: {  	v3 =	vld [tilespmem:$0xE0];
	_ =	sdelay $0x4  }
0xbd: {  	v14 =	vshll.u32 v3, $0x1  }
0xbe: {  	v3 =	vand.u32 $0x7, v3;
	v4 =	vand.u32 $0xFFFFFFF0, v14  }
0xbf: {  	v3 =	vor.u32 v3, v4  }
0xc0: {  	v4 =	vperm.xlane v3, v0;
	_ =	sdelay $0x1  }
0xc1: {  	v3 =	vperm.xlane v3, v2;
	v4 =	vadd.s32 v1, v4;
	_ =	sdelay $0x1  }
0xc2: {  	v3 =	vadd.s32 v1, v3;
	_ =	sdelay $0x1  }
0xc3: {  	s11 =	simm.s32 $0xE100  }
0xc4: {  	[tilespmem:s11], [sflag:$0x2] =	stream.indirect_vreg.gather [hbm4b:s3+s2], $0x80, v4, vm0, $0xb8;
	[tilespmem:$0x10100] =	vst v63  }
0xc5: {  	s13 =	simm.s32 $0xE900  }
0xc6: {  	[tilespmem:s13], [sflag:$0x2] =	stream.indirect_vreg.gather [hbm4b:s3+s2], $0x80, v3, vm0, $0xb8;
	[tilespmem:$0x10100] =	vst v63  }
0xc7: {  	v3 =	vld [tilespmem:$0xF0];
	_ =	sdelay $0x4  }
0xc8: {  	v15 =	vshll.u32 v3, $0x1  }
0xc9: {  	v3 =	vand.u32 $0x7, v3;
	v4 =	vand.u32 $0xFFFFFFF0, v15  }
0xca: {  	v3 =	vor.u32 v3, v4  }
0xcb: {  	v4 =	vperm.xlane v3, v0;
	_ =	sdelay $0x1  }
0xcc: {  	v3 =	vperm.xlane v3, v2;
	v4 =	vadd.s32 v1, v4;
	_ =	sdelay $0x1  }
0xcd: {  	v3 =	vadd.s32 v1, v3;
	_ =	sdelay $0x1  }
0xce: {  	s14 =	simm.s32 $0xF100  }
0xcf: {  	[tilespmem:s14], [sflag:$0x2] =	stream.indirect_vreg.gather [hbm4b:s3+s2], $0x80, v4, vm0, $0xb8;
	[tilespmem:$0x10100] =	vst v63  }
0xd0: {  	s23 =	simm.s32 $0xF900  }
0xd1: {  	[tilespmem:s23], [sflag:$0x2] =	stream.indirect_vreg.gather [hbm4b:s3+s2], $0x80, v3, vm0, $0xb8;
	[tilespmem:$0x10100] =	vst v63  }
0xd2: {  	_ =	swait.ge [sflag:s15], $0x8000  }
0xd3: {  	[sflag:s15] =	ssyncset.done $0x0  }
0xd4: {  	s28 =	rddreg [dreg:$0x5];
	[sflag:s15] =	ssyncadd.s32 $0xFFFF8000  }
0xd5: {  	[hbm4b:s28+s2] =	stream.linear.scatter [tilespmem:s26], [sflag:$0x3], $0x8000, $0x38;
	[tilespmem:$0x10100] =	vst v63  }
0xd6: {  	_ =	swait.ge [sflag:s16], $0x8000  }
0xd7: {  	[sflag:s16] =	ssyncset.done $0x0  }
0xd8: {  	s0 =	rddreg [dreg:$0x6];
	[sflag:s16] =	ssyncadd.s32 $0xFFFF8000  }
0xd9: {  	[tilespmem:s2], [sflag:$0x5] =	stream.linear.gather [hbm4b:s0+s2], $0x80, $0x38;
	[tilespmem:$0x10100] =	vst v63  }
0xda: {  	_ =	swait.ge [sflag:s6], $0x80  }
0xdb: {  	[sflag:s6] =	ssyncset.done $0x0  }
0xdc: {  	[sflag:s6] =	ssyncadd.s32 $0xFFFFFF80  }
0xdd: {  	v3 =	vld [tilespmem:$0x0];
	_ =	sdelay $0x4  }
0xde: {  	v16 =	vshll.u32 v3, $0x1  }
0xdf: {  	v3 =	vand.u32 $0x7, v3;
	v4 =	vand.u32 $0xFFFFFFF0, v16  }
0xe0: {  	v3 =	vor.u32 v3, v4  }
0xe1: {  	v4 =	vperm.xlane v3, v0;
	_ =	sdelay $0x1  }
0xe2: {  	v3 =	vperm.xlane v3, v2;
	v4 =	vadd.s32 v1, v4;
	_ =	sdelay $0x1  }
0xe3: {  	v3 =	vadd.s32 v1, v3;
	_ =	sdelay $0x2  }
0xe4: {  	[tilespmem:s26], [sflag:$0x1] =	stream.indirect_vreg.gather [hbm4b:s3+s2], $0x80, v4, vm0, $0xb8;
	[tilespmem:$0x10100] =	vst v63  }
0xe5: {  	s8 =	simm.s32 $0x900  }
0xe6: {  	[tilespmem:s8], [sflag:$0x1] =	stream.indirect_vreg.gather [hbm4b:s3+s2], $0x80, v3, vm0, $0xb8;
	[tilespmem:$0x10100] =	vst v63  }
0xe7: {  	v3 =	vld [tilespmem:$0x10];
	_ =	sdelay $0x4  }
0xe8: {  	v17 =	vshll.u32 v3, $0x1  }
0xe9: {  	v3 =	vand.u32 $0x7, v3;
	v4 =	vand.u32 $0xFFFFFFF0, v17  }
0xea: {  	v3 =	vor.u32 v3, v4  }
0xeb: {  	v4 =	vperm.xlane v3, v0;
	_ =	sdelay $0x1  }
0xec: {  	v3 =	vperm.xlane v3, v2;
	v4 =	vadd.s32 v1, v4;
	_ =	sdelay $0x1  }
0xed: {  	v3 =	vadd.s32 v1, v3;
	_ =	sdelay $0x1  }
0xee: {  	s1 =	simm.s32 $0x1100  }
0xef: {  	[tilespmem:s1], [sflag:$0x1] =	stream.indirect_vreg.gather [hbm4b:s3+s2], $0x80, v4, vm0, $0xb8;
	[tilespmem:$0x10100] =	vst v63  }
0xf0: {  	s9 =	simm.s32 $0x1900  }
0xf1: {  	[tilespmem:s9], [sflag:$0x1] =	stream.indirect_vreg.gather [hbm4b:s3+s2], $0x80, v3, vm0, $0xb8;
	[tilespmem:$0x10100] =	vst v63  }
0xf2: {  	v3 =	vld [tilespmem:$0x20];
	_ =	sdelay $0x4  }
0xf3: {  	v18 =	vshll.u32 v3, $0x1  }
0xf4: {  	v3 =	vand.u32 $0x7, v3;
	v4 =	vand.u32 $0xFFFFFFF0, v18  }
0xf5: {  	v3 =	vor.u32 v3, v4  }
0xf6: {  	v4 =	vperm.xlane v3, v0;
	_ =	sdelay $0x1  }
0xf7: {  	v3 =	vperm.xlane v3, v2;
	v4 =	vadd.s32 v1, v4;
	_ =	sdelay $0x1  }
0xf8: {  	v3 =	vadd.s32 v1, v3;
	_ =	sdelay $0x1  }
0xf9: {  	s7 =	simm.s32 $0x2100  }
0xfa: {  	[tilespmem:s7], [sflag:$0x1] =	stream.indirect_vreg.gather [hbm4b:s3+s2], $0x80, v4, vm0, $0xb8;
	[tilespmem:$0x10100] =	vst v63  }
0xfb: {  	s28 =	simm.s32 $0x2900  }
0xfc: {  	[tilespmem:s28], [sflag:$0x1] =	stream.indirect_vreg.gather [hbm4b:s3+s2], $0x80, v3, vm0, $0xb8;
	[tilespmem:$0x10100] =	vst v63  }
0xfd: {  	v3 =	vld [tilespmem:$0x30];
	_ =	sdelay $0x4  }
0xfe: {  	v19 =	vshll.u32 v3, $0x1  }
0xff: {  	v3 =	vand.u32 $0x7, v3;
	v4 =	vand.u32 $0xFFFFFFF0, v19  }
0x100: {  	v3 =	vor.u32 v3, v4  }
0x101: {  	v4 =	vperm.xlane v3, v0;
	_ =	sdelay $0x1  }
0x102: {  	v3 =	vperm.xlane v3, v2;
	v4 =	vadd.s32 v1, v4;
	_ =	sdelay $0x1  }
0x103: {  	v3 =	vadd.s32 v1, v3;
	_ =	sdelay $0x1  }
0x104: {  	s8 =	simm.s32 $0x3100  }
0x105: {  	[tilespmem:s8], [sflag:$0x1] =	stream.indirect_vreg.gather [hbm4b:s3+s2], $0x80, v4, vm0, $0xb8;
	[tilespmem:$0x10100] =	vst v63  }
0x106: {  	s11 =	simm.s32 $0x3900  }
0x107: {  	[tilespmem:s11], [sflag:$0x1] =	stream.indirect_vreg.gather [hbm4b:s3+s2], $0x80, v3, vm0, $0xb8;
	[tilespmem:$0x10100] =	vst v63  }
0x108: {  	v3 =	vld [tilespmem:$0x40];
	_ =	sdelay $0x4  }
0x109: {  	v20 =	vshll.u32 v3, $0x1  }
0x10a: {  	v3 =	vand.u32 $0x7, v3;
	v4 =	vand.u32 $0xFFFFFFF0, v20  }
0x10b: {  	v3 =	vor.u32 v3, v4  }
0x10c: {  	v4 =	vperm.xlane v3, v0;
	_ =	sdelay $0x1  }
0x10d: {  	v3 =	vperm.xlane v3, v2;
	v4 =	vadd.s32 v1, v4;
	_ =	sdelay $0x1  }
0x10e: {  	v3 =	vadd.s32 v1, v3;
	_ =	sdelay $0x1  }
0x10f: {  	s9 =	simm.s32 $0x4100  }
0x110: {  	[tilespmem:s9], [sflag:$0x1] =	stream.indirect_vreg.gather [hbm4b:s3+s2], $0x80, v4, vm0, $0xb8;
	[tilespmem:$0x10100] =	vst v63  }
0x111: {  	s12 =	simm.s32 $0x4900  }
0x112: {  	[tilespmem:s12], [sflag:$0x1] =	stream.indirect_vreg.gather [hbm4b:s3+s2], $0x80, v3, vm0, $0xb8;
	[tilespmem:$0x10100] =	vst v63  }
0x113: {  	v3 =	vld [tilespmem:$0x50];
	_ =	sdelay $0x4  }
0x114: {  	v21 =	vshll.u32 v3, $0x1  }
0x115: {  	v3 =	vand.u32 $0x7, v3;
	v4 =	vand.u32 $0xFFFFFFF0, v21  }
0x116: {  	v3 =	vor.u32 v3, v4  }
0x117: {  	v4 =	vperm.xlane v3, v0;
	_ =	sdelay $0x1  }
0x118: {  	v3 =	vperm.xlane v3, v2;
	v4 =	vadd.s32 v1, v4;
	_ =	sdelay $0x1  }
0x119: {  	v3 =	vadd.s32 v1, v3;
	_ =	sdelay $0x1  }
0x11a: {  	s10 =	simm.s32 $0x5100  }
0x11b: {  	[tilespmem:s10], [sflag:$0x1] =	stream.indirect_vreg.gather [hbm4b:s3+s2], $0x80, v4, vm0, $0xb8;
	[tilespmem:$0x10100] =	vst v63  }
0x11c: {  	s23 =	simm.s32 $0x5900  }
0x11d: {  	[tilespmem:s23], [sflag:$0x1] =	stream.indirect_vreg.gather [hbm4b:s3+s2], $0x80, v3, vm0, $0xb8;
	[tilespmem:$0x10100] =	vst v63  }
0x11e: {  	v3 =	vld [tilespmem:$0x60];
	_ =	sdelay $0x4  }
0x11f: {  	v22 =	vshll.u32 v3, $0x1  }
0x120: {  	v3 =	vand.u32 $0x7, v3;
	v4 =	vand.u32 $0xFFFFFFF0, v22  }
0x121: {  	v3 =	vor.u32 v3, v4  }
0x122: {  	v4 =	vperm.xlane v3, v0;
	_ =	sdelay $0x1  }
0x123: {  	v3 =	vperm.xlane v3, v2;
	v4 =	vadd.s32 v1, v4;
	_ =	sdelay $0x1  }
0x124: {  	v3 =	vadd.s32 v1, v3;
	_ =	sdelay $0x1  }
0x125: {  	s10 =	simm.s32 $0x6100  }
0x126: {  	[tilespmem:s10], [sflag:$0x1] =	stream.indirect_vreg.gather [hbm4b:s3+s2], $0x80, v4, vm0, $0xb8;
	[tilespmem:$0x10100] =	vst v63  }
0x127: {  	s12 =	simm.s32 $0x6900  }
0x128: {  	[tilespmem:s12], [sflag:$0x1] =	stream.indirect_vreg.gather [hbm4b:s3+s2], $0x80, v3, vm0, $0xb8;
	[tilespmem:$0x10100] =	vst v63  }
0x129: {  	v3 =	vld [tilespmem:$0x70];
	_ =	sdelay $0x4  }
0x12a: {  	v23 =	vshll.u32 v3, $0x1  }
0x12b: {  	v3 =	vand.u32 $0x7, v3;
	v4 =	vand.u32 $0xFFFFFFF0, v23  }
0x12c: {  	v3 =	vor.u32 v3, v4  }
0x12d: {  	v4 =	vperm.xlane v3, v0;
	_ =	sdelay $0x1  }
0x12e: {  	v3 =	vperm.xlane v3, v2;
	v4 =	vadd.s32 v1, v4;
	_ =	sdelay $0x1  }
0x12f: {  	v3 =	vadd.s32 v1, v3;
	_ =	sdelay $0x1  }
0x130: {  	s13 =	simm.s32 $0x7100  }
0x131: {  	[tilespmem:s13], [sflag:$0x1] =	stream.indirect_vreg.gather [hbm4b:s3+s2], $0x80, v4, vm0, $0xb8;
	[tilespmem:$0x10100] =	vst v63  }
0x132: {  	s14 =	simm.s32 $0x7900  }
0x133: {  	[tilespmem:s14], [sflag:$0x1] =	stream.indirect_vreg.gather [hbm4b:s3+s2], $0x80, v3, vm0, $0xb8;
	[tilespmem:$0x10100] =	vst v63  }
0x134: {  	_ =	swait.ge [sflag:s17], $0x8000  }
0x135: {  	[sflag:s17] =	ssyncset.done $0x0  }
0x136: {  	s1 =	rddreg [dreg:$0x7];
	[sflag:s17] =	ssyncadd.s32 $0xFFFF8000  }
0x137: {  	[hbm4b:s1+s2] =	stream.linear.scatter [tilespmem:s24], [sflag:$0x4], $0x8000, $0x38;
	[tilespmem:$0x10100] =	vst v63  }
0x138: {  	_ =	swait.ge [sflag:s18], $0x8000  }
0x139: {  	[sflag:s18] =	ssyncset.done $0x0  }
0x13a: {  	s1 =	simm.s32 $0x80;
	s7 =	rddreg [dreg:$0x8];
	[sflag:s18] =	ssyncadd.s32 $0xFFFF8000  }
0x13b: {  	[tilespmem:s1], [sflag:$0x5] =	stream.linear.gather [hbm4b:s7+s2], $0x80, $0x38;
	[tilespmem:$0x10100] =	vst v63  }
0x13c: {  	_ =	swait.ge [sflag:s6], $0x80  }
0x13d: {  	[sflag:s6] =	ssyncset.done $0x0  }
0x13e: {  	[sflag:s6] =	ssyncadd.s32 $0xFFFFFF80  }
0x13f: {  	v3 =	vld [tilespmem:$0x80];
	_ =	sdelay $0x4  }
0x140: {  	v24 =	vshll.u32 v3, $0x1  }
0x141: {  	v3 =	vand.u32 $0x7, v3;
	v4 =	vand.u32 $0xFFFFFFF0, v24  }
0x142: {  	v3 =	vor.u32 v3, v4  }
0x143: {  	v4 =	vperm.xlane v3, v0;
	_ =	sdelay $0x1  }
0x144: {  	v3 =	vperm.xlane v3, v2;
	v4 =	vadd.s32 v1, v4;
	_ =	sdelay $0x1  }
0x145: {  	v3 =	vadd.s32 v1, v3;
	_ =	sdelay $0x2  }
0x146: {  	[tilespmem:s24], [sflag:$0x2] =	stream.indirect_vreg.gather [hbm4b:s3+s2], $0x80, v4, vm0, $0xb8;
	[tilespmem:$0x10100] =	vst v63  }
0x147: {  	s7 =	simm.s32 $0x8900  }
0x148: {  	[tilespmem:s7], [sflag:$0x2] =	stream.indirect_vreg.gather [hbm4b:s3+s2], $0x80, v3, vm0, $0xb8;
	[tilespmem:$0x10100] =	vst v63  }
0x149: {  	v3 =	vld [tilespmem:$0x90];
	_ =	sdelay $0x4  }
0x14a: {  	v25 =	vshll.u32 v3, $0x1  }
0x14b: {  	v3 =	vand.u32 $0x7, v3;
	v4 =	vand.u32 $0xFFFFFFF0, v25  }
0x14c: {  	v3 =	vor.u32 v3, v4  }
0x14d: {  	v4 =	vperm.xlane v3, v0;
	_ =	sdelay $0x1  }
0x14e: {  	v3 =	vperm.xlane v3, v2;
	v4 =	vadd.s32 v1, v4;
	_ =	sdelay $0x1  }
0x14f: {  	v3 =	vadd.s32 v1, v3;
	_ =	sdelay $0x1  }
0x150: {  	s0 =	simm.s32 $0x9100  }
0x151: {  	[tilespmem:s0], [sflag:$0x2] =	stream.indirect_vreg.gather [hbm4b:s3+s2], $0x80, v4, vm0, $0xb8;
	[tilespmem:$0x10100] =	vst v63  }
0x152: {  	s31 =	simm.s32 $0x9900  }
0x153: {  	[tilespmem:s31], [sflag:$0x2] =	stream.indirect_vreg.gather [hbm4b:s3+s2], $0x80, v3, vm0, $0xb8;
	[tilespmem:$0x10100] =	vst v63  }
0x154: {  	v3 =	vld [tilespmem:$0xA0];
	_ =	sdelay $0x4  }
0x155: {  	v26 =	vshll.u32 v3, $0x1  }
0x156: {  	v3 =	vand.u32 $0x7, v3;
	v4 =	vand.u32 $0xFFFFFFF0, v26  }
0x157: {  	v3 =	vor.u32 v3, v4  }
0x158: {  	v4 =	vperm.xlane v3, v0;
	_ =	sdelay $0x1  }
0x159: {  	v3 =	vperm.xlane v3, v2;
	v4 =	vadd.s32 v1, v4;
	_ =	sdelay $0x1  }
0x15a: {  	v3 =	vadd.s32 v1, v3;
	_ =	sdelay $0x1  }
0x15b: {  	s31 =	simm.s32 $0xA100  }
0x15c: {  	[tilespmem:s31], [sflag:$0x2] =	stream.indirect_vreg.gather [hbm4b:s3+s2], $0x80, v4, vm0, $0xb8;
	[tilespmem:$0x10100] =	vst v63  }
0x15d: {  	s30 =	simm.s32 $0xA900  }
0x15e: {  	[tilespmem:s30], [sflag:$0x2] =	stream.indirect_vreg.gather [hbm4b:s3+s2], $0x80, v3, vm0, $0xb8;
	[tilespmem:$0x10100] =	vst v63  }
0x15f: {  	v3 =	vld [tilespmem:$0xB0];
	_ =	sdelay $0x4  }
0x160: {  	v27 =	vshll.u32 v3, $0x1  }
0x161: {  	v3 =	vand.u32 $0x7, v3;
	v4 =	vand.u32 $0xFFFFFFF0, v27  }
0x162: {  	v3 =	vor.u32 v3, v4  }
0x163: {  	v4 =	vperm.xlane v3, v0;
	_ =	sdelay $0x1  }
0x164: {  	v3 =	vperm.xlane v3, v2;
	v4 =	vadd.s32 v1, v4;
	_ =	sdelay $0x1  }
0x165: {  	v3 =	vadd.s32 v1, v3;
	_ =	sdelay $0x1  }
0x166: {  	s31 =	simm.s32 $0xB100  }
0x167: {  	[tilespmem:s31], [sflag:$0x2] =	stream.indirect_vreg.gather [hbm4b:s3+s2], $0x80, v4, vm0, $0xb8;
	[tilespmem:$0x10100] =	vst v63  }
0x168: {  	s20 =	simm.s32 $0xB900  }
0x169: {  	[tilespmem:s20], [sflag:$0x2] =	stream.indirect_vreg.gather [hbm4b:s3+s2], $0x80, v3, vm0, $0xb8;
	[tilespmem:$0x10100] =	vst v63  }
0x16a: {  	v3 =	vld [tilespmem:$0xC0];
	_ =	sdelay $0x4  }
0x16b: {  	v28 =	vshll.u32 v3, $0x1  }
0x16c: {  	v3 =	vand.u32 $0x7, v3;
	v4 =	vand.u32 $0xFFFFFFF0, v28  }
0x16d: {  	v3 =	vor.u32 v3, v4  }
0x16e: {  	v4 =	vperm.xlane v3, v0;
	_ =	sdelay $0x1  }
0x16f: {  	v3 =	vperm.xlane v3, v2;
	v4 =	vadd.s32 v1, v4;
	_ =	sdelay $0x1  }
0x170: {  	v3 =	vadd.s32 v1, v3;
	_ =	sdelay $0x1  }
0x171: {  	s20 =	simm.s32 $0xC100  }
0x172: {  	[tilespmem:s20], [sflag:$0x2] =	stream.indirect_vreg.gather [hbm4b:s3+s2], $0x80, v4, vm0, $0xb8;
	[tilespmem:$0x10100] =	vst v63  }
0x173: {  	s21 =	simm.s32 $0xC900  }
0x174: {  	[tilespmem:s21], [sflag:$0x2] =	stream.indirect_vreg.gather [hbm4b:s3+s2], $0x80, v3, vm0, $0xb8;
	[tilespmem:$0x10100] =	vst v63  }
0x175: {  	v3 =	vld [tilespmem:$0xD0];
	_ =	sdelay $0x4  }
0x176: {  	v29 =	vshll.u32 v3, $0x1  }
0x177: {  	v3 =	vand.u32 $0x7, v3;
	v4 =	vand.u32 $0xFFFFFFF0, v29  }
0x178: {  	v3 =	vor.u32 v3, v4  }
0x179: {  	v4 =	vperm.xlane v3, v0;
	_ =	sdelay $0x1  }
0x17a: {  	v3 =	vperm.xlane v3, v2;
	v4 =	vadd.s32 v1, v4;
	_ =	sdelay $0x1  }
0x17b: {  	v3 =	vadd.s32 v1, v3;
	_ =	sdelay $0x1  }
0x17c: {  	s21 =	simm.s32 $0xD100  }
0x17d: {  	[tilespmem:s21], [sflag:$0x2] =	stream.indirect_vreg.gather [hbm4b:s3+s2], $0x80, v4, vm0, $0xb8;
	[tilespmem:$0x10100] =	vst v63  }
0x17e: {  	s22 =	simm.s32 $0xD900  }
0x17f: {  	[tilespmem:s22], [sflag:$0x2] =	stream.indirect_vreg.gather [hbm4b:s3+s2], $0x80, v3, vm0, $0xb8;
	[tilespmem:$0x10100] =	vst v63  }
0x180: {  	v3 =	vld [tilespmem:$0xE0];
	_ =	sdelay $0x4  }
0x181: {  	v30 =	vshll.u32 v3, $0x1  }
0x182: {  	v3 =	vand.u32 $0x7, v3;
	v4 =	vand.u32 $0xFFFFFFF0, v30  }
0x183: {  	v3 =	vor.u32 v3, v4  }
0x184: {  	v4 =	vperm.xlane v3, v0;
	_ =	sdelay $0x1  }
0x185: {  	v3 =	vperm.xlane v3, v2;
	v4 =	vadd.s32 v1, v4;
	_ =	sdelay $0x1  }
0x186: {  	v3 =	vadd.s32 v1, v3;
	_ =	sdelay $0x1  }
0x187: {  	s22 =	simm.s32 $0xE100  }
0x188: {  	[tilespmem:s22], [sflag:$0x2] =	stream.indirect_vreg.gather [hbm4b:s3+s2], $0x80, v4, vm0, $0xb8;
	[tilespmem:$0x10100] =	vst v63  }
0x189: {  	s25 =	simm.s32 $0xE900  }
0x18a: {  	[tilespmem:s25], [sflag:$0x2] =	stream.indirect_vreg.gather [hbm4b:s3+s2], $0x80, v3, vm0, $0xb8;
	[tilespmem:$0x10100] =	vst v63  }
0x18b: {  	v3 =	vld [tilespmem:$0xF0];
	_ =	sdelay $0x4  }
0x18c: {  	v31 =	vshll.u32 v3, $0x1  }
0x18d: {  	v3 =	vand.u32 $0x7, v3;
	v4 =	vand.u32 $0xFFFFFFF0, v31  }
0x18e: {  	v3 =	vor.u32 v3, v4  }
0x18f: {  	v4 =	vperm.xlane v3, v0;
	_ =	sdelay $0x1  }
0x190: {  	v3 =	vperm.xlane v3, v2;
	v4 =	vadd.s32 v1, v4;
	_ =	sdelay $0x1  }
0x191: {  	v3 =	vadd.s32 v1, v3;
	_ =	sdelay $0x1  }
0x192: {  	s25 =	simm.s32 $0xF100  }
0x193: {  	[tilespmem:s25], [sflag:$0x2] =	stream.indirect_vreg.gather [hbm4b:s3+s2], $0x80, v4, vm0, $0xb8;
	[tilespmem:$0x10100] =	vst v63  }
0x194: {  	s29 =	simm.s32 $0xF900  }
0x195: {  	[tilespmem:s29], [sflag:$0x2] =	stream.indirect_vreg.gather [hbm4b:s3+s2], $0x80, v3, vm0, $0xb8;
	[tilespmem:$0x10100] =	vst v63  }
0x196: {  	_ =	swait.ge [sflag:s15], $0x8000  }
0x197: {  	[sflag:s15] =	ssyncset.done $0x0  }
0x198: {  	s29 =	rddreg [dreg:$0x9];
	[sflag:s15] =	ssyncadd.s32 $0xFFFF8000  }
0x199: {  	[hbm4b:s29+s2] =	stream.linear.scatter [tilespmem:s26], [sflag:$0x3], $0x8000, $0x38;
	[tilespmem:$0x10100] =	vst v63  }
0x19a: {  	_ =	swait.ge [sflag:s16], $0x8000  }
0x19b: {  	[sflag:s16] =	ssyncset.done $0x0  }
0x19c: {  	s25 =	rddreg [dreg:$0xa];
	[sflag:s16] =	ssyncadd.s32 $0xFFFF8000  }
0x19d: {  	[tilespmem:s2], [sflag:$0x5] =	stream.linear.gather [hbm4b:s25+s2], $0x80, $0x38;
	[tilespmem:$0x10100] =	vst v63  }
0x19e: {  	_ =	swait.ge [sflag:s6], $0x80  }
0x19f: {  	[sflag:s6] =	ssyncset.done $0x0  }
0x1a0: {  	[sflag:s6] =	ssyncadd.s32 $0xFFFFFF80  }
0x1a1: {  	v3 =	vld [tilespmem:$0x0];
	_ =	sdelay $0x4  }
0x1a2: {  	v32 =	vshll.u32 v3, $0x1  }
0x1a3: {  	v3 =	vand.u32 $0x7, v3;
	v4 =	vand.u32 $0xFFFFFFF0, v32  }
0x1a4: {  	v3 =	vor.u32 v3, v4  }
0x1a5: {  	v4 =	vperm.xlane v3, v0;
	_ =	sdelay $0x1  }
0x1a6: {  	v3 =	vperm.xlane v3, v2;
	v4 =	vadd.s32 v1, v4;
	_ =	sdelay $0x1  }
0x1a7: {  	v3 =	vadd.s32 v1, v3;
	_ =	sdelay $0x2  }
0x1a8: {  	[tilespmem:s26], [sflag:$0x1] =	stream.indirect_vreg.gather [hbm4b:s4+s2], $0x80, v4, vm0, $0xb8;
	[tilespmem:$0x10100] =	vst v63  }
0x1a9: {  	s29 =	simm.s32 $0x900  }
0x1aa: {  	[tilespmem:s29], [sflag:$0x1] =	stream.indirect_vreg.gather [hbm4b:s4+s2], $0x80, v3, vm0, $0xb8;
	[tilespmem:$0x10100] =	vst v63  }
0x1ab: {  	v3 =	vld [tilespmem:$0x10];
	_ =	sdelay $0x4  }
0x1ac: {  	v33 =	vshll.u32 v3, $0x1  }
0x1ad: {  	v3 =	vand.u32 $0x7, v3;
	v4 =	vand.u32 $0xFFFFFFF0, v33  }
0x1ae: {  	v3 =	vor.u32 v3, v4  }
0x1af: {  	v4 =	vperm.xlane v3, v0;
	_ =	sdelay $0x1  }
0x1b0: {  	v3 =	vperm.xlane v3, v2;
	v4 =	vadd.s32 v1, v4;
	_ =	sdelay $0x1  }
0x1b1: {  	v3 =	vadd.s32 v1, v3;
	_ =	sdelay $0x1  }
0x1b2: {  	s25 =	simm.s32 $0x1100  }
0x1b3: {  	[tilespmem:s25], [sflag:$0x1] =	stream.indirect_vreg.gather [hbm4b:s4+s2], $0x80, v4, vm0, $0xb8;
	[tilespmem:$0x10100] =	vst v63  }
0x1b4: {  	s29 =	simm.s32 $0x1900  }
0x1b5: {  	[tilespmem:s29], [sflag:$0x1] =	stream.indirect_vreg.gather [hbm4b:s4+s2], $0x80, v3, vm0, $0xb8;
	[tilespmem:$0x10100] =	vst v63  }
0x1b6: {  	v3 =	vld [tilespmem:$0x20];
	_ =	sdelay $0x4  }
0x1b7: {  	v34 =	vshll.u32 v3, $0x1  }
0x1b8: {  	v3 =	vand.u32 $0x7, v3;
	v4 =	vand.u32 $0xFFFFFFF0, v34  }
0x1b9: {  	v3 =	vor.u32 v3, v4  }
0x1ba: {  	v4 =	vperm.xlane v3, v0;
	_ =	sdelay $0x1  }
0x1bb: {  	v3 =	vperm.xlane v3, v2;
	v4 =	vadd.s32 v1, v4;
	_ =	sdelay $0x1  }
0x1bc: {  	v3 =	vadd.s32 v1, v3;
	_ =	sdelay $0x1  }
0x1bd: {  	s25 =	simm.s32 $0x2100  }
0x1be: {  	[tilespmem:s25], [sflag:$0x1] =	stream.indirect_vreg.gather [hbm4b:s4+s2], $0x80, v4, vm0, $0xb8;
	[tilespmem:$0x10100] =	vst v63  }
0x1bf: {  	_ = 	snop  }
0x1c0: {  	[tilespmem:s28], [sflag:$0x1] =	stream.indirect_vreg.gather [hbm4b:s4+s2], $0x80, v3, vm0, $0xb8;
	[tilespmem:$0x10100] =	vst v63  }
0x1c1: {  	v3 =	vld [tilespmem:$0x30];
	_ =	sdelay $0x4  }
0x1c2: {  	v35 =	vshll.u32 v3, $0x1  }
0x1c3: {  	v3 =	vand.u32 $0x7, v3;
	v4 =	vand.u32 $0xFFFFFFF0, v35  }
0x1c4: {  	v3 =	vor.u32 v3, v4  }
0x1c5: {  	v4 =	vperm.xlane v3, v0;
	_ =	sdelay $0x1  }
0x1c6: {  	v3 =	vperm.xlane v3, v2;
	v4 =	vadd.s32 v1, v4;
	_ =	sdelay $0x1  }
0x1c7: {  	v3 =	vadd.s32 v1, v3;
	_ =	sdelay $0x2  }
0x1c8: {  	[tilespmem:s8], [sflag:$0x1] =	stream.indirect_vreg.gather [hbm4b:s4+s2], $0x80, v4, vm0, $0xb8;
	[tilespmem:$0x10100] =	vst v63  }
0x1c9: {  	_ = 	snop  }
0x1ca: {  	[tilespmem:s11], [sflag:$0x1] =	stream.indirect_vreg.gather [hbm4b:s4+s2], $0x80, v3, vm0, $0xb8;
	[tilespmem:$0x10100] =	vst v63  }
0x1cb: {  	v3 =	vld [tilespmem:$0x40];
	_ =	sdelay $0x4  }
0x1cc: {  	v36 =	vshll.u32 v3, $0x1  }
0x1cd: {  	v3 =	vand.u32 $0x7, v3;
	v4 =	vand.u32 $0xFFFFFFF0, v36  }
0x1ce: {  	v3 =	vor.u32 v3, v4  }
0x1cf: {  	v4 =	vperm.xlane v3, v0;
	_ =	sdelay $0x1  }
0x1d0: {  	v3 =	vperm.xlane v3, v2;
	v4 =	vadd.s32 v1, v4;
	_ =	sdelay $0x1  }
0x1d1: {  	v3 =	vadd.s32 v1, v3;
	_ =	sdelay $0x2  }
0x1d2: {  	[tilespmem:s9], [sflag:$0x1] =	stream.indirect_vreg.gather [hbm4b:s4+s2], $0x80, v4, vm0, $0xb8;
	[tilespmem:$0x10100] =	vst v63  }
0x1d3: {  	s28 =	simm.s32 $0x4900  }
0x1d4: {  	[tilespmem:s28], [sflag:$0x1] =	stream.indirect_vreg.gather [hbm4b:s4+s2], $0x80, v3, vm0, $0xb8;
	[tilespmem:$0x10100] =	vst v63  }
0x1d5: {  	v3 =	vld [tilespmem:$0x50];
	_ =	sdelay $0x4  }
0x1d6: {  	v37 =	vshll.u32 v3, $0x1  }
0x1d7: {  	v3 =	vand.u32 $0x7, v3;
	v4 =	vand.u32 $0xFFFFFFF0, v37  }
0x1d8: {  	v3 =	vor.u32 v3, v4  }
0x1d9: {  	v4 =	vperm.xlane v3, v0;
	_ =	sdelay $0x1  }
0x1da: {  	v3 =	vperm.xlane v3, v2;
	v4 =	vadd.s32 v1, v4;
	_ =	sdelay $0x1  }
0x1db: {  	v3 =	vadd.s32 v1, v3;
	_ =	sdelay $0x1  }
0x1dc: {  	s29 =	simm.s32 $0x5100  }
0x1dd: {  	[tilespmem:s29], [sflag:$0x1] =	stream.indirect_vreg.gather [hbm4b:s4+s2], $0x80, v4, vm0, $0xb8;
	[tilespmem:$0x10100] =	vst v63  }
0x1de: {  	_ = 	snop  }
0x1df: {  	[tilespmem:s23], [sflag:$0x1] =	stream.indirect_vreg.gather [hbm4b:s4+s2], $0x80, v3, vm0, $0xb8;
	[tilespmem:$0x10100] =	vst v63  }
0x1e0: {  	v3 =	vld [tilespmem:$0x60];
	_ =	sdelay $0x4  }
0x1e1: {  	v38 =	vshll.u32 v3, $0x1  }
0x1e2: {  	v3 =	vand.u32 $0x7, v3;
	v4 =	vand.u32 $0xFFFFFFF0, v38  }
0x1e3: {  	v3 =	vor.u32 v3, v4  }
0x1e4: {  	v4 =	vperm.xlane v3, v0;
	_ =	sdelay $0x1  }
0x1e5: {  	v3 =	vperm.xlane v3, v2;
	v4 =	vadd.s32 v1, v4;
	_ =	sdelay $0x1  }
0x1e6: {  	v3 =	vadd.s32 v1, v3;
	_ =	sdelay $0x2  }
0x1e7: {  	[tilespmem:s10], [sflag:$0x1] =	stream.indirect_vreg.gather [hbm4b:s4+s2], $0x80, v4, vm0, $0xb8;
	[tilespmem:$0x10100] =	vst v63  }
0x1e8: {  	_ = 	snop  }
0x1e9: {  	[tilespmem:s12], [sflag:$0x1] =	stream.indirect_vreg.gather [hbm4b:s4+s2], $0x80, v3, vm0, $0xb8;
	[tilespmem:$0x10100] =	vst v63  }
0x1ea: {  	v3 =	vld [tilespmem:$0x70];
	_ =	sdelay $0x4  }
0x1eb: {  	v39 =	vshll.u32 v3, $0x1  }
0x1ec: {  	v3 =	vand.u32 $0x7, v3;
	v4 =	vand.u32 $0xFFFFFFF0, v39  }
0x1ed: {  	v3 =	vor.u32 v3, v4  }
0x1ee: {  	v4 =	vperm.xlane v3, v0;
	_ =	sdelay $0x1  }
0x1ef: {  	v3 =	vperm.xlane v3, v2;
	v4 =	vadd.s32 v1, v4;
	_ =	sdelay $0x1  }
0x1f0: {  	v3 =	vadd.s32 v1, v3;
	_ =	sdelay $0x2  }
0x1f1: {  	[tilespmem:s13], [sflag:$0x1] =	stream.indirect_vreg.gather [hbm4b:s4+s2], $0x80, v4, vm0, $0xb8;
	[tilespmem:$0x10100] =	vst v63  }
0x1f2: {  	_ = 	snop  }
0x1f3: {  	[tilespmem:s14], [sflag:$0x1] =	stream.indirect_vreg.gather [hbm4b:s4+s2], $0x80, v3, vm0, $0xb8;
	[tilespmem:$0x10100] =	vst v63  }
0x1f4: {  	_ =	swait.ge [sflag:s17], $0x8000  }
0x1f5: {  	[sflag:s17] =	ssyncset.done $0x0  }
0x1f6: {  	s28 =	rddreg [dreg:$0xb];
	[sflag:s17] =	ssyncadd.s32 $0xFFFF8000  }
0x1f7: {  	[hbm4b:s28+s2] =	stream.linear.scatter [tilespmem:s24], [sflag:$0x4], $0x8000, $0x38;
	[tilespmem:$0x10100] =	vst v63  }
0x1f8: {  	_ =	swait.ge [sflag:s18], $0x8000  }
0x1f9: {  	[sflag:s18] =	ssyncset.done $0x0  }
0x1fa: {  	s29 =	rddreg [dreg:$0xc];
	[sflag:s18] =	ssyncadd.s32 $0xFFFF8000  }
0x1fb: {  	[tilespmem:s1], [sflag:$0x5] =	stream.linear.gather [hbm4b:s29+s2], $0x80, $0x38;
	[tilespmem:$0x10100] =	vst v63  }
0x1fc: {  	_ =	swait.ge [sflag:s6], $0x80  }
0x1fd: {  	[sflag:s6] =	ssyncset.done $0x0  }
0x1fe: {  	[sflag:s6] =	ssyncadd.s32 $0xFFFFFF80  }
0x1ff: {  	v3 =	vld [tilespmem:$0x80];
	_ =	sdelay $0x4  }
0x200: {  	v40 =	vshll.u32 v3, $0x1  }
0x201: {  	v3 =	vand.u32 $0x7, v3;
	v4 =	vand.u32 $0xFFFFFFF0, v40  }
0x202: {  	v3 =	vor.u32 v3, v4  }
0x203: {  	v4 =	vperm.xlane v3, v0;
	_ =	sdelay $0x1  }
0x204: {  	v3 =	vperm.xlane v3, v2;
	v4 =	vadd.s32 v1, v4;
	_ =	sdelay $0x1  }
0x205: {  	v3 =	vadd.s32 v1, v3;
	_ =	sdelay $0x2  }
0x206: {  	[tilespmem:s24], [sflag:$0x2] =	stream.indirect_vreg.gather [hbm4b:s4+s2], $0x80, v4, vm0, $0xb8;
	[tilespmem:$0x10100] =	vst v63  }
0x207: {  	_ = 	snop  }
0x208: {  	[tilespmem:s7], [sflag:$0x2] =	stream.indirect_vreg.gather [hbm4b:s4+s2], $0x80, v3, vm0, $0xb8;
	[tilespmem:$0x10100] =	vst v63  }
0x209: {  	v3 =	vld [tilespmem:$0x90];
	_ =	sdelay $0x4  }
0x20a: {  	v41 =	vshll.u32 v3, $0x1  }
0x20b: {  	v3 =	vand.u32 $0x7, v3;
	v4 =	vand.u32 $0xFFFFFFF0, v41  }
0x20c: {  	v3 =	vor.u32 v3, v4  }
0x20d: {  	v4 =	vperm.xlane v3, v0;
	_ =	sdelay $0x1  }
0x20e: {  	v3 =	vperm.xlane v3, v2;
	v4 =	vadd.s32 v1, v4;
	_ =	sdelay $0x1  }
0x20f: {  	v3 =	vadd.s32 v1, v3;
	_ =	sdelay $0x2  }
0x210: {  	[tilespmem:s0], [sflag:$0x2] =	stream.indirect_vreg.gather [hbm4b:s4+s2], $0x80, v4, vm0, $0xb8;
	[tilespmem:$0x10100] =	vst v63  }
0x211: {  	s28 =	simm.s32 $0x9900  }
0x212: {  	[tilespmem:s28], [sflag:$0x2] =	stream.indirect_vreg.gather [hbm4b:s4+s2], $0x80, v3, vm0, $0xb8;
	[tilespmem:$0x10100] =	vst v63  }
0x213: {  	v3 =	vld [tilespmem:$0xA0];
	_ =	sdelay $0x4  }
0x214: {  	v42 =	vshll.u32 v3, $0x1  }
0x215: {  	v3 =	vand.u32 $0x7, v3;
	v4 =	vand.u32 $0xFFFFFFF0, v42  }
0x216: {  	v3 =	vor.u32 v3, v4  }
0x217: {  	v4 =	vperm.xlane v3, v0;
	_ =	sdelay $0x1  }
0x218: {  	v3 =	vperm.xlane v3, v2;
	v4 =	vadd.s32 v1, v4;
	_ =	sdelay $0x1  }
0x219: {  	v3 =	vadd.s32 v1, v3;
	_ =	sdelay $0x1  }
0x21a: {  	s29 =	simm.s32 $0xA100  }
0x21b: {  	[tilespmem:s29], [sflag:$0x2] =	stream.indirect_vreg.gather [hbm4b:s4+s2], $0x80, v4, vm0, $0xb8;
	[tilespmem:$0x10100] =	vst v63  }
0x21c: {  	s28 =	simm.s32 $0xA900  }
0x21d: {  	[tilespmem:s28], [sflag:$0x2] =	stream.indirect_vreg.gather [hbm4b:s4+s2], $0x80, v3, vm0, $0xb8;
	[tilespmem:$0x10100] =	vst v63  }
0x21e: {  	v3 =	vld [tilespmem:$0xB0];
	_ =	sdelay $0x4  }
0x21f: {  	v43 =	vshll.u32 v3, $0x1  }
0x220: {  	v3 =	vand.u32 $0x7, v3;
	v4 =	vand.u32 $0xFFFFFFF0, v43  }
0x221: {  	v3 =	vor.u32 v3, v4  }
0x222: {  	v4 =	vperm.xlane v3, v0;
	_ =	sdelay $0x1  }
0x223: {  	v3 =	vperm.xlane v3, v2;
	v4 =	vadd.s32 v1, v4;
	_ =	sdelay $0x1  }
0x224: {  	v3 =	vadd.s32 v1, v3;
	_ =	sdelay $0x1  }
0x225: {  	s30 =	simm.s32 $0xB100  }
0x226: {  	[tilespmem:s30], [sflag:$0x2] =	stream.indirect_vreg.gather [hbm4b:s4+s2], $0x80, v4, vm0, $0xb8;
	[tilespmem:$0x10100] =	vst v63  }
0x227: {  	s30 =	simm.s32 $0xB900  }
0x228: {  	[tilespmem:s30], [sflag:$0x2] =	stream.indirect_vreg.gather [hbm4b:s4+s2], $0x80, v3, vm0, $0xb8;
	[tilespmem:$0x10100] =	vst v63  }
0x229: {  	v3 =	vld [tilespmem:$0xC0];
	_ =	sdelay $0x4  }
0x22a: {  	v44 =	vshll.u32 v3, $0x1  }
0x22b: {  	v3 =	vand.u32 $0x7, v3;
	v4 =	vand.u32 $0xFFFFFFF0, v44  }
0x22c: {  	v3 =	vor.u32 v3, v4  }
0x22d: {  	v4 =	vperm.xlane v3, v0;
	_ =	sdelay $0x1  }
0x22e: {  	v3 =	vperm.xlane v3, v2;
	v4 =	vadd.s32 v1, v4;
	_ =	sdelay $0x1  }
0x22f: {  	v3 =	vadd.s32 v1, v3;
	_ =	sdelay $0x1  }
0x230: {  	s20 =	simm.s32 $0xC100  }
0x231: {  	[tilespmem:s20], [sflag:$0x2] =	stream.indirect_vreg.gather [hbm4b:s4+s2], $0x80, v4, vm0, $0xb8;
	[tilespmem:$0x10100] =	vst v63  }
0x232: {  	s20 =	simm.s32 $0xC900  }
0x233: {  	[tilespmem:s20], [sflag:$0x2] =	stream.indirect_vreg.gather [hbm4b:s4+s2], $0x80, v3, vm0, $0xb8;
	[tilespmem:$0x10100] =	vst v63  }
0x234: {  	v3 =	vld [tilespmem:$0xD0];
	_ =	sdelay $0x4  }
0x235: {  	v45 =	vshll.u32 v3, $0x1  }
0x236: {  	v3 =	vand.u32 $0x7, v3;
	v4 =	vand.u32 $0xFFFFFFF0, v45  }
0x237: {  	v3 =	vor.u32 v3, v4  }
0x238: {  	v4 =	vperm.xlane v3, v0;
	_ =	sdelay $0x1  }
0x239: {  	v3 =	vperm.xlane v3, v2;
	v4 =	vadd.s32 v1, v4;
	_ =	sdelay $0x1  }
0x23a: {  	v3 =	vadd.s32 v1, v3;
	_ =	sdelay $0x1  }
0x23b: {  	s21 =	simm.s32 $0xD100  }
0x23c: {  	[tilespmem:s21], [sflag:$0x2] =	stream.indirect_vreg.gather [hbm4b:s4+s2], $0x80, v4, vm0, $0xb8;
	[tilespmem:$0x10100] =	vst v63  }
0x23d: {  	s21 =	simm.s32 $0xD900  }
0x23e: {  	[tilespmem:s21], [sflag:$0x2] =	stream.indirect_vreg.gather [hbm4b:s4+s2], $0x80, v3, vm0, $0xb8;
	[tilespmem:$0x10100] =	vst v63  }
0x23f: {  	v3 =	vld [tilespmem:$0xE0];
	_ =	sdelay $0x4  }
0x240: {  	v46 =	vshll.u32 v3, $0x1  }
0x241: {  	v3 =	vand.u32 $0x7, v3;
	v4 =	vand.u32 $0xFFFFFFF0, v46  }
0x242: {  	v3 =	vor.u32 v3, v4  }
0x243: {  	v4 =	vperm.xlane v3, v0;
	_ =	sdelay $0x1  }
0x244: {  	v3 =	vperm.xlane v3, v2;
	v4 =	vadd.s32 v1, v4;
	_ =	sdelay $0x1  }
0x245: {  	v3 =	vadd.s32 v1, v3;
	_ =	sdelay $0x1  }
0x246: {  	s22 =	simm.s32 $0xE100  }
0x247: {  	[tilespmem:s22], [sflag:$0x2] =	stream.indirect_vreg.gather [hbm4b:s4+s2], $0x80, v4, vm0, $0xb8;
	[tilespmem:$0x10100] =	vst v63  }
0x248: {  	s22 =	simm.s32 $0xE900  }
0x249: {  	[tilespmem:s22], [sflag:$0x2] =	stream.indirect_vreg.gather [hbm4b:s4+s2], $0x80, v3, vm0, $0xb8;
	[tilespmem:$0x10100] =	vst v63  }
0x24a: {  	v3 =	vld [tilespmem:$0xF0];
	_ =	sdelay $0x4  }
0x24b: {  	v47 =	vshll.u32 v3, $0x1  }
0x24c: {  	v3 =	vand.u32 $0x7, v3;
	v4 =	vand.u32 $0xFFFFFFF0, v47  }
0x24d: {  	v3 =	vor.u32 v3, v4  }
0x24e: {  	v4 =	vperm.xlane v3, v0;
	_ =	sdelay $0x1  }
0x24f: {  	v3 =	vperm.xlane v3, v2;
	v4 =	vadd.s32 v1, v4;
	_ =	sdelay $0x1  }
0x250: {  	v3 =	vadd.s32 v1, v3;
	_ =	sdelay $0x1  }
0x251: {  	s31 =	simm.s32 $0xF100  }
0x252: {  	[tilespmem:s31], [sflag:$0x2] =	stream.indirect_vreg.gather [hbm4b:s4+s2], $0x80, v4, vm0, $0xb8;
	[tilespmem:$0x10100] =	vst v63  }
0x253: {  	s31 =	simm.s32 $0xF900  }
0x254: {  	[tilespmem:s31], [sflag:$0x2] =	stream.indirect_vreg.gather [hbm4b:s4+s2], $0x80, v3, vm0, $0xb8;
	[tilespmem:$0x10100] =	vst v63  }
0x255: {  	_ =	swait.ge [sflag:s15], $0x8000  }
0x256: {  	[sflag:s15] =	ssyncset.done $0x0  }
0x257: {  	s19 =	rddreg [dreg:$0xd];
	[sflag:s15] =	ssyncadd.s32 $0xFFFF8000  }
0x258: {  	[hbm4b:s19+s2] =	stream.linear.scatter [tilespmem:s26], [sflag:$0x3], $0x8000, $0x38;
	[tilespmem:$0x10100] =	vst v63  }
0x259: {  	_ =	swait.ge [sflag:s16], $0x8000  }
0x25a: {  	[sflag:s16] =	ssyncset.done $0x0  }
0x25b: {  	s19 =	rddreg [dreg:$0xe];
	[sflag:s16] =	ssyncadd.s32 $0xFFFF8000  }
0x25c: {  	[tilespmem:s2], [sflag:$0x5] =	stream.linear.gather [hbm4b:s19+s2], $0x80, $0x38;
	[tilespmem:$0x10100] =	vst v63  }
0x25d: {  	_ =	swait.ge [sflag:s6], $0x80  }
0x25e: {  	[sflag:s6] =	ssyncset.done $0x0  }
0x25f: {  	[sflag:s6] =	ssyncadd.s32 $0xFFFFFF80  }
0x260: {  	v3 =	vld [tilespmem:$0x0];
	_ =	sdelay $0x4  }
0x261: {  	v48 =	vshll.u32 v3, $0x1  }
0x262: {  	v3 =	vand.u32 $0x7, v3;
	v4 =	vand.u32 $0xFFFFFFF0, v48  }
0x263: {  	v3 =	vor.u32 v3, v4  }
0x264: {  	v4 =	vperm.xlane v3, v0;
	_ =	sdelay $0x1  }
0x265: {  	v3 =	vperm.xlane v3, v2;
	v4 =	vadd.s32 v1, v4;
	_ =	sdelay $0x1  }
0x266: {  	v3 =	vadd.s32 v1, v3;
	_ =	sdelay $0x2  }
0x267: {  	[tilespmem:s26], [sflag:$0x1] =	stream.indirect_vreg.gather [hbm4b:s4+s2], $0x80, v4, vm0, $0xb8;
	[tilespmem:$0x10100] =	vst v63  }
0x268: {  	s19 =	simm.s32 $0x900  }
0x269: {  	[tilespmem:s19], [sflag:$0x1] =	stream.indirect_vreg.gather [hbm4b:s4+s2], $0x80, v3, vm0, $0xb8;
	[tilespmem:$0x10100] =	vst v63  }
0x26a: {  	v3 =	vld [tilespmem:$0x10];
	_ =	sdelay $0x4  }
0x26b: {  	v49 =	vshll.u32 v3, $0x1  }
0x26c: {  	v3 =	vand.u32 $0x7, v3;
	v4 =	vand.u32 $0xFFFFFFF0, v49  }
0x26d: {  	v3 =	vor.u32 v3, v4  }
0x26e: {  	v4 =	vperm.xlane v3, v0;
	_ =	sdelay $0x1  }
0x26f: {  	v3 =	vperm.xlane v3, v2;
	v4 =	vadd.s32 v1, v4;
	_ =	sdelay $0x1  }
0x270: {  	v3 =	vadd.s32 v1, v3;
	_ =	sdelay $0x1  }
0x271: {  	s19 =	simm.s32 $0x1100  }
0x272: {  	[tilespmem:s19], [sflag:$0x1] =	stream.indirect_vreg.gather [hbm4b:s4+s2], $0x80, v4, vm0, $0xb8;
	[tilespmem:$0x10100] =	vst v63  }
0x273: {  	s19 =	simm.s32 $0x1900  }
0x274: {  	[tilespmem:s19], [sflag:$0x1] =	stream.indirect_vreg.gather [hbm4b:s4+s2], $0x80, v3, vm0, $0xb8;
	[tilespmem:$0x10100] =	vst v63  }
0x275: {  	v3 =	vld [tilespmem:$0x20];
	_ =	sdelay $0x4  }
0x276: {  	v50 =	vshll.u32 v3, $0x1  }
0x277: {  	v3 =	vand.u32 $0x7, v3;
	v4 =	vand.u32 $0xFFFFFFF0, v50  }
0x278: {  	v3 =	vor.u32 v3, v4  }
0x279: {  	v4 =	vperm.xlane v3, v0;
	_ =	sdelay $0x1  }
0x27a: {  	v3 =	vperm.xlane v3, v2;
	v4 =	vadd.s32 v1, v4;
	_ =	sdelay $0x1  }
0x27b: {  	v3 =	vadd.s32 v1, v3;
	_ =	sdelay $0x1  }
0x27c: {  	s19 =	simm.s32 $0x2100  }
0x27d: {  	[tilespmem:s19], [sflag:$0x1] =	stream.indirect_vreg.gather [hbm4b:s4+s2], $0x80, v4, vm0, $0xb8;
	[tilespmem:$0x10100] =	vst v63  }
0x27e: {  	s25 =	simm.s32 $0x2900  }
0x27f: {  	[tilespmem:s25], [sflag:$0x1] =	stream.indirect_vreg.gather [hbm4b:s4+s2], $0x80, v3, vm0, $0xb8;
	[tilespmem:$0x10100] =	vst v63  }
0x280: {  	v3 =	vld [tilespmem:$0x30];
	_ =	sdelay $0x4  }
0x281: {  	v51 =	vshll.u32 v3, $0x1  }
0x282: {  	v3 =	vand.u32 $0x7, v3;
	v4 =	vand.u32 $0xFFFFFFF0, v51  }
0x283: {  	v3 =	vor.u32 v3, v4  }
0x284: {  	v4 =	vperm.xlane v3, v0;
	_ =	sdelay $0x1  }
0x285: {  	v3 =	vperm.xlane v3, v2;
	v4 =	vadd.s32 v1, v4;
	_ =	sdelay $0x1  }
0x286: {  	v3 =	vadd.s32 v1, v3;
	_ =	sdelay $0x1  }
0x287: {  	s8 =	simm.s32 $0x3100  }
0x288: {  	[tilespmem:s8], [sflag:$0x1] =	stream.indirect_vreg.gather [hbm4b:s4+s2], $0x80, v4, vm0, $0xb8;
	[tilespmem:$0x10100] =	vst v63  }
0x289: {  	s11 =	simm.s32 $0x3900  }
0x28a: {  	[tilespmem:s11], [sflag:$0x1] =	stream.indirect_vreg.gather [hbm4b:s4+s2], $0x80, v3, vm0, $0xb8;
	[tilespmem:$0x10100] =	vst v63  }
0x28b: {  	v3 =	vld [tilespmem:$0x40];
	_ =	sdelay $0x4  }
0x28c: {  	v52 =	vshll.u32 v3, $0x1  }
0x28d: {  	v3 =	vand.u32 $0x7, v3;
	v4 =	vand.u32 $0xFFFFFFF0, v52  }
0x28e: {  	v3 =	vor.u32 v3, v4  }
0x28f: {  	v4 =	vperm.xlane v3, v0;
	_ =	sdelay $0x1  }
0x290: {  	v3 =	vperm.xlane v3, v2;
	v4 =	vadd.s32 v1, v4;
	_ =	sdelay $0x1  }
0x291: {  	v3 =	vadd.s32 v1, v3;
	_ =	sdelay $0x1  }
0x292: {  	s9 =	simm.s32 $0x4100  }
0x293: {  	[tilespmem:s9], [sflag:$0x1] =	stream.indirect_vreg.gather [hbm4b:s4+s2], $0x80, v4, vm0, $0xb8;
	[tilespmem:$0x10100] =	vst v63  }
0x294: {  	s9 =	simm.s32 $0x4900  }
0x295: {  	[tilespmem:s9], [sflag:$0x1] =	stream.indirect_vreg.gather [hbm4b:s4+s2], $0x80, v3, vm0, $0xb8;
	[tilespmem:$0x10100] =	vst v63  }
0x296: {  	v3 =	vld [tilespmem:$0x50];
	_ =	sdelay $0x4  }
0x297: {  	v53 =	vshll.u32 v3, $0x1  }
0x298: {  	v3 =	vand.u32 $0x7, v3;
	v4 =	vand.u32 $0xFFFFFFF0, v53  }
0x299: {  	v3 =	vor.u32 v3, v4  }
0x29a: {  	v4 =	vperm.xlane v3, v0;
	_ =	sdelay $0x1  }
0x29b: {  	v3 =	vperm.xlane v3, v2;
	v4 =	vadd.s32 v1, v4;
	_ =	sdelay $0x1  }
0x29c: {  	v3 =	vadd.s32 v1, v3;
	_ =	sdelay $0x1  }
0x29d: {  	s11 =	simm.s32 $0x5100  }
0x29e: {  	[tilespmem:s11], [sflag:$0x1] =	stream.indirect_vreg.gather [hbm4b:s4+s2], $0x80, v4, vm0, $0xb8;
	[tilespmem:$0x10100] =	vst v63  }
0x29f: {  	s23 =	simm.s32 $0x5900  }
0x2a0: {  	[tilespmem:s23], [sflag:$0x1] =	stream.indirect_vreg.gather [hbm4b:s4+s2], $0x80, v3, vm0, $0xb8;
	[tilespmem:$0x10100] =	vst v63  }
0x2a1: {  	v3 =	vld [tilespmem:$0x60];
	_ =	sdelay $0x4  }
0x2a2: {  	v54 =	vshll.u32 v3, $0x1  }
0x2a3: {  	v3 =	vand.u32 $0x7, v3;
	v4 =	vand.u32 $0xFFFFFFF0, v54  }
0x2a4: {  	v3 =	vor.u32 v3, v4  }
0x2a5: {  	v4 =	vperm.xlane v3, v0;
	_ =	sdelay $0x1  }
0x2a6: {  	v3 =	vperm.xlane v3, v2;
	v4 =	vadd.s32 v1, v4;
	_ =	sdelay $0x1  }
0x2a7: {  	v3 =	vadd.s32 v1, v3;
	_ =	sdelay $0x1  }
0x2a8: {  	s10 =	simm.s32 $0x6100  }
0x2a9: {  	[tilespmem:s10], [sflag:$0x1] =	stream.indirect_vreg.gather [hbm4b:s4+s2], $0x80, v4, vm0, $0xb8;
	[tilespmem:$0x10100] =	vst v63  }
0x2aa: {  	s12 =	simm.s32 $0x6900  }
0x2ab: {  	[tilespmem:s12], [sflag:$0x1] =	stream.indirect_vreg.gather [hbm4b:s4+s2], $0x80, v3, vm0, $0xb8;
	[tilespmem:$0x10100] =	vst v63  }
0x2ac: {  	v3 =	vld [tilespmem:$0x70];
	_ =	sdelay $0x4  }
0x2ad: {  	v55 =	vshll.u32 v3, $0x1  }
0x2ae: {  	v3 =	vand.u32 $0x7, v3;
	v4 =	vand.u32 $0xFFFFFFF0, v55  }
0x2af: {  	v3 =	vor.u32 v3, v4  }
0x2b0: {  	v4 =	vperm.xlane v3, v0;
	_ =	sdelay $0x1  }
0x2b1: {  	v3 =	vperm.xlane v3, v2;
	v4 =	vadd.s32 v1, v4;
	_ =	sdelay $0x1  }
0x2b2: {  	v3 =	vadd.s32 v1, v3;
	_ =	sdelay $0x1  }
0x2b3: {  	s13 =	simm.s32 $0x7100  }
0x2b4: {  	[tilespmem:s13], [sflag:$0x1] =	stream.indirect_vreg.gather [hbm4b:s4+s2], $0x80, v4, vm0, $0xb8;
	[tilespmem:$0x10100] =	vst v63  }
0x2b5: {  	s14 =	simm.s32 $0x7900  }
0x2b6: {  	[tilespmem:s14], [sflag:$0x1] =	stream.indirect_vreg.gather [hbm4b:s4+s2], $0x80, v3, vm0, $0xb8;
	[tilespmem:$0x10100] =	vst v63  }
0x2b7: {  	_ =	swait.ge [sflag:s17], $0x8000  }
0x2b8: {  	[sflag:s17] =	ssyncset.done $0x0  }
0x2b9: {  	s12 =	rddreg [dreg:$0xf];
	[sflag:s17] =	ssyncadd.s32 $0xFFFF8000  }
0x2ba: {  	[hbm4b:s12+s2] =	stream.linear.scatter [tilespmem:s24], [sflag:$0x4], $0x8000, $0x38;
	[tilespmem:$0x10100] =	vst v63  }
0x2bb: {  	_ =	swait.ge [sflag:s18], $0x8000  }
0x2bc: {  	[sflag:s18] =	ssyncset.done $0x0  }
0x2bd: {  	s1 =	simm.s32 $0x80;
	s13 =	rddreg [dreg:$0x10];
	[sflag:s18] =	ssyncadd.s32 $0xFFFF8000  }
0x2be: {  	[tilespmem:s1], [sflag:$0x5] =	stream.linear.gather [hbm4b:s13+s2], $0x80, $0x38;
	[tilespmem:$0x10100] =	vst v63  }
0x2bf: {  	_ =	swait.ge [sflag:s6], $0x80  }
0x2c0: {  	[sflag:s6] =	ssyncset.done $0x0  }
0x2c1: {  	[sflag:s6] =	ssyncadd.s32 $0xFFFFFF80  }
0x2c2: {  	v3 =	vld [tilespmem:$0x80];
	_ =	sdelay $0x4  }
0x2c3: {  	v56 =	vshll.u32 v3, $0x1  }
0x2c4: {  	v3 =	vand.u32 $0x7, v3;
	v4 =	vand.u32 $0xFFFFFFF0, v56  }
0x2c5: {  	v3 =	vor.u32 v3, v4  }
0x2c6: {  	v4 =	vperm.xlane v3, v0;
	_ =	sdelay $0x1  }
0x2c7: {  	v3 =	vperm.xlane v3, v2;
	v4 =	vadd.s32 v1, v4;
	_ =	sdelay $0x1  }
0x2c8: {  	v3 =	vadd.s32 v1, v3;
	_ =	sdelay $0x2  }
0x2c9: {  	[tilespmem:s24], [sflag:$0x2] =	stream.indirect_vreg.gather [hbm4b:s4+s2], $0x80, v4, vm0, $0xb8;
	[tilespmem:$0x10100] =	vst v63  }
0x2ca: {  	s7 =	simm.s32 $0x8900  }
0x2cb: {  	[tilespmem:s7], [sflag:$0x2] =	stream.indirect_vreg.gather [hbm4b:s4+s2], $0x80, v3, vm0, $0xb8;
	[tilespmem:$0x10100] =	vst v63  }
0x2cc: {  	v3 =	vld [tilespmem:$0x90];
	_ =	sdelay $0x4  }
0x2cd: {  	v57 =	vshll.u32 v3, $0x1  }
0x2ce: {  	v3 =	vand.u32 $0x7, v3;
	v4 =	vand.u32 $0xFFFFFFF0, v57  }
0x2cf: {  	v3 =	vor.u32 v3, v4  }
0x2d0: {  	v4 =	vperm.xlane v3, v0;
	_ =	sdelay $0x1  }
0x2d1: {  	v3 =	vperm.xlane v3, v2;
	v4 =	vadd.s32 v1, v4;
	_ =	sdelay $0x1  }
0x2d2: {  	v3 =	vadd.s32 v1, v3;
	_ =	sdelay $0x1  }
0x2d3: {  	s0 =	simm.s32 $0x9100  }
0x2d4: {  	[tilespmem:s0], [sflag:$0x2] =	stream.indirect_vreg.gather [hbm4b:s4+s2], $0x80, v4, vm0, $0xb8;
	[tilespmem:$0x10100] =	vst v63  }
0x2d5: {  	s14 =	simm.s32 $0x9900  }
0x2d6: {  	[tilespmem:s14], [sflag:$0x2] =	stream.indirect_vreg.gather [hbm4b:s4+s2], $0x80, v3, vm0, $0xb8;
	[tilespmem:$0x10100] =	vst v63  }
0x2d7: {  	v3 =	vld [tilespmem:$0xA0];
	_ =	sdelay $0x4  }
0x2d8: {  	v58 =	vshll.u32 v3, $0x1  }
0x2d9: {  	v3 =	vand.u32 $0x7, v3;
	v4 =	vand.u32 $0xFFFFFFF0, v58  }
0x2da: {  	v3 =	vor.u32 v3, v4  }
0x2db: {  	v4 =	vperm.xlane v3, v0;
	_ =	sdelay $0x1  }
0x2dc: {  	v3 =	vperm.xlane v3, v2;
	v4 =	vadd.s32 v1, v4;
	_ =	sdelay $0x1  }
0x2dd: {  	v3 =	vadd.s32 v1, v3;
	_ =	sdelay $0x1  }
0x2de: {  	s29 =	simm.s32 $0xA100  }
0x2df: {  	[tilespmem:s29], [sflag:$0x2] =	stream.indirect_vreg.gather [hbm4b:s4+s2], $0x80, v4, vm0, $0xb8;
	[tilespmem:$0x10100] =	vst v63  }
0x2e0: {  	s19 =	simm.s32 $0xA900  }
0x2e1: {  	[tilespmem:s19], [sflag:$0x2] =	stream.indirect_vreg.gather [hbm4b:s4+s2], $0x80, v3, vm0, $0xb8;
	[tilespmem:$0x10100] =	vst v63  }
0x2e2: {  	v3 =	vld [tilespmem:$0xB0];
	_ =	sdelay $0x4  }
0x2e3: {  	v59 =	vshll.u32 v3, $0x1  }
0x2e4: {  	v3 =	vand.u32 $0x7, v3;
	v4 =	vand.u32 $0xFFFFFFF0, v59  }
0x2e5: {  	v3 =	vor.u32 v3, v4  }
0x2e6: {  	v4 =	vperm.xlane v3, v0;
	_ =	sdelay $0x1  }
0x2e7: {  	v3 =	vperm.xlane v3, v2;
	v4 =	vadd.s32 v1, v4;
	_ =	sdelay $0x1  }
0x2e8: {  	v3 =	vadd.s32 v1, v3;
	_ =	sdelay $0x1  }
0x2e9: {  	s28 =	simm.s32 $0xB100  }
0x2ea: {  	[tilespmem:s28], [sflag:$0x2] =	stream.indirect_vreg.gather [hbm4b:s4+s2], $0x80, v4, vm0, $0xb8;
	[tilespmem:$0x10100] =	vst v63  }
0x2eb: {  	s23 =	simm.s32 $0xB900  }
0x2ec: {  	[tilespmem:s23], [sflag:$0x2] =	stream.indirect_vreg.gather [hbm4b:s4+s2], $0x80, v3, vm0, $0xb8;
	[tilespmem:$0x10100] =	vst v63  }
0x2ed: {  	v3 =	vld [tilespmem:$0xC0];
	_ =	sdelay $0x4  }
0x2ee: {  	v60 =	vshll.u32 v3, $0x1  }
0x2ef: {  	v3 =	vand.u32 $0x7, v3;
	v4 =	vand.u32 $0xFFFFFFF0, v60  }
0x2f0: {  	v3 =	vor.u32 v3, v4  }
0x2f1: {  	v4 =	vperm.xlane v3, v0;
	_ =	sdelay $0x1  }
0x2f2: {  	v3 =	vperm.xlane v3, v2;
	v4 =	vadd.s32 v1, v4;
	_ =	sdelay $0x1  }
0x2f3: {  	v3 =	vadd.s32 v1, v3;
	_ =	sdelay $0x1  }
0x2f4: {  	s30 =	simm.s32 $0xC100  }
0x2f5: {  	[tilespmem:s30], [sflag:$0x2] =	stream.indirect_vreg.gather [hbm4b:s4+s2], $0x80, v4, vm0, $0xb8;
	[tilespmem:$0x10100] =	vst v63  }
0x2f6: {  	s25 =	simm.s32 $0xC900  }
0x2f7: {  	[tilespmem:s25], [sflag:$0x2] =	stream.indirect_vreg.gather [hbm4b:s4+s2], $0x80, v3, vm0, $0xb8;
	[tilespmem:$0x10100] =	vst v63  }
0x2f8: {  	v3 =	vld [tilespmem:$0xD0];
	_ =	sdelay $0x4  }
0x2f9: {  	v61 =	vshll.u32 v3, $0x1  }
0x2fa: {  	v3 =	vand.u32 $0x7, v3;
	v4 =	vand.u32 $0xFFFFFFF0, v61  }
0x2fb: {  	v3 =	vor.u32 v3, v4  }
0x2fc: {  	v4 =	vperm.xlane v3, v0;
	_ =	sdelay $0x1  }
0x2fd: {  	v3 =	vperm.xlane v3, v2;
	v4 =	vadd.s32 v1, v4;
	_ =	sdelay $0x1  }
0x2fe: {  	v3 =	vadd.s32 v1, v3;
	_ =	sdelay $0x1  }
0x2ff: {  	s20 =	simm.s32 $0xD100  }
0x300: {  	[tilespmem:s20], [sflag:$0x2] =	stream.indirect_vreg.gather [hbm4b:s4+s2], $0x80, v4, vm0, $0xb8;
	[tilespmem:$0x10100] =	vst v63  }
0x301: {  	s28 =	simm.s32 $0xD900  }
0x302: {  	[tilespmem:s28], [sflag:$0x2] =	stream.indirect_vreg.gather [hbm4b:s4+s2], $0x80, v3, vm0, $0xb8;
	[tilespmem:$0x10100] =	vst v63  }
0x303: {  	v3 =	vld [tilespmem:$0xE0];
	_ =	sdelay $0x4  }
0x304: {  	v62 =	vshll.u32 v3, $0x1  }
0x305: {  	v3 =	vand.u32 $0x7, v3;
	v4 =	vand.u32 $0xFFFFFFF0, v62  }
0x306: {  	v3 =	vor.u32 v3, v4  }
0x307: {  	v4 =	vperm.xlane v3, v0;
	_ =	sdelay $0x1  }
0x308: {  	v3 =	vperm.xlane v3, v2;
	v4 =	vadd.s32 v1, v4;
	_ =	sdelay $0x1  }
0x309: {  	v3 =	vadd.s32 v1, v3;
	_ =	sdelay $0x1  }
0x30a: {  	s21 =	simm.s32 $0xE100  }
0x30b: {  	[tilespmem:s21], [sflag:$0x2] =	stream.indirect_vreg.gather [hbm4b:s4+s2], $0x80, v4, vm0, $0xb8;
	[tilespmem:$0x10100] =	vst v63  }
0x30c: {  	s29 =	simm.s32 $0xE900  }
0x30d: {  	[tilespmem:s29], [sflag:$0x2] =	stream.indirect_vreg.gather [hbm4b:s4+s2], $0x80, v3, vm0, $0xb8;
	[tilespmem:$0x10100] =	vst v63  }
0x30e: {  	v3 =	vld [tilespmem:$0xF0];
	_ =	sdelay $0x4  }
0x30f: {  	v63 =	vshll.u32 v3, $0x1  }
0x310: {  	v3 =	vand.u32 $0x7, v3;
	v4 =	vand.u32 $0xFFFFFFF0, v63  }
0x311: {  	v3 =	vor.u32 v3, v4  }
0x312: {  	v4 =	vperm.xlane v3, v0;
	_ =	sdelay $0x1  }
0x313: {  	v3 =	vperm.xlane v3, v2;
	v4 =	vadd.s32 v1, v4;
	_ =	sdelay $0x1  }
0x314: {  	v3 =	vadd.s32 v1, v3;
	_ =	sdelay $0x1  }
0x315: {  	s22 =	simm.s32 $0xF100  }
0x316: {  	[tilespmem:s22], [sflag:$0x2] =	stream.indirect_vreg.gather [hbm4b:s4+s2], $0x80, v4, vm0, $0xb8;
	[tilespmem:$0x10100] =	vst v63  }
0x317: {  	s31 =	simm.s32 $0xF900  }
0x318: {  	[tilespmem:s31], [sflag:$0x2] =	stream.indirect_vreg.gather [hbm4b:s4+s2], $0x80, v3, vm0, $0xb8;
	[tilespmem:$0x10100] =	vst v63  }
0x319: {  	_ =	swait.ge [sflag:s15], $0x8000  }
0x31a: {  	[sflag:s15] =	ssyncset.done $0x0  }
0x31b: {  	s30 =	rddreg [dreg:$0x11];
	[sflag:s15] =	ssyncadd.s32 $0xFFFF8000  }
0x31c: {  	[hbm4b:s30+s2] =	stream.linear.scatter [tilespmem:s26], [sflag:$0x3], $0x8000, $0x38;
	[tilespmem:$0x10100] =	vst v63  }
0x31d: {  	_ =	swait.ge [sflag:s17], $0x8000  }
0x31e: {  	[sflag:s17] =	ssyncset.done $0x0  }
0x31f: {  	s31 =	rddreg [dreg:$0x12];
	[sflag:s17] =	ssyncadd.s32 $0xFFFF8000  }
0x320: {  	[hbm4b:s31+s2] =	stream.linear.scatter [tilespmem:s24], [sflag:$0x4], $0x8000, $0x38;
	[tilespmem:$0x10100] =	vst v63  }
0x321: {  	p0 =	sne.s32 s5, $0x1;
	_ =	swait.ge [sflag:s16], $0x8000  }
.Ltmp0:
0x322: {  	[sflag:s16] =	ssyncset.done $0x0;
	(pc) =	sbr.rel @p0 .LBB2_1-.Ltmp0, $4  }
0x323: {  	[sflag:s16] =	ssyncadd.s32 $0xFFFF8000  }
0x324: {  	_ =	swait.ge [sflag:s18], $0x8000  }
0x325: {  	[sflag:s18] =	ssyncset.done $0x0  }
0x326: {  	s5 =	sadd.s32 $0xFFFFFFFF, s5;
	[sflag:s18] =	ssyncadd.s32 $0xFFFF8000  }
0x327: {  	_ =	sfence.sel $0x180000  }
0x328: {  	[bflag:$0x0] =	sbarrier.arrive $0xFFFF  }
0x329: {  	_ =	strace $0x90000047  }
0x32a: {  	s0 =	stileid.u32;
	[bflag:$0x2] =	sbarrier.arrive $0xFFFF  }
0x32b: {  	p0 =	sne.s32 s0, $0x0;
	s0 =	rddreg [dreg:$0x2]  }
0x32c: {  	s0 =	sadd.s32 @!p0 $0x100000, s0  }
0x32d: {  	[sflag:s0] =	ssyncadd.tile.s32 @!p0 $0x1;
	_ =	shalt  }
.Lfunc_end2:
_tile_overlayer_lowered:
.L_overlay_start_2:
0x32e: {  	(tag) =	ssettag $0x2  }
0x32f: {  	s0 =	rddreg [dreg:$0x0];
	s2 =	stileid.u32  }
0x330: {  	s1 =	rddreg [dreg:$0x1];
	p0 =	sne.s32 s2, $0x0  }
0x331: {  	s3 =	rddreg [dreg:$0x2];
	[bflag:$0x3] =	sbarrier.arrive $0xFFFF;
	s2 =	simm.s32 @!p0 $0x1C05  }
0x332: {  	[timem:s3], [sflag:s2] =	dma.local @!p0 [hbm:s0], s1  }
0x333: {  	s0 =	simm.s32 @!p0 $0x5  }
0x334: {  	_ =	swait.ge @!p0 [sflag:s0], s1  }
0x335: {  	s1 =	ssub.s32 @!p0 $0x0, s1;
	[sflag:s0] =	ssyncset.done @!p0 $0x0  }
0x336: {  	[sflag:s0] =	ssyncadd.s32 @!p0 s1  }
0x337: {  	[bflag:$0x3] =	sbarrier.arrive $0xFFFF  }
0x338: {  	_ =	shalt  }

</sc_bundles>
